<compile_context>
chip_gen: v7x
topology: tpu7x:2x2x1
jax: 0.10.2.dev20260603
libtpu: 0.0.44.dev20260713+nightly
codegen_flags: <defaults>
</compile_context>

<pallas_src>
import functools

import jax
import jax.numpy as jnp
from jax import lax
from jax.experimental import pallas as pl
from jax.experimental.pallas import tpu as pltpu
from jax.experimental.pallas import tpu_sc as plsc

_N = 100000
_E = 6400000
_NC = 2
_NS = 16
_NW = _NC * _NS
_EPW = _E // _NW
_K = 2000
_NCHUNK = _EPW // _K
_G = _K // 16
_KA = 1024
_GA = _KA // 16
_NBLK = _KA // 128
_CHUNKS_AB = _E // _KA
_ITERS_AB = (_CHUNKS_AB + _NW - 1) // _NW
_KD = 2560
_GD = _KD // 16
_CHUNKS_D = _E // _KD
_ITERS_D = (_CHUNKS_D + _NW - 1) // _NW
_ITERS_D += _ITERS_D % 2
_RPT = _N // _NS
_ASTRIPE = 6256

_R = 2000
_GRID = _N // _R

_mesh = plsc.VectorSubcoreMesh(core_axis_name="c", subcore_axis_name="s")


def _splat_i32(c):
    return jnp.full((16,), c, jnp.int32)


def _edge_ab_body(tbl_hbm, ei_hbm, ea_hbm, z8_hbm, out_hbm,
                  rows0, rows1, cols0, cols1, ax0, ax1, ay0, ay1, az0, az1,
                  arow0, arow1, acol0, acol1, con0, con1, sr0, sr1, acc_sh,
                  sem_l, sem_g, sem_s):
    cid = lax.axis_index("c")
    sid = lax.axis_index("s")
    wid = cid * _NS + sid
    rows = (rows0, rows1)
    cols = (cols0, cols1)
    axv = (ax0, ax1)
    ayv = (ay0, ay1)
    azv = (az0, az1)
    arow = (arow0, arow1)
    acol = (acol0, acol1)
    con = (con0, con1)
    srows = (sr0, sr1)

    pltpu.sync_copy(z8_hbm, acc_sh.at[pl.ds(sid * _RPT, _RPT)])
    pltpu.sync_copy(z8_hbm.at[pl.ds(0, _KA)], con0)
    pltpu.sync_copy(z8_hbm.at[pl.ds(0, _KA)], con1)
    plsc.subcore_barrier()

    lane = lax.iota(jnp.int32, 16)

    def lin_issue(c, q):
        pltpu.async_copy(ei_hbm.at[pl.ds(c * _KA, _KA)], rows[q], sem_l)
        pltpu.async_copy(ei_hbm.at[pl.ds(_E + c * _KA, _KA)], cols[q], sem_l)
        pltpu.async_copy(ea_hbm.at[pl.ds(c * _NBLK, _NBLK), 0], axv[q], sem_l)
        pltpu.async_copy(ea_hbm.at[pl.ds(c * _NBLK, _NBLK), 1], ayv[q], sem_l)
        pltpu.async_copy(ea_hbm.at[pl.ds(c * _NBLK, _NBLK), 2], azv[q], sem_l)

    def lin_wait(c, q):
        pltpu.make_async_copy(ei_hbm.at[pl.ds(c * _KA, _KA)], rows[q],
                              sem_l).wait()
        pltpu.make_async_copy(ei_hbm.at[pl.ds(_E + c * _KA, _KA)], cols[q],
                              sem_l).wait()
        pltpu.make_async_copy(ea_hbm.at[pl.ds(c * _NBLK, _NBLK), 0], axv[q],
                              sem_l).wait()
        pltpu.make_async_copy(ea_hbm.at[pl.ds(c * _NBLK, _NBLK), 1], ayv[q],
                              sem_l).wait()
        pltpu.make_async_copy(ea_hbm.at[pl.ds(c * _NBLK, _NBLK), 2], azv[q],
                              sem_l).wait()

    def gat_issue(q):
        pltpu.async_copy(tbl_hbm.at[rows[q]], arow[q], sem_g)
        pltpu.async_copy(tbl_hbm.at[cols[q]], acol[q], sem_g)

    def gat_wait(q):
        pltpu.make_async_copy(tbl_hbm.at[rows[q]], arow[q], sem_g).wait()
        pltpu.make_async_copy(tbl_hbm.at[cols[q]], acol[q], sem_g).wait()

    ci0 = wid

    @pl.when(ci0 < _CHUNKS_AB)
    def _():
        lin_issue(ci0, 0)
        lin_wait(ci0, 0)
        gat_issue(0)

    def sub(p, i):
        q = 1 - p
        ci = wid + i * _NW
        cn = ci + _NW

        @pl.when(cn < _CHUNKS_AB)
        def _():
            lin_issue(cn, q)

        @pl.when(cn < _CHUNKS_AB)
        def _():
            lin_wait(cn, q)

        @pl.when(ci < _CHUNKS_AB)
        def _():
            gat_wait(p)

        @pl.when(cn < _CHUNKS_AB)
        def _():
            gat_issue(q)

        @pl.when(ci < _CHUNKS_AB)
        def _():
            def grp(g, carry2):
                idx = g * 16 + lane
                b = g >> 3
                m = (g & 7) * 16

                def ld(ref, c):
                    return plsc.load_gather(ref, [idx, _splat_i32(c)])

                phir = ld(arow[p], 0)
                pxr = ld(arow[p], 1)
                pyr = ld(arow[p], 2)
                pzr = ld(arow[p], 3)
                phic = ld(acol[p], 0)
                pxc = ld(acol[p], 1)
                pyc = ld(acol[p], 2)
                pzc = ld(acol[p], 3)
                ax = axv[p][b, pl.ds(m, 16)]
                ay = ayv[p][b, pl.ds(m, 16)]
                az = azv[p][b, pl.ds(m, 16)]

                fd = phic - phir
                sa = ax * ax + ay * ay + az * az
                wa = fd / jnp.maximum(sa, 1e-16)
                rx = pxc - pxr
                ry = pyc - pyr
                rz = pzc - pzr
                sb = rx * rx + ry * ry + rz * rz
                wb = fd / jnp.maximum(sb, 1e-16)

                def st(c, val):
                    plsc.store_scatter(con[p], [idx, _splat_i32(c)], val)

                st(0, wa * ax)
                st(1, wa * ay)
                st(2, wa * az)
                st(3, wb * rx)
                st(4, wb * ry)
                st(5, wb * rz)
                st(6, jnp.full((16,), 1.0, jnp.float32))
                srows[p][pl.ds(g * 16, 16)] = rows[p][pl.ds(g * 16, 16)]
                return carry2

            lax.fori_loop(0, _GA, grp, 0)

            @pl.when(ci - _NW >= 0)
            def _():
                pltpu.make_async_copy(con[q], acc_sh.at[srows[q]],
                                      sem_s).wait()

            pltpu.async_copy(con[p], acc_sh.at[srows[p]], sem_s, add=True)

    def pair(j, carry):
        sub(0, j * 2)
        sub(1, j * 2 + 1)
        return carry

    lax.fori_loop(0, _ITERS_AB // 2, pair, 0)
    pltpu.make_async_copy(con0, acc_sh.at[sr0], sem_s).wait()
    plsc.subcore_barrier()
    pltpu.sync_copy(acc_sh.at[pl.ds(sid * _RPT, _RPT)],
                    out_hbm.at[pl.ds(cid * _N + sid * _RPT, _RPT)])


_edge_ab = functools.partial(
    pl.kernel,
    out_type=jax.ShapeDtypeStruct((2 * _N, 8), jnp.float32),
    mesh=_mesh,
    compiler_params=pltpu.CompilerParams(use_tc_tiling_on_sc=False, needs_layout_passes=False),
    scratch_types=[
        pltpu.VMEM((_KA,), jnp.int32),
        pltpu.VMEM((_KA,), jnp.int32),
        pltpu.VMEM((_KA,), jnp.int32),
        pltpu.VMEM((_KA,), jnp.int32),
        pltpu.VMEM((_NBLK, 128), jnp.float32),
        pltpu.VMEM((_NBLK, 128), jnp.float32),
        pltpu.VMEM((_NBLK, 128), jnp.float32),
        pltpu.VMEM((_NBLK, 128), jnp.float32),
        pltpu.VMEM((_NBLK, 128), jnp.float32),
        pltpu.VMEM((_NBLK, 128), jnp.float32),
        pltpu.VMEM((_KA, 8), jnp.float32),
        pltpu.VMEM((_KA, 8), jnp.float32),
        pltpu.VMEM((_KA, 8), jnp.float32),
        pltpu.VMEM((_KA, 8), jnp.float32),
        pltpu.VMEM((_KA, 8), jnp.float32),
        pltpu.VMEM((_KA, 8), jnp.float32),
        pltpu.VMEM((_KA,), jnp.int32),
        pltpu.VMEM((_KA,), jnp.int32),
        pltpu.VMEM_SHARED((_N, 8), jnp.float32),
        pltpu.SemaphoreType.DMA,
        pltpu.SemaphoreType.DMA,
        pltpu.SemaphoreType.DMA,
    ],
)(_edge_ab_body)


def _edge_div_body(tbl_hbm, ei_hbm, z1_hbm, out_hbm,
                   rows0, rows1, cols0, cols1, arow0, arow1, acol0, acol1,
                   con0, con1, sr0, sr1, acc_sh, sem_l, sem_g, sem_s):
    cid = lax.axis_index("c")
    sid = lax.axis_index("s")
    wid = cid * _NS + sid
    rows = (rows0, rows1)
    cols = (cols0, cols1)
    arow = (arow0, arow1)
    acol = (acol0, acol1)
    con = (con0, con1)
    srows = (sr0, sr1)

    astart = pl.multiple_of(((sid * _RPT) >> 3) << 3, 8)
    pltpu.sync_copy(z1_hbm.at[pl.ds(0, _ASTRIPE)],
                    acc_sh.at[pl.ds(astart, _ASTRIPE)])
    plsc.subcore_barrier()

    lane = lax.iota(jnp.int32, 16)

    def lin_issue(c, q):
        pltpu.async_copy(ei_hbm.at[pl.ds(c * _KD, _KD)], rows[q], sem_l)
        pltpu.async_copy(ei_hbm.at[pl.ds(_E + c * _KD, _KD)], cols[q], sem_l)

    def lin_wait(c, q):
        pltpu.make_async_copy(ei_hbm.at[pl.ds(c * _KD, _KD)], rows[q],
                              sem_l).wait()
        pltpu.make_async_copy(ei_hbm.at[pl.ds(_E + c * _KD, _KD)], cols[q],
                              sem_l).wait()

    def gat_issue(q):
        pltpu.async_copy(tbl_hbm.at[rows[q]], arow[q], sem_g)
        pltpu.async_copy(tbl_hbm.at[cols[q]], acol[q], sem_g)

    def gat_wait(q):
        pltpu.make_async_copy(tbl_hbm.at[rows[q]], arow[q], sem_g).wait()
        pltpu.make_async_copy(tbl_hbm.at[cols[q]], acol[q], sem_g).wait()

    ci0 = wid

    @pl.when(ci0 < _CHUNKS_D)
    def _():
        lin_issue(ci0, 0)
        lin_wait(ci0, 0)
        gat_issue(0)

    def sub(p, i):
        q = 1 - p
        ci = wid + i * _NW
        cn = ci + _NW

        @pl.when(cn < _CHUNKS_D)
        def _():
            lin_issue(cn, q)

        @pl.when(cn < _CHUNKS_D)
        def _():
            lin_wait(cn, q)

        @pl.when(ci < _CHUNKS_D)
        def _():
            gat_wait(p)

        @pl.when(cn < _CHUNKS_D)
        def _():
            gat_issue(q)

        @pl.when(ci < _CHUNKS_D)
        def _():
            def grp(g, carry2):
                idx = g * 16 + lane

                def ld(ref, c):
                    return plsc.load_gather(ref, [idx, _splat_i32(c)])

                nxr = ld(arow[p], 0)
                nyr = ld(arow[p], 1)
                nzr = ld(arow[p], 2)
                pxr = ld(arow[p], 3)
                pyr = ld(arow[p], 4)
                pzr = ld(arow[p], 5)
                nxc = ld(acol[p], 0)
                nyc = ld(acol[p], 1)
                nzc = ld(acol[p], 2)
                pxc = ld(acol[p], 3)
                pyc = ld(acol[p], 4)
                pzc = ld(acol[p], 5)

                rx = pxc - pxr
                ry = pyc - pyr
                rz = pzc - pzr
                sb = rx * rx + ry * ry + rz * rz
                ii = plsc.bitcast(sb, jnp.int32)
                ii = jnp.int32(0x5F3759DF) - (ii >> 1)
                y = plsc.bitcast(ii, jnp.float32)
                y = y * (1.5 - 0.5 * sb * y * y)
                y = y * (1.5 - 0.5 * sb * y * y)
                dist = sb * y
                den = jnp.maximum(dist, 1e-8) + 1e-8
                num = ((nxc - nxr) * rx + (nyc - nyr) * ry
                       + (nzc - nzr) * rz)
                con[p][pl.ds(g * 16, 16)] = num / den
                srows[p][pl.ds(g * 16, 16)] = rows[p][pl.ds(g * 16, 16)]
                return carry2

            lax.fori_loop(0, _GD, grp, 0)

            @pl.when(ci - _NW >= 0)
            def _():
                pltpu.make_async_copy(con[q], acc_sh.at[srows[q]],
                                      sem_s).wait()

            pltpu.async_copy(con[p], acc_sh.at[srows[p]], sem_s, add=True)

    def pair(j, carry):
        sub(0, j * 2)
        sub(1, j * 2 + 1)
        return carry

    lax.fori_loop(0, _ITERS_D // 2, pair, 0)
    pltpu.make_async_copy(con0, acc_sh.at[sr0], sem_s).wait()
    plsc.subcore_barrier()
    astart2 = pl.multiple_of(((sid * _RPT) >> 3) << 3, 8)
    pltpu.sync_copy(acc_sh.at[pl.ds(astart2, _ASTRIPE)],
                    out_hbm.at[pl.ds(cid * _N + astart2, _ASTRIPE)])


_edge_div = functools.partial(
    pl.kernel,
    out_type=jax.ShapeDtypeStruct((2 * _N,), jnp.float32),
    mesh=_mesh,
    compiler_params=pltpu.CompilerParams(use_tc_tiling_on_sc=False, needs_layout_passes=False),
    scratch_types=[
        pltpu.VMEM((_KD,), jnp.int32),
        pltpu.VMEM((_KD,), jnp.int32),
        pltpu.VMEM((_KD,), jnp.int32),
        pltpu.VMEM((_KD,), jnp.int32),
        pltpu.VMEM((_KD, 8), jnp.float32),
        pltpu.VMEM((_KD, 8), jnp.float32),
        pltpu.VMEM((_KD, 8), jnp.float32),
        pltpu.VMEM((_KD, 8), jnp.float32),
        pltpu.VMEM((_KD,), jnp.float32),
        pltpu.VMEM((_KD,), jnp.float32),
        pltpu.VMEM((_KD,), jnp.int32),
        pltpu.VMEM((_KD,), jnp.int32),
        pltpu.VMEM_SHARED((_N,), jnp.float32),
        pltpu.SemaphoreType.DMA,
        pltpu.SemaphoreType.DMA,
        pltpu.SemaphoreType.DMA,
    ],
)(_edge_div_body)


def _node_body(a0, a1, tbl, tblc, dinv, scal):
    i = pl.program_id(0)
    a = a0[...] + a1[...]
    deg = jnp.maximum(a[:, 6:7], 1.0)
    ga = a[:, 0:3] / deg
    gb = a[:, 3:6] / deg
    gan = jnp.sqrt(jnp.sum(ga * ga, axis=1, keepdims=True))
    gbn = jnp.maximum(jnp.sqrt(jnp.sum(gb * gb, axis=1, keepdims=True)), 1e-8)
    normal = gb / gbn
    phi = tbl[:, 0:1]
    pos = tbl[:, 1:4]
    phic = tbl[:, 4:5]
    tblc[...] = jnp.concatenate(
        [normal, pos, jnp.zeros_like(normal[:, 0:2])], axis=1)
    dinv[...] = 1.0 / deg
    mask = jnp.abs(phi) < 0.3
    isum = jnp.sum(jnp.where(mask, (gan - 1.0) ** 2, 0.0))
    icnt = jnp.sum(mask.astype(jnp.float32))
    vc = jnp.sum((phic > 0).astype(jnp.float32))
    vn = jnp.sum((phi > 0).astype(jnp.float32))
    lanes = lax.broadcasted_iota(jnp.int32, (1, 128), 1)
    part = (jnp.where(lanes == 0, isum, 0.0)
            + jnp.where(lanes == 1, icnt, 0.0)
            + jnp.where(lanes == 2, vc, 0.0)
            + jnp.where(lanes == 3, vn, 0.0))

    @pl.when(i == 0)
    def _():
        scal[...] = jnp.zeros_like(scal)

    scal[...] += part


def _loss_body(c0, c1, dinv, scal, tot):
    i = pl.program_id(0)
    curv = (c0[...] + c1[...]) * dinv[...]
    part = jnp.sum(curv * curv).reshape(1, 1)

    @pl.when(i == 0)
    def _():
        tot[...] = jnp.zeros_like(tot)

    tot[...] += part

    @pl.when(i == pl.num_programs(0) - 1)
    def _():
        s = tot[...][0, 0]
        sv = scal[...]
        isum = sv[0, 0]
        icnt = sv[0, 1]
        vc = sv[0, 2]
        vn = sv[0, 3]
        interface = jnp.where(icnt > 0, isum / jnp.maximum(icnt, 1.0), 0.0)
        vol = ((vn - vc) / (vc + 1e-8)) ** 2
        total = interface + 0.1 * (s / _N) + 0.01 * vol
        tot[...] = total.reshape(1, 1)


def kernel(pred, target, x, pos, edge_index, edge_attr):
    phi_c = x[:, 8]
    phi = phi_c + pred[:, 5]
    zeros3 = jnp.zeros((_N, 3), jnp.float32)
    tbl1 = jnp.concatenate(
        [phi[:, None], pos, phi_c[:, None], zeros3], axis=1)
    ei1d = edge_index.reshape(2 * _E)
    ea_r = edge_attr.T.reshape(4, _E // 128, 128).transpose(1, 0, 2)
    z8 = jnp.zeros((_RPT, 8), jnp.float32)
    z1 = jnp.zeros((_ASTRIPE,), jnp.float32)

    acc2 = _edge_ab(tbl1, ei1d, ea_r, z8)

    tblc, dinv, scal = pl.pallas_call(
        _node_body,
        grid=(_GRID,),
        in_specs=[
            pl.BlockSpec((_R, 8), lambda i: (i, 0)),
            pl.BlockSpec((_R, 8), lambda i: (i + _GRID, 0)),
            pl.BlockSpec((_R, 8), lambda i: (i, 0)),
        ],
        out_specs=[
            pl.BlockSpec((_R, 8), lambda i: (i, 0)),
            pl.BlockSpec((_R, 1), lambda i: (i, 0)),
            pl.BlockSpec((1, 128), lambda i: (0, 0)),
        ],
        out_shape=[
            jax.ShapeDtypeStruct((_N, 8), jnp.float32),
            jax.ShapeDtypeStruct((_N, 1), jnp.float32),
            jax.ShapeDtypeStruct((1, 128), jnp.float32),
        ],
    )(acc2, acc2, tbl1)

    curv2 = _edge_div(tblc, ei1d, z1)
    curv2 = curv2.reshape(2 * _N, 1)

    tot = pl.pallas_call(
        _loss_body,
        grid=(_GRID,),
        in_specs=[
            pl.BlockSpec((_R, 1), lambda i: (i, 0)),
            pl.BlockSpec((_R, 1), lambda i: (i + _GRID, 0)),
            pl.BlockSpec((_R, 1), lambda i: (i, 0)),
            pl.BlockSpec((1, 128), lambda i: (0, 0)),
        ],
        out_specs=pl.BlockSpec((1, 1), lambda i: (0, 0)),
        out_shape=jax.ShapeDtypeStruct((1, 1), jnp.float32),
    )(curv2, curv2, dinv, scal)

    return tot[0, 0]

# --- scband reference (transcript-rebuilt; emitter-appended) ---
"""Pipeline reference for scband-free-surface-loss-20246475833446 (READ-ONLY COPY).

The authoritative reference and input builder live on the scoring server;
editing this copy changes nothing except your own understanding.
"""

import jax, jax.numpy as jnp
import numpy as np

N = 100000
E = 6400000


def compute_gradient(field, pos, edge_index, edge_attr=None):
    row, col = edge_index[0], edge_index[1]
    num_nodes = field.shape[0]
    field_diff = field[col] - field[row]
    if edge_attr is not None:
        rel_pos = edge_attr[:, :3]
    else:
        rel_pos = pos[col] - pos[row]
    dist = jnp.linalg.norm(rel_pos, axis=-1, keepdims=True)
    dist = jnp.clip(dist, 1e-08, None)
    grad_contribution = field_diff[:, None] / dist * (rel_pos / dist)
    gradient = jax.ops.segment_sum(grad_contribution, row, num_segments=num_nodes)
    degree = jax.ops.segment_sum(jnp.ones((row.shape[0],), dtype=field.dtype), row, num_segments=num_nodes)
    degree = jnp.clip(degree, 1.0, None)
    return gradient / degree[:, None]


def compute_divergence(vector_field, pos, edge_index):
    row, col = edge_index[0], edge_index[1]
    num_nodes = vector_field.shape[0]
    rel_pos = pos[col] - pos[row]
    dist = jnp.linalg.norm(rel_pos, axis=-1, keepdims=True)
    dist = jnp.clip(dist, 1e-08, None)
    field_diff = vector_field[col] - vector_field[row]
    div_contribution = jnp.sum(field_diff * rel_pos, axis=-1) / (dist[:, 0] + 1e-08)
    divergence = jax.ops.segment_sum(div_contribution, row, num_segments=num_nodes)
    degree = jax.ops.segment_sum(jnp.ones((row.shape[0],), dtype=vector_field.dtype), row, num_segments=num_nodes)
    degree = jnp.clip(degree, 1.0, None)
    return divergence / degree


def compute_curvature(level_set, pos, edge_index):
    grad_phi = compute_gradient(level_set, pos, edge_index)
    grad_norm = jnp.linalg.norm(grad_phi, axis=-1, keepdims=True)
    grad_norm = jnp.clip(grad_norm, 1e-08, None)
    normal = grad_phi / grad_norm
    return compute_divergence(normal, pos, edge_index)


def setup_inputs(seed: int = 0):
    key = jax.random.key(seed)
    k1, k2, k3, k4, k5, k6 = jax.random.split(key, 6)
    pred = jax.random.normal(k1, (N, 6), dtype=jnp.float32)
    target = jax.random.normal(k2, (N, 6), dtype=jnp.float32)
    x = jax.random.normal(k3, (N, 16), dtype=jnp.float32)
    pos = jax.random.normal(k4, (N, 3), dtype=jnp.float32)
    edge_index = jax.random.randint(k5, (2, E), 0, N, dtype=jnp.int32)
    edge_attr = jax.random.normal(k6, (E, 4), dtype=jnp.float32)
    return {"pred": pred, "target": target, "x": x, "pos": pos, "edge_index": edge_index, "edge_attr": edge_attr}


def reference(pred, target, x, pos, edge_index, edge_attr):
    interface_weight = 1.0
    smoothness_weight = 0.1
    phi_current = x[:, 8]
    phi_next = phi_current + pred[:, 5]
    phi_target = phi_current + target[:, 5]  # computed but unused, as in original
    grad_phi = compute_gradient(phi_next, pos, edge_index, edge_attr)
    grad_norm = jnp.linalg.norm(grad_phi, axis=-1)
    interface_mask = jnp.abs(phi_next) < 0.3
    cnt = jnp.sum(interface_mask)
    interface_loss = jnp.where(
        cnt > 0,
        jnp.sum(jnp.where(interface_mask, (grad_norm - 1.0) ** 2, 0.0)) / jnp.maximum(cnt, 1).astype(jnp.float32),
        0.0,
    )
    curvature = compute_curvature(phi_next, pos, edge_index)
    smoothness_loss = jnp.mean(curvature ** 2)
    volume_current = jnp.sum(phi_current > 0).astype(jnp.float32)
    volume_next = jnp.sum(phi_next > 0).astype(jnp.float32)
    volume_loss = ((volume_next - volume_current) / (volume_current + 1e-08)) ** 2
    total_loss = interface_weight * interface_loss + smoothness_weight * smoothness_loss + 0.01 * volume_loss
    return total_loss

if __name__ == "__main__":
    import jax
    _d = setup_inputs()
    print(jax.jit(kernel)(*tuple(_d.values())))

</pallas_src>

<mosaic_0001>
#map = affine_map<(d0, d1) -> (0, 0)>
#map1 = affine_map<(d0, d1) -> (0)>
module attributes {stable_mosaic.version = 14 : i64} {
  func.func @_edge_div_body(%arg0: i32, %arg1: i32, %arg2: memref<100000x8xf32, #tpu.memory_space<hbm>>, %arg3: memref<12800000xi32, #tpu.memory_space<hbm>>, %arg4: memref<6256xf32, #tpu.memory_space<hbm>>, %arg5: memref<200000xf32, #tpu.memory_space<hbm>>, %arg6: memref<2560xi32, #tpu.memory_space<vmem>>, %arg7: memref<2560xi32, #tpu.memory_space<vmem>>, %arg8: memref<2560xi32, #tpu.memory_space<vmem>>, %arg9: memref<2560xi32, #tpu.memory_space<vmem>>, %arg10: memref<2560x8xf32, #tpu.memory_space<vmem>>, %arg11: memref<2560x8xf32, #tpu.memory_space<vmem>>, %arg12: memref<2560x8xf32, #tpu.memory_space<vmem>>, %arg13: memref<2560x8xf32, #tpu.memory_space<vmem>>, %arg14: memref<2560xf32, #tpu.memory_space<vmem>>, %arg15: memref<2560xf32, #tpu.memory_space<vmem>>, %arg16: memref<2560xi32, #tpu.memory_space<vmem>>, %arg17: memref<2560xi32, #tpu.memory_space<vmem>>, %arg18: memref<100000xf32, #tpu.memory_space<vmem_shared>>, %arg19: memref<!tpu.dma_semaphore, #tpu.memory_space<semaphore_mem>>, %arg20: memref<!tpu.dma_semaphore, #tpu.memory_space<semaphore_mem>>, %arg21: memref<!tpu.dma_semaphore, #tpu.memory_space<semaphore_mem>>) attributes {dimension_semantics = [#tpu.dimension_semantics<core_parallel>, #tpu.dimension_semantics<subcore_parallel>], iteration_bounds = array<i64: 2, 16>, scalar_prefetch = 0 : i64, scratch_operands = 16 : i64, tpu.core_type = #tpu.core_type<sc_vector_subcore>, window_params = [{transform_indices = #map}, {transform_indices = #map1}, {transform_indices = #map1}, {transform_indices = #map1}]} {
    %mul3A = arith.constant 16 : i32
    %mul3A_0 = arith.muli %arg0, %mul3A : i32
    %add3A = arith.addi %mul3A_0, %arg1 : i32
    %mul3A_1 = arith.constant 6250 : i32
    %mul3A_2 = arith.muli %arg1, %mul3A_1 : i32
    %shift_right_arithmetic3A = arith.constant 3 : i32
    %shift_right_arithmetic3A_3 = arith.shrsi %mul3A_2, %shift_right_arithmetic3A : i32
    %shift_left3A = arith.constant 3 : i32
    %shift_left3A_4 = arith.shli %shift_right_arithmetic3A_3, %shift_left3A : i32
    %multiple_of3A = tpu.assume_multiple %shift_left3A_4, 8 : i32
    "tpu.region"() ({
      %run_scoped3A = tpu.sem_alloc : memref<!tpu.dma_semaphore, #tpu.memory_space<semaphore_mem>>
      %dma_start3A = tpu.memref_slice %arg18[%multiple_of3A] : memref<100000xf32, #tpu.memory_space<vmem_shared>> -> memref<6256xf32, #tpu.memory_space<vmem_shared>>
      %dma_start3A_24 = arith.constant 0 : i32
      %dma_start3A_25 = tpu.memref_slice %arg4[%dma_start3A_24] : memref<6256xf32, #tpu.memory_space<hbm>> -> memref<6256xf32, #tpu.memory_space<hbm>>
      tpu.enqueue_dma source(%dma_start3A_25 : memref<6256xf32, #tpu.memory_space<hbm>>) target(%dma_start3A : memref<6256xf32, #tpu.memory_space<vmem_shared>>) target_semaphore(%run_scoped3A : memref<!tpu.dma_semaphore, #tpu.memory_space<semaphore_mem>>)
      %dma_wait3A_26 = tpu.memref_slice %arg18[%multiple_of3A] : memref<100000xf32, #tpu.memory_space<vmem_shared>> -> memref<6256xf32, #tpu.memory_space<vmem_shared>>
      %dma_wait3A_27 = arith.constant 0 : i32
      %dma_wait3A_28 = tpu.memref_slice %arg4[%dma_wait3A_27] : memref<6256xf32, #tpu.memory_space<hbm>> -> memref<6256xf32, #tpu.memory_space<hbm>>
      tpu.wait_dma2 semaphore(%run_scoped3A : memref<!tpu.dma_semaphore, #tpu.memory_space<semaphore_mem>>) src(%dma_wait3A_28 : memref<6256xf32, #tpu.memory_space<hbm>>) dst(%dma_wait3A_26 : memref<6256xf32, #tpu.memory_space<vmem_shared>>)
      tpu.yield
    }) : () -> ()
    %barrier3A = arith.constant 0 : index
    tpu.barrier barrier_id(%barrier3A)
    %iota3A = tpu.iota {dimensions = array<i32: 0>} : vector<16xi32>
    %lt3A = arith.constant 2500 : i32
    %lt3A_5 = arith.cmpi slt, %add3A, %lt3A : i32
    %convert_element_type3A = arith.extui %lt3A_5 : i1 to i32
    %cond3A = arith.constant 0 : i32
    %cond3A_6 = arith.cmpi ne, %convert_element_type3A, %cond3A : i32
    scf.if %cond3A_6 {
      %mul3A_24 = arith.constant 2560 : i32
      %mul3A_25 = arith.muli %add3A, %mul3A_24 : i32
      %dma_start3A = tpu.memref_slice %arg3[%mul3A_25] : memref<12800000xi32, #tpu.memory_space<hbm>> -> memref<2560xi32, #tpu.memory_space<hbm>>
      %dma_start3A_26 = tpu.memref_slice %arg3[%mul3A_25] : memref<12800000xi32, #tpu.memory_space<hbm>> -> memref<2560xi32, #tpu.memory_space<hbm>>
      tpu.enqueue_dma source(%dma_start3A_26 : memref<2560xi32, #tpu.memory_space<hbm>>) target(%arg6 : memref<2560xi32, #tpu.memory_space<vmem>>) target_semaphore(%arg19 : memref<!tpu.dma_semaphore, #tpu.memory_space<semaphore_mem>>)
      %mul3A_27 = arith.constant 2560 : i32
      %mul3A_28 = arith.muli %add3A, %mul3A_27 : i32
      %add3A_29 = arith.constant 6400000 : i32
      %add3A_30 = arith.addi %add3A_29, %mul3A_28 : i32
      %dma_start3A_31 = tpu.memref_slice %arg3[%add3A_30] : memref<12800000xi32, #tpu.memory_space<hbm>> -> memref<2560xi32, #tpu.memory_space<hbm>>
      %dma_start3A_32 = tpu.memref_slice %arg3[%add3A_30] : memref<12800000xi32, #tpu.memory_space<hbm>> -> memref<2560xi32, #tpu.memory_space<hbm>>
      tpu.enqueue_dma source(%dma_start3A_32 : memref<2560xi32, #tpu.memory_space<hbm>>) target(%arg8 : memref<2560xi32, #tpu.memory_space<vmem>>) target_semaphore(%arg19 : memref<!tpu.dma_semaphore, #tpu.memory_space<semaphore_mem>>)
      %mul3A_33 = arith.constant 2560 : i32
      %mul3A_34 = arith.muli %add3A, %mul3A_33 : i32
      %dma_wait3A_35 = tpu.memref_slice %arg3[%mul3A_34] : memref<12800000xi32, #tpu.memory_space<hbm>> -> memref<2560xi32, #tpu.memory_space<hbm>>
      %dma_wait3A_36 = tpu.memref_slice %arg3[%mul3A_34] : memref<12800000xi32, #tpu.memory_space<hbm>> -> memref<2560xi32, #tpu.memory_space<hbm>>
      tpu.wait_dma2 semaphore(%arg19 : memref<!tpu.dma_semaphore, #tpu.memory_space<semaphore_mem>>) src(%dma_wait3A_36 : memref<2560xi32, #tpu.memory_space<hbm>>) dst(%arg6 : memref<2560xi32, #tpu.memory_space<vmem>>)
      %mul3A_37 = arith.constant 2560 : i32
      %mul3A_38 = arith.muli %add3A, %mul3A_37 : i32
      %add3A_39 = arith.constant 6400000 : i32
      %add3A_40 = arith.addi %add3A_39, %mul3A_38 : i32
      %dma_wait3A_41 = tpu.memref_slice %arg3[%add3A_40] : memref<12800000xi32, #tpu.memory_space<hbm>> -> memref<2560xi32, #tpu.memory_space<hbm>>
      %dma_wait3A_42 = tpu.memref_slice %arg3[%add3A_40] : memref<12800000xi32, #tpu.memory_space<hbm>> -> memref<2560xi32, #tpu.memory_space<hbm>>
      tpu.wait_dma2 semaphore(%arg19 : memref<!tpu.dma_semaphore, #tpu.memory_space<semaphore_mem>>) src(%dma_wait3A_42 : memref<2560xi32, #tpu.memory_space<hbm>>) dst(%arg8 : memref<2560xi32, #tpu.memory_space<vmem>>)
      %dma_start3A_43 = arith.constant 0 : i32
      %dma_start3A_44 = arith.constant 0 : i32
      %dma_start3A_45 = tpu.memref_slice %arg2[%dma_start3A_43, %dma_start3A_44] : memref<100000x8xf32, #tpu.memory_space<hbm>> -> memref<100000x8xf32, #tpu.memory_space<hbm>>
      tpu.enqueue_indirect_dma source(%dma_start3A_45 : memref<100000x8xf32, #tpu.memory_space<hbm>>) target(%arg10 : memref<2560x8xf32, #tpu.memory_space<vmem>>) offsets(%arg6 : memref<2560xi32, #tpu.memory_space<vmem>>) semaphore(%arg20 : memref<!tpu.dma_semaphore, #tpu.memory_space<semaphore_mem>>)
      %dma_start3A_46 = arith.constant 0 : i32
      %dma_start3A_47 = arith.constant 0 : i32
      %dma_start3A_48 = tpu.memref_slice %arg2[%dma_start3A_46, %dma_start3A_47] : memref<100000x8xf32, #tpu.memory_space<hbm>> -> memref<100000x8xf32, #tpu.memory_space<hbm>>
      tpu.enqueue_indirect_dma source(%dma_start3A_48 : memref<100000x8xf32, #tpu.memory_space<hbm>>) target(%arg12 : memref<2560x8xf32, #tpu.memory_space<vmem>>) offsets(%arg8 : memref<2560xi32, #tpu.memory_space<vmem>>) semaphore(%arg20 : memref<!tpu.dma_semaphore, #tpu.memory_space<semaphore_mem>>)
    } else {
    }
    %scan3A = arith.constant 0 : i32
    %scan3A_7 = arith.constant 0 : i32
    %scan3A_8 = arith.constant 40 : i32
    %scan3A_9 = arith.addi %scan3A_7, %scan3A_8 : i32
    %scan3A_10 = arith.constant 1 : i32
    scf.for %scan3A_24 = %scan3A_7 to %scan3A_9 step %scan3A_10  : i32 {
      %mul3A_25 = arith.constant 2 : i32
      %mul3A_26 = arith.muli %scan3A_24, %mul3A_25 : i32
      %mul3A_27 = arith.constant 32 : i32
      %mul3A_28 = arith.muli %mul3A_26, %mul3A_27 : i32
      %add3A_29 = arith.addi %add3A, %mul3A_28 : i32
      %add3A_30 = arith.constant 32 : i32
      %add3A_31 = arith.addi %add3A_29, %add3A_30 : i32
      %lt3A_32 = arith.constant 2500 : i32
      %lt3A_33 = arith.cmpi slt, %add3A_31, %lt3A_32 : i32
      %convert_element_type3A_34 = arith.extui %lt3A_33 : i1 to i32
      %cond3A_35 = arith.constant 0 : i32
      %cond3A_36 = arith.cmpi ne, %convert_element_type3A_34, %cond3A_35 : i32
      scf.if %cond3A_36 {
        %mul3A_91 = arith.constant 2560 : i32
        %mul3A_92 = arith.muli %add3A_31, %mul3A_91 : i32
        %dma_start3A = tpu.memref_slice %arg3[%mul3A_92] : memref<12800000xi32, #tpu.memory_space<hbm>> -> memref<2560xi32, #tpu.memory_space<hbm>>
        %dma_start3A_93 = tpu.memref_slice %arg3[%mul3A_92] : memref<12800000xi32, #tpu.memory_space<hbm>> -> memref<2560xi32, #tpu.memory_space<hbm>>
        tpu.enqueue_dma source(%dma_start3A_93 : memref<2560xi32, #tpu.memory_space<hbm>>) target(%arg7 : memref<2560xi32, #tpu.memory_space<vmem>>) target_semaphore(%arg19 : memref<!tpu.dma_semaphore, #tpu.memory_space<semaphore_mem>>)
        %mul3A_94 = arith.constant 2560 : i32
        %mul3A_95 = arith.muli %add3A_31, %mul3A_94 : i32
        %add3A_96 = arith.constant 6400000 : i32
        %add3A_97 = arith.addi %add3A_96, %mul3A_95 : i32
        %dma_start3A_98 = tpu.memref_slice %arg3[%add3A_97] : memref<12800000xi32, #tpu.memory_space<hbm>> -> memref<2560xi32, #tpu.memory_space<hbm>>
        %dma_start3A_99 = tpu.memref_slice %arg3[%add3A_97] : memref<12800000xi32, #tpu.memory_space<hbm>> -> memref<2560xi32, #tpu.memory_space<hbm>>
        tpu.enqueue_dma source(%dma_start3A_99 : memref<2560xi32, #tpu.memory_space<hbm>>) target(%arg9 : memref<2560xi32, #tpu.memory_space<vmem>>) target_semaphore(%arg19 : memref<!tpu.dma_semaphore, #tpu.memory_space<semaphore_mem>>)
      } else {
      }
      %lt3A_37 = arith.constant 2500 : i32
      %lt3A_38 = arith.cmpi slt, %add3A_31, %lt3A_37 : i32
      %convert_element_type3A_39 = arith.extui %lt3A_38 : i1 to i32
      %cond3A_40 = arith.constant 0 : i32
      %cond3A_41 = arith.cmpi ne, %convert_element_type3A_39, %cond3A_40 : i32
      scf.if %cond3A_41 {
        %mul3A_91 = arith.constant 2560 : i32
        %mul3A_92 = arith.muli %add3A_31, %mul3A_91 : i32
        %dma_wait3A_93 = tpu.memref_slice %arg3[%mul3A_92] : memref<12800000xi32, #tpu.memory_space<hbm>> -> memref<2560xi32, #tpu.memory_space<hbm>>
        %dma_wait3A_94 = tpu.memref_slice %arg3[%mul3A_92] : memref<12800000xi32, #tpu.memory_space<hbm>> -> memref<2560xi32, #tpu.memory_space<hbm>>
        tpu.wait_dma2 semaphore(%arg19 : memref<!tpu.dma_semaphore, #tpu.memory_space<semaphore_mem>>) src(%dma_wait3A_94 : memref<2560xi32, #tpu.memory_space<hbm>>) dst(%arg7 : memref<2560xi32, #tpu.memory_space<vmem>>)
        %mul3A_95 = arith.constant 2560 : i32
        %mul3A_96 = arith.muli %add3A_31, %mul3A_95 : i32
        %add3A_97 = arith.constant 6400000 : i32
        %add3A_98 = arith.addi %add3A_97, %mul3A_96 : i32
        %dma_wait3A_99 = tpu.memref_slice %arg3[%add3A_98] : memref<12800000xi32, #tpu.memory_space<hbm>> -> memref<2560xi32, #tpu.memory_space<hbm>>
        %dma_wait3A_100 = tpu.memref_slice %arg3[%add3A_98] : memref<12800000xi32, #tpu.memory_space<hbm>> -> memref<2560xi32, #tpu.memory_space<hbm>>
        tpu.wait_dma2 semaphore(%arg19 : memref<!tpu.dma_semaphore, #tpu.memory_space<semaphore_mem>>) src(%dma_wait3A_100 : memref<2560xi32, #tpu.memory_space<hbm>>) dst(%arg9 : memref<2560xi32, #tpu.memory_space<vmem>>)
      } else {
      }
      %lt3A_42 = arith.constant 2500 : i32
      %lt3A_43 = arith.cmpi slt, %add3A_29, %lt3A_42 : i32
      %convert_element_type3A_44 = arith.extui %lt3A_43 : i1 to i32
      %cond3A_45 = arith.constant 0 : i32
      %cond3A_46 = arith.cmpi ne, %convert_element_type3A_44, %cond3A_45 : i32
      scf.if %cond3A_46 {
        %dma_wait3A_91 = arith.constant 0 : i32
        %dma_wait3A_92 = arith.constant 0 : i32
        %dma_wait3A_93 = tpu.memref_slice %arg2[%dma_wait3A_91, %dma_wait3A_92] : memref<100000x8xf32, #tpu.memory_space<hbm>> -> memref<100000x8xf32, #tpu.memory_space<hbm>>
        tpu.wait_indirect_dma semaphore(%arg20 : memref<!tpu.dma_semaphore, #tpu.memory_space<semaphore_mem>>) src(%dma_wait3A_93 : memref<100000x8xf32, #tpu.memory_space<hbm>>) dst(%arg10 : memref<2560x8xf32, #tpu.memory_space<vmem>>)
        %dma_wait3A_94 = arith.constant 0 : i32
        %dma_wait3A_95 = arith.constant 0 : i32
        %dma_wait3A_96 = tpu.memref_slice %arg2[%dma_wait3A_94, %dma_wait3A_95] : memref<100000x8xf32, #tpu.memory_space<hbm>> -> memref<100000x8xf32, #tpu.memory_space<hbm>>
        tpu.wait_indirect_dma semaphore(%arg20 : memref<!tpu.dma_semaphore, #tpu.memory_space<semaphore_mem>>) src(%dma_wait3A_96 : memref<100000x8xf32, #tpu.memory_space<hbm>>) dst(%arg12 : memref<2560x8xf32, #tpu.memory_space<vmem>>)
      } else {
      }
      %lt3A_47 = arith.constant 2500 : i32
      %lt3A_48 = arith.cmpi slt, %add3A_31, %lt3A_47 : i32
      %convert_element_type3A_49 = arith.extui %lt3A_48 : i1 to i32
      %cond3A_50 = arith.constant 0 : i32
      %cond3A_51 = arith.cmpi ne, %convert_element_type3A_49, %cond3A_50 : i32
      scf.if %cond3A_51 {
        %dma_start3A = arith.constant 0 : i32
        %dma_start3A_91 = arith.constant 0 : i32
        %dma_start3A_92 = tpu.memref_slice %arg2[%dma_start3A, %dma_start3A_91] : memref<100000x8xf32, #tpu.memory_space<hbm>> -> memref<100000x8xf32, #tpu.memory_space<hbm>>
        tpu.enqueue_indirect_dma source(%dma_start3A_92 : memref<100000x8xf32, #tpu.memory_space<hbm>>) target(%arg11 : memref<2560x8xf32, #tpu.memory_space<vmem>>) offsets(%arg7 : memref<2560xi32, #tpu.memory_space<vmem>>) semaphore(%arg20 : memref<!tpu.dma_semaphore, #tpu.memory_space<semaphore_mem>>)
        %dma_start3A_93 = arith.constant 0 : i32
        %dma_start3A_94 = arith.constant 0 : i32
        %dma_start3A_95 = tpu.memref_slice %arg2[%dma_start3A_93, %dma_start3A_94] : memref<100000x8xf32, #tpu.memory_space<hbm>> -> memref<100000x8xf32, #tpu.memory_space<hbm>>
        tpu.enqueue_indirect_dma source(%dma_start3A_95 : memref<100000x8xf32, #tpu.memory_space<hbm>>) target(%arg13 : memref<2560x8xf32, #tpu.memory_space<vmem>>) offsets(%arg9 : memref<2560xi32, #tpu.memory_space<vmem>>) semaphore(%arg20 : memref<!tpu.dma_semaphore, #tpu.memory_space<semaphore_mem>>)
      } else {
      }
      %lt3A_52 = arith.constant 2500 : i32
      %lt3A_53 = arith.cmpi slt, %add3A_29, %lt3A_52 : i32
      %convert_element_type3A_54 = arith.extui %lt3A_53 : i1 to i32
      %cond3A_55 = arith.constant 0 : i32
      %cond3A_56 = arith.cmpi ne, %convert_element_type3A_54, %cond3A_55 : i32
      scf.if %cond3A_56 {
        %scan3A_91 = arith.constant 0 : i32
        %scan3A_92 = arith.constant 0 : i32
        %scan3A_93 = arith.constant 160 : i32
        %scan3A_94 = arith.addi %scan3A_92, %scan3A_93 : i32
        %scan3A_95 = arith.constant 1 : i32
        scf.for %scan3A_103 = %scan3A_92 to %scan3A_94 step %scan3A_95  : i32 {
          %mul3A_104 = arith.constant 16 : i32
          %mul3A_105 = arith.muli %scan3A_103, %mul3A_104 : i32
          %add3A_106 = vector.broadcast %mul3A_105 : i32 to vector<16xi32>
          %add3A_107 = arith.addi %add3A_106, %iota3A : vector<16xi32>
          %broadcast_in_dim3A = arith.constant 0 : i32
          %broadcast_in_dim3A_108 = vector.broadcast %broadcast_in_dim3A : i32 to vector<16xi32>
          %gather3A = tpu.vector_load_idx %arg10[%add3A_107, %broadcast_in_dim3A_108] : memref<2560x8xf32, #tpu.memory_space<vmem>>[vector<16xi32>, vector<16xi32>], vector<16xf32>,
          %broadcast_in_dim3A_109 = arith.constant 1 : i32
          %broadcast_in_dim3A_110 = vector.broadcast %broadcast_in_dim3A_109 : i32 to vector<16xi32>
          %gather3A_111 = tpu.vector_load_idx %arg10[%add3A_107, %broadcast_in_dim3A_110] : memref<2560x8xf32, #tpu.memory_space<vmem>>[vector<16xi32>, vector<16xi32>], vector<16xf32>,
          %broadcast_in_dim3A_112 = arith.constant 2 : i32
          %broadcast_in_dim3A_113 = vector.broadcast %broadcast_in_dim3A_112 : i32 to vector<16xi32>
          %gather3A_114 = tpu.vector_load_idx %arg10[%add3A_107, %broadcast_in_dim3A_113] : memref<2560x8xf32, #tpu.memory_space<vmem>>[vector<16xi32>, vector<16xi32>], vector<16xf32>,
          %broadcast_in_dim3A_115 = arith.constant 3 : i32
          %broadcast_in_dim3A_116 = vector.broadcast %broadcast_in_dim3A_115 : i32 to vector<16xi32>
          %gather3A_117 = tpu.vector_load_idx %arg10[%add3A_107, %broadcast_in_dim3A_116] : memref<2560x8xf32, #tpu.memory_space<vmem>>[vector<16xi32>, vector<16xi32>], vector<16xf32>,
          %broadcast_in_dim3A_118 = arith.constant 4 : i32
          %broadcast_in_dim3A_119 = vector.broadcast %broadcast_in_dim3A_118 : i32 to vector<16xi32>
          %gather3A_120 = tpu.vector_load_idx %arg10[%add3A_107, %broadcast_in_dim3A_119] : memref<2560x8xf32, #tpu.memory_space<vmem>>[vector<16xi32>, vector<16xi32>], vector<16xf32>,
          %broadcast_in_dim3A_121 = arith.constant 5 : i32
          %broadcast_in_dim3A_122 = vector.broadcast %broadcast_in_dim3A_121 : i32 to vector<16xi32>
          %gather3A_123 = tpu.vector_load_idx %arg10[%add3A_107, %broadcast_in_dim3A_122] : memref<2560x8xf32, #tpu.memory_space<vmem>>[vector<16xi32>, vector<16xi32>], vector<16xf32>,
          %broadcast_in_dim3A_124 = arith.constant 0 : i32
          %broadcast_in_dim3A_125 = vector.broadcast %broadcast_in_dim3A_124 : i32 to vector<16xi32>
          %gather3A_126 = tpu.vector_load_idx %arg12[%add3A_107, %broadcast_in_dim3A_125] : memref<2560x8xf32, #tpu.memory_space<vmem>>[vector<16xi32>, vector<16xi32>], vector<16xf32>,
          %broadcast_in_dim3A_127 = arith.constant 1 : i32
          %broadcast_in_dim3A_128 = vector.broadcast %broadcast_in_dim3A_127 : i32 to vector<16xi32>
          %gather3A_129 = tpu.vector_load_idx %arg12[%add3A_107, %broadcast_in_dim3A_128] : memref<2560x8xf32, #tpu.memory_space<vmem>>[vector<16xi32>, vector<16xi32>], vector<16xf32>,
          %broadcast_in_dim3A_130 = arith.constant 2 : i32
          %broadcast_in_dim3A_131 = vector.broadcast %broadcast_in_dim3A_130 : i32 to vector<16xi32>
          %gather3A_132 = tpu.vector_load_idx %arg12[%add3A_107, %broadcast_in_dim3A_131] : memref<2560x8xf32, #tpu.memory_space<vmem>>[vector<16xi32>, vector<16xi32>], vector<16xf32>,
          %broadcast_in_dim3A_133 = arith.constant 3 : i32
          %broadcast_in_dim3A_134 = vector.broadcast %broadcast_in_dim3A_133 : i32 to vector<16xi32>
          %gather3A_135 = tpu.vector_load_idx %arg12[%add3A_107, %broadcast_in_dim3A_134] : memref<2560x8xf32, #tpu.memory_space<vmem>>[vector<16xi32>, vector<16xi32>], vector<16xf32>,
          %broadcast_in_dim3A_136 = arith.constant 4 : i32
          %broadcast_in_dim3A_137 = vector.broadcast %broadcast_in_dim3A_136 : i32 to vector<16xi32>
          %gather3A_138 = tpu.vector_load_idx %arg12[%add3A_107, %broadcast_in_dim3A_137] : memref<2560x8xf32, #tpu.memory_space<vmem>>[vector<16xi32>, vector<16xi32>], vector<16xf32>,
          %broadcast_in_dim3A_139 = arith.constant 5 : i32
          %broadcast_in_dim3A_140 = vector.broadcast %broadcast_in_dim3A_139 : i32 to vector<16xi32>
          %gather3A_141 = tpu.vector_load_idx %arg12[%add3A_107, %broadcast_in_dim3A_140] : memref<2560x8xf32, #tpu.memory_space<vmem>>[vector<16xi32>, vector<16xi32>], vector<16xf32>,
          %sub3A_142 = arith.subf %gather3A_135, %gather3A_117 : vector<16xf32>
          %sub3A_143 = arith.subf %gather3A_138, %gather3A_120 : vector<16xf32>
          %sub3A_144 = arith.subf %gather3A_141, %gather3A_123 : vector<16xf32>
          %mul3A_145 = arith.mulf %sub3A_142, %sub3A_142 : vector<16xf32>
          %mul3A_146 = arith.mulf %sub3A_143, %sub3A_143 : vector<16xf32>
          %add3A_147 = arith.addf %mul3A_145, %mul3A_146 : vector<16xf32>
          %mul3A_148 = arith.mulf %sub3A_144, %sub3A_144 : vector<16xf32>
          %add3A_149 = arith.addf %add3A_147, %mul3A_148 : vector<16xf32>
          %bitcast3A = vector.bitcast %add3A_149 : vector<16xf32> to vector<16xi32>
          %shift_right_arithmetic3A_150 = arith.constant 1 : i32
          %shift_right_arithmetic3A_151 = vector.broadcast %shift_right_arithmetic3A_150 : i32 to vector<16xi32>
          %shift_right_arithmetic3A_152 = arith.shrsi %bitcast3A, %shift_right_arithmetic3A_151 : vector<16xi32>
          %sub3A_153 = arith.constant 1597463007 : i32
          %sub3A_154 = vector.broadcast %sub3A_153 : i32 to vector<16xi32>
          %sub3A_155 = arith.subi %sub3A_154, %shift_right_arithmetic3A_152 : vector<16xi32>
          %bitcast3A_156 = vector.bitcast %sub3A_155 : vector<16xi32> to vector<16xf32>
          %mul3A_157 = arith.constant 5.000000e-01 : f32
          %mul3A_158 = vector.broadcast %mul3A_157 : f32 to vector<16xf32>
          %mul3A_159 = arith.mulf %mul3A_158, %add3A_149 : vector<16xf32>
          %mul3A_160 = arith.mulf %mul3A_159, %bitcast3A_156 : vector<16xf32>
          %mul3A_161 = arith.mulf %mul3A_160, %bitcast3A_156 : vector<16xf32>
          %sub3A_162 = arith.constant 1.500000e+00 : f32
          %sub3A_163 = vector.broadcast %sub3A_162 : f32 to vector<16xf32>
          %sub3A_164 = arith.subf %sub3A_163, %mul3A_161 : vector<16xf32>
          %mul3A_165 = arith.mulf %bitcast3A_156, %sub3A_164 : vector<16xf32>
          %mul3A_166 = arith.constant 5.000000e-01 : f32
          %mul3A_167 = vector.broadcast %mul3A_166 : f32 to vector<16xf32>
          %mul3A_168 = arith.mulf %mul3A_167, %add3A_149 : vector<16xf32>
          %mul3A_169 = arith.mulf %mul3A_168, %mul3A_165 : vector<16xf32>
          %mul3A_170 = arith.mulf %mul3A_169, %mul3A_165 : vector<16xf32>
          %sub3A_171 = arith.constant 1.500000e+00 : f32
          %sub3A_172 = vector.broadcast %sub3A_171 : f32 to vector<16xf32>
          %sub3A_173 = arith.subf %sub3A_172, %mul3A_170 : vector<16xf32>
          %mul3A_174 = arith.mulf %mul3A_165, %sub3A_173 : vector<16xf32>
          %mul3A_175 = arith.mulf %add3A_149, %mul3A_174 : vector<16xf32>
          %max3A = arith.constant 9.99999993E-9 : f32
          %max3A_176 = vector.broadcast %max3A : f32 to vector<16xf32>
          %max3A_177 = arith.maximumf %mul3A_175, %max3A_176 : vector<16xf32>
          %add3A_178 = arith.constant 9.99999993E-9 : f32
          %add3A_179 = vector.broadcast %add3A_178 : f32 to vector<16xf32>
          %add3A_180 = arith.addf %max3A_177, %add3A_179 : vector<16xf32>
          %sub3A_181 = arith.subf %gather3A_126, %gather3A : vector<16xf32>
          %mul3A_182 = arith.mulf %sub3A_181, %sub3A_142 : vector<16xf32>
          %sub3A_183 = arith.subf %gather3A_129, %gather3A_111 : vector<16xf32>
          %mul3A_184 = arith.mulf %sub3A_183, %sub3A_143 : vector<16xf32>
          %add3A_185 = arith.addf %mul3A_182, %mul3A_184 : vector<16xf32>
          %sub3A_186 = arith.subf %gather3A_132, %gather3A_114 : vector<16xf32>
          %mul3A_187 = arith.mulf %sub3A_186, %sub3A_144 : vector<16xf32>
          %add3A_188 = arith.addf %add3A_185, %mul3A_187 : vector<16xf32>
          %div3A = arith.divf %add3A_188, %add3A_180 : vector<16xf32>
          %mul3A_189 = arith.constant 16 : i32
          %mul3A_190 = arith.muli %scan3A_103, %mul3A_189 : i32
          %swap3A = arith.index_cast %mul3A_190 : i32 to index
          %swap3A_191 = tpu.vector_load %arg14[%swap3A] {strides = array<i32>} : memref<2560xf32, #tpu.memory_space<vmem>>, vector<16xf32>,
          tpu.vector_store %arg14[%swap3A], %div3A {strides = array<i32>} : memref<2560xf32, #tpu.memory_space<vmem>>, vector<16xf32>,
          %mul3A_192 = arith.constant 16 : i32
          %mul3A_193 = arith.muli %scan3A_103, %mul3A_192 : i32
          %get3A = arith.index_cast %mul3A_193 : i32 to index
          %get3A_194 = tpu.vector_load %arg6[%get3A] {strides = array<i32>} : memref<2560xi32, #tpu.memory_space<vmem>>, vector<16xi32>,
          %mul3A_195 = arith.constant 16 : i32
          %mul3A_196 = arith.muli %scan3A_103, %mul3A_195 : i32
          %swap3A_197 = arith.index_cast %mul3A_196 : i32 to index
          %swap3A_198 = tpu.vector_load %arg16[%swap3A_197] {strides = array<i32>} : memref<2560xi32, #tpu.memory_space<vmem>>, vector<16xi32>,
          tpu.vector_store %arg16[%swap3A_197], %get3A_194 {strides = array<i32>} : memref<2560xi32, #tpu.memory_space<vmem>>, vector<16xi32>,
        }
        %scan3A_96 = arith.constant 160 : i32
        %sub3A = arith.constant 32 : i32
        %sub3A_97 = arith.subi %add3A_29, %sub3A : i32
        %ge3A = arith.constant 0 : i32
        %ge3A_98 = arith.cmpi sge, %sub3A_97, %ge3A : i32
        %convert_element_type3A_99 = arith.extui %ge3A_98 : i1 to i32
        %cond3A_100 = arith.constant 0 : i32
        %cond3A_101 = arith.cmpi ne, %convert_element_type3A_99, %cond3A_100 : i32
        scf.if %cond3A_101 {
          %dma_wait3A_103 = arith.constant 0 : i32
          %dma_wait3A_104 = tpu.memref_slice %arg18[%dma_wait3A_103] : memref<100000xf32, #tpu.memory_space<vmem_shared>> -> memref<100000xf32, #tpu.memory_space<vmem_shared>>
          tpu.wait_indirect_dma semaphore(%arg21 : memref<!tpu.dma_semaphore, #tpu.memory_space<semaphore_mem>>) src(%arg15 : memref<2560xf32, #tpu.memory_space<vmem>>) dst(%dma_wait3A_104 : memref<100000xf32, #tpu.memory_space<vmem_shared>>)
        } else {
        }
        %dma_start3A = arith.constant 0 : i32
        %dma_start3A_102 = tpu.memref_slice %arg18[%dma_start3A] : memref<100000xf32, #tpu.memory_space<vmem_shared>> -> memref<100000xf32, #tpu.memory_space<vmem_shared>>
        tpu.enqueue_indirect_dma source(%arg14 : memref<2560xf32, #tpu.memory_space<vmem>>) target(%dma_start3A_102 : memref<100000xf32, #tpu.memory_space<vmem_shared>>) offsets(%arg16 : memref<2560xi32, #tpu.memory_space<vmem>>) semaphore(%arg21 : memref<!tpu.dma_semaphore, #tpu.memory_space<semaphore_mem>>) {add = true}
      } else {
      }
      %mul3A_57 = arith.constant 2 : i32
      %mul3A_58 = arith.muli %scan3A_24, %mul3A_57 : i32
      %add3A_59 = arith.constant 1 : i32
      %add3A_60 = arith.addi %mul3A_58, %add3A_59 : i32
      %mul3A_61 = arith.constant 32 : i32
      %mul3A_62 = arith.muli %add3A_60, %mul3A_61 : i32
      %add3A_63 = arith.addi %add3A, %mul3A_62 : i32
      %add3A_64 = arith.constant 32 : i32
      %add3A_65 = arith.addi %add3A_63, %add3A_64 : i32
      %lt3A_66 = arith.constant 2500 : i32
      %lt3A_67 = arith.cmpi slt, %add3A_65, %lt3A_66 : i32
      %convert_element_type3A_68 = arith.extui %lt3A_67 : i1 to i32
      %cond3A_69 = arith.constant 0 : i32
      %cond3A_70 = arith.cmpi ne, %convert_element_type3A_68, %cond3A_69 : i32
      scf.if %cond3A_70 {
        %mul3A_91 = arith.constant 2560 : i32
        %mul3A_92 = arith.muli %add3A_65, %mul3A_91 : i32
        %dma_start3A = tpu.memref_slice %arg3[%mul3A_92] : memref<12800000xi32, #tpu.memory_space<hbm>> -> memref<2560xi32, #tpu.memory_space<hbm>>
        %dma_start3A_93 = tpu.memref_slice %arg3[%mul3A_92] : memref<12800000xi32, #tpu.memory_space<hbm>> -> memref<2560xi32, #tpu.memory_space<hbm>>
        tpu.enqueue_dma source(%dma_start3A_93 : memref<2560xi32, #tpu.memory_space<hbm>>) target(%arg6 : memref<2560xi32, #tpu.memory_space<vmem>>) target_semaphore(%arg19 : memref<!tpu.dma_semaphore, #tpu.memory_space<semaphore_mem>>)
        %mul3A_94 = arith.constant 2560 : i32
        %mul3A_95 = arith.muli %add3A_65, %mul3A_94 : i32
        %add3A_96 = arith.constant 6400000 : i32
        %add3A_97 = arith.addi %add3A_96, %mul3A_95 : i32
        %dma_start3A_98 = tpu.memref_slice %arg3[%add3A_97] : memref<12800000xi32, #tpu.memory_space<hbm>> -> memref<2560xi32, #tpu.memory_space<hbm>>
        %dma_start3A_99 = tpu.memref_slice %arg3[%add3A_97] : memref<12800000xi32, #tpu.memory_space<hbm>> -> memref<2560xi32, #tpu.memory_space<hbm>>
        tpu.enqueue_dma source(%dma_start3A_99 : memref<2560xi32, #tpu.memory_space<hbm>>) target(%arg8 : memref<2560xi32, #tpu.memory_space<vmem>>) target_semaphore(%arg19 : memref<!tpu.dma_semaphore, #tpu.memory_space<semaphore_mem>>)
      } else {
      }
      %lt3A_71 = arith.constant 2500 : i32
      %lt3A_72 = arith.cmpi slt, %add3A_65, %lt3A_71 : i32
      %convert_element_type3A_73 = arith.extui %lt3A_72 : i1 to i32
      %cond3A_74 = arith.constant 0 : i32
      %cond3A_75 = arith.cmpi ne, %convert_element_type3A_73, %cond3A_74 : i32
      scf.if %cond3A_75 {
        %mul3A_91 = arith.constant 2560 : i32
        %mul3A_92 = arith.muli %add3A_65, %mul3A_91 : i32
        %dma_wait3A_93 = tpu.memref_slice %arg3[%mul3A_92] : memref<12800000xi32, #tpu.memory_space<hbm>> -> memref<2560xi32, #tpu.memory_space<hbm>>
        %dma_wait3A_94 = tpu.memref_slice %arg3[%mul3A_92] : memref<12800000xi32, #tpu.memory_space<hbm>> -> memref<2560xi32, #tpu.memory_space<hbm>>
        tpu.wait_dma2 semaphore(%arg19 : memref<!tpu.dma_semaphore, #tpu.memory_space<semaphore_mem>>) src(%dma_wait3A_94 : memref<2560xi32, #tpu.memory_space<hbm>>) dst(%arg6 : memref<2560xi32, #tpu.memory_space<vmem>>)
        %mul3A_95 = arith.constant 2560 : i32
        %mul3A_96 = arith.muli %add3A_65, %mul3A_95 : i32
        %add3A_97 = arith.constant 6400000 : i32
        %add3A_98 = arith.addi %add3A_97, %mul3A_96 : i32
        %dma_wait3A_99 = tpu.memref_slice %arg3[%add3A_98] : memref<12800000xi32, #tpu.memory_space<hbm>> -> memref<2560xi32, #tpu.memory_space<hbm>>
        %dma_wait3A_100 = tpu.memref_slice %arg3[%add3A_98] : memref<12800000xi32, #tpu.memory_space<hbm>> -> memref<2560xi32, #tpu.memory_space<hbm>>
        tpu.wait_dma2 semaphore(%arg19 : memref<!tpu.dma_semaphore, #tpu.memory_space<semaphore_mem>>) src(%dma_wait3A_100 : memref<2560xi32, #tpu.memory_space<hbm>>) dst(%arg8 : memref<2560xi32, #tpu.memory_space<vmem>>)
      } else {
      }
      %lt3A_76 = arith.constant 2500 : i32
      %lt3A_77 = arith.cmpi slt, %add3A_63, %lt3A_76 : i32
      %convert_element_type3A_78 = arith.extui %lt3A_77 : i1 to i32
      %cond3A_79 = arith.constant 0 : i32
      %cond3A_80 = arith.cmpi ne, %convert_element_type3A_78, %cond3A_79 : i32
      scf.if %cond3A_80 {
        %dma_wait3A_91 = arith.constant 0 : i32
        %dma_wait3A_92 = arith.constant 0 : i32
        %dma_wait3A_93 = tpu.memref_slice %arg2[%dma_wait3A_91, %dma_wait3A_92] : memref<100000x8xf32, #tpu.memory_space<hbm>> -> memref<100000x8xf32, #tpu.memory_space<hbm>>
        tpu.wait_indirect_dma semaphore(%arg20 : memref<!tpu.dma_semaphore, #tpu.memory_space<semaphore_mem>>) src(%dma_wait3A_93 : memref<100000x8xf32, #tpu.memory_space<hbm>>) dst(%arg11 : memref<2560x8xf32, #tpu.memory_space<vmem>>)
        %dma_wait3A_94 = arith.constant 0 : i32
        %dma_wait3A_95 = arith.constant 0 : i32
        %dma_wait3A_96 = tpu.memref_slice %arg2[%dma_wait3A_94, %dma_wait3A_95] : memref<100000x8xf32, #tpu.memory_space<hbm>> -> memref<100000x8xf32, #tpu.memory_space<hbm>>
        tpu.wait_indirect_dma semaphore(%arg20 : memref<!tpu.dma_semaphore, #tpu.memory_space<semaphore_mem>>) src(%dma_wait3A_96 : memref<100000x8xf32, #tpu.memory_space<hbm>>) dst(%arg13 : memref<2560x8xf32, #tpu.memory_space<vmem>>)
      } else {
      }
      %lt3A_81 = arith.constant 2500 : i32
      %lt3A_82 = arith.cmpi slt, %add3A_65, %lt3A_81 : i32
      %convert_element_type3A_83 = arith.extui %lt3A_82 : i1 to i32
      %cond3A_84 = arith.constant 0 : i32
      %cond3A_85 = arith.cmpi ne, %convert_element_type3A_83, %cond3A_84 : i32
      scf.if %cond3A_85 {
        %dma_start3A = arith.constant 0 : i32
        %dma_start3A_91 = arith.constant 0 : i32
        %dma_start3A_92 = tpu.memref_slice %arg2[%dma_start3A, %dma_start3A_91] : memref<100000x8xf32, #tpu.memory_space<hbm>> -> memref<100000x8xf32, #tpu.memory_space<hbm>>
        tpu.enqueue_indirect_dma source(%dma_start3A_92 : memref<100000x8xf32, #tpu.memory_space<hbm>>) target(%arg10 : memref<2560x8xf32, #tpu.memory_space<vmem>>) offsets(%arg6 : memref<2560xi32, #tpu.memory_space<vmem>>) semaphore(%arg20 : memref<!tpu.dma_semaphore, #tpu.memory_space<semaphore_mem>>)
        %dma_start3A_93 = arith.constant 0 : i32
        %dma_start3A_94 = arith.constant 0 : i32
        %dma_start3A_95 = tpu.memref_slice %arg2[%dma_start3A_93, %dma_start3A_94] : memref<100000x8xf32, #tpu.memory_space<hbm>> -> memref<100000x8xf32, #tpu.memory_space<hbm>>
        tpu.enqueue_indirect_dma source(%dma_start3A_95 : memref<100000x8xf32, #tpu.memory_space<hbm>>) target(%arg12 : memref<2560x8xf32, #tpu.memory_space<vmem>>) offsets(%arg8 : memref<2560xi32, #tpu.memory_space<vmem>>) semaphore(%arg20 : memref<!tpu.dma_semaphore, #tpu.memory_space<semaphore_mem>>)
      } else {
      }
      %lt3A_86 = arith.constant 2500 : i32
      %lt3A_87 = arith.cmpi slt, %add3A_63, %lt3A_86 : i32
      %convert_element_type3A_88 = arith.extui %lt3A_87 : i1 to i32
      %cond3A_89 = arith.constant 0 : i32
      %cond3A_90 = arith.cmpi ne, %convert_element_type3A_88, %cond3A_89 : i32
      scf.if %cond3A_90 {
        %scan3A_91 = arith.constant 0 : i32
        %scan3A_92 = arith.constant 0 : i32
        %scan3A_93 = arith.constant 160 : i32
        %scan3A_94 = arith.addi %scan3A_92, %scan3A_93 : i32
        %scan3A_95 = arith.constant 1 : i32
        scf.for %scan3A_103 = %scan3A_92 to %scan3A_94 step %scan3A_95  : i32 {
          %mul3A_104 = arith.constant 16 : i32
          %mul3A_105 = arith.muli %scan3A_103, %mul3A_104 : i32
          %add3A_106 = vector.broadcast %mul3A_105 : i32 to vector<16xi32>
          %add3A_107 = arith.addi %add3A_106, %iota3A : vector<16xi32>
          %broadcast_in_dim3A = arith.constant 0 : i32
          %broadcast_in_dim3A_108 = vector.broadcast %broadcast_in_dim3A : i32 to vector<16xi32>
          %gather3A = tpu.vector_load_idx %arg11[%add3A_107, %broadcast_in_dim3A_108] : memref<2560x8xf32, #tpu.memory_space<vmem>>[vector<16xi32>, vector<16xi32>], vector<16xf32>,
          %broadcast_in_dim3A_109 = arith.constant 1 : i32
          %broadcast_in_dim3A_110 = vector.broadcast %broadcast_in_dim3A_109 : i32 to vector<16xi32>
          %gather3A_111 = tpu.vector_load_idx %arg11[%add3A_107, %broadcast_in_dim3A_110] : memref<2560x8xf32, #tpu.memory_space<vmem>>[vector<16xi32>, vector<16xi32>], vector<16xf32>,
          %broadcast_in_dim3A_112 = arith.constant 2 : i32
          %broadcast_in_dim3A_113 = vector.broadcast %broadcast_in_dim3A_112 : i32 to vector<16xi32>
          %gather3A_114 = tpu.vector_load_idx %arg11[%add3A_107, %broadcast_in_dim3A_113] : memref<2560x8xf32, #tpu.memory_space<vmem>>[vector<16xi32>, vector<16xi32>], vector<16xf32>,
          %broadcast_in_dim3A_115 = arith.constant 3 : i32
          %broadcast_in_dim3A_116 = vector.broadcast %broadcast_in_dim3A_115 : i32 to vector<16xi32>
          %gather3A_117 = tpu.vector_load_idx %arg11[%add3A_107, %broadcast_in_dim3A_116] : memref<2560x8xf32, #tpu.memory_space<vmem>>[vector<16xi32>, vector<16xi32>], vector<16xf32>,
          %broadcast_in_dim3A_118 = arith.constant 4 : i32
          %broadcast_in_dim3A_119 = vector.broadcast %broadcast_in_dim3A_118 : i32 to vector<16xi32>
          %gather3A_120 = tpu.vector_load_idx %arg11[%add3A_107, %broadcast_in_dim3A_119] : memref<2560x8xf32, #tpu.memory_space<vmem>>[vector<16xi32>, vector<16xi32>], vector<16xf32>,
          %broadcast_in_dim3A_121 = arith.constant 5 : i32
          %broadcast_in_dim3A_122 = vector.broadcast %broadcast_in_dim3A_121 : i32 to vector<16xi32>
          %gather3A_123 = tpu.vector_load_idx %arg11[%add3A_107, %broadcast_in_dim3A_122] : memref<2560x8xf32, #tpu.memory_space<vmem>>[vector<16xi32>, vector<16xi32>], vector<16xf32>,
          %broadcast_in_dim3A_124 = arith.constant 0 : i32
          %broadcast_in_dim3A_125 = vector.broadcast %broadcast_in_dim3A_124 : i32 to vector<16xi32>
          %gather3A_126 = tpu.vector_load_idx %arg13[%add3A_107, %broadcast_in_dim3A_125] : memref<2560x8xf32, #tpu.memory_space<vmem>>[vector<16xi32>, vector<16xi32>], vector<16xf32>,
          %broadcast_in_dim3A_127 = arith.constant 1 : i32
          %broadcast_in_dim3A_128 = vector.broadcast %broadcast_in_dim3A_127 : i32 to vector<16xi32>
          %gather3A_129 = tpu.vector_load_idx %arg13[%add3A_107, %broadcast_in_dim3A_128] : memref<2560x8xf32, #tpu.memory_space<vmem>>[vector<16xi32>, vector<16xi32>], vector<16xf32>,
          %broadcast_in_dim3A_130 = arith.constant 2 : i32
          %broadcast_in_dim3A_131 = vector.broadcast %broadcast_in_dim3A_130 : i32 to vector<16xi32>
          %gather3A_132 = tpu.vector_load_idx %arg13[%add3A_107, %broadcast_in_dim3A_131] : memref<2560x8xf32, #tpu.memory_space<vmem>>[vector<16xi32>, vector<16xi32>], vector<16xf32>,
          %broadcast_in_dim3A_133 = arith.constant 3 : i32
          %broadcast_in_dim3A_134 = vector.broadcast %broadcast_in_dim3A_133 : i32 to vector<16xi32>
          %gather3A_135 = tpu.vector_load_idx %arg13[%add3A_107, %broadcast_in_dim3A_134] : memref<2560x8xf32, #tpu.memory_space<vmem>>[vector<16xi32>, vector<16xi32>], vector<16xf32>,
          %broadcast_in_dim3A_136 = arith.constant 4 : i32
          %broadcast_in_dim3A_137 = vector.broadcast %broadcast_in_dim3A_136 : i32 to vector<16xi32>
          %gather3A_138 = tpu.vector_load_idx %arg13[%add3A_107, %broadcast_in_dim3A_137] : memref<2560x8xf32, #tpu.memory_space<vmem>>[vector<16xi32>, vector<16xi32>], vector<16xf32>,
          %broadcast_in_dim3A_139 = arith.constant 5 : i32
          %broadcast_in_dim3A_140 = vector.broadcast %broadcast_in_dim3A_139 : i32 to vector<16xi32>
          %gather3A_141 = tpu.vector_load_idx %arg13[%add3A_107, %broadcast_in_dim3A_140] : memref<2560x8xf32, #tpu.memory_space<vmem>>[vector<16xi32>, vector<16xi32>], vector<16xf32>,
          %sub3A_142 = arith.subf %gather3A_135, %gather3A_117 : vector<16xf32>
          %sub3A_143 = arith.subf %gather3A_138, %gather3A_120 : vector<16xf32>
          %sub3A_144 = arith.subf %gather3A_141, %gather3A_123 : vector<16xf32>
          %mul3A_145 = arith.mulf %sub3A_142, %sub3A_142 : vector<16xf32>
          %mul3A_146 = arith.mulf %sub3A_143, %sub3A_143 : vector<16xf32>
          %add3A_147 = arith.addf %mul3A_145, %mul3A_146 : vector<16xf32>
          %mul3A_148 = arith.mulf %sub3A_144, %sub3A_144 : vector<16xf32>
          %add3A_149 = arith.addf %add3A_147, %mul3A_148 : vector<16xf32>
          %bitcast3A = vector.bitcast %add3A_149 : vector<16xf32> to vector<16xi32>
          %shift_right_arithmetic3A_150 = arith.constant 1 : i32
          %shift_right_arithmetic3A_151 = vector.broadcast %shift_right_arithmetic3A_150 : i32 to vector<16xi32>
          %shift_right_arithmetic3A_152 = arith.shrsi %bitcast3A, %shift_right_arithmetic3A_151 : vector<16xi32>
          %sub3A_153 = arith.constant 1597463007 : i32
          %sub3A_154 = vector.broadcast %sub3A_153 : i32 to vector<16xi32>
          %sub3A_155 = arith.subi %sub3A_154, %shift_right_arithmetic3A_152 : vector<16xi32>
          %bitcast3A_156 = vector.bitcast %sub3A_155 : vector<16xi32> to vector<16xf32>
          %mul3A_157 = arith.constant 5.000000e-01 : f32
          %mul3A_158 = vector.broadcast %mul3A_157 : f32 to vector<16xf32>
          %mul3A_159 = arith.mulf %mul3A_158, %add3A_149 : vector<16xf32>
          %mul3A_160 = arith.mulf %mul3A_159, %bitcast3A_156 : vector<16xf32>
          %mul3A_161 = arith.mulf %mul3A_160, %bitcast3A_156 : vector<16xf32>
          %sub3A_162 = arith.constant 1.500000e+00 : f32
          %sub3A_163 = vector.broadcast %sub3A_162 : f32 to vector<16xf32>
          %sub3A_164 = arith.subf %sub3A_163, %mul3A_161 : vector<16xf32>
          %mul3A_165 = arith.mulf %bitcast3A_156, %sub3A_164 : vector<16xf32>
          %mul3A_166 = arith.constant 5.000000e-01 : f32
          %mul3A_167 = vector.broadcast %mul3A_166 : f32 to vector<16xf32>
          %mul3A_168 = arith.mulf %mul3A_167, %add3A_149 : vector<16xf32>
          %mul3A_169 = arith.mulf %mul3A_168, %mul3A_165 : vector<16xf32>
          %mul3A_170 = arith.mulf %mul3A_169, %mul3A_165 : vector<16xf32>
          %sub3A_171 = arith.constant 1.500000e+00 : f32
          %sub3A_172 = vector.broadcast %sub3A_171 : f32 to vector<16xf32>
          %sub3A_173 = arith.subf %sub3A_172, %mul3A_170 : vector<16xf32>
          %mul3A_174 = arith.mulf %mul3A_165, %sub3A_173 : vector<16xf32>
          %mul3A_175 = arith.mulf %add3A_149, %mul3A_174 : vector<16xf32>
          %max3A = arith.constant 9.99999993E-9 : f32
          %max3A_176 = vector.broadcast %max3A : f32 to vector<16xf32>
          %max3A_177 = arith.maximumf %mul3A_175, %max3A_176 : vector<16xf32>
          %add3A_178 = arith.constant 9.99999993E-9 : f32
          %add3A_179 = vector.broadcast %add3A_178 : f32 to vector<16xf32>
          %add3A_180 = arith.addf %max3A_177, %add3A_179 : vector<16xf32>
          %sub3A_181 = arith.subf %gather3A_126, %gather3A : vector<16xf32>
          %mul3A_182 = arith.mulf %sub3A_181, %sub3A_142 : vector<16xf32>
          %sub3A_183 = arith.subf %gather3A_129, %gather3A_111 : vector<16xf32>
          %mul3A_184 = arith.mulf %sub3A_183, %sub3A_143 : vector<16xf32>
          %add3A_185 = arith.addf %mul3A_182, %mul3A_184 : vector<16xf32>
          %sub3A_186 = arith.subf %gather3A_132, %gather3A_114 : vector<16xf32>
          %mul3A_187 = arith.mulf %sub3A_186, %sub3A_144 : vector<16xf32>
          %add3A_188 = arith.addf %add3A_185, %mul3A_187 : vector<16xf32>
          %div3A = arith.divf %add3A_188, %add3A_180 : vector<16xf32>
          %mul3A_189 = arith.constant 16 : i32
          %mul3A_190 = arith.muli %scan3A_103, %mul3A_189 : i32
          %swap3A = arith.index_cast %mul3A_190 : i32 to index
          %swap3A_191 = tpu.vector_load %arg15[%swap3A] {strides = array<i32>} : memref<2560xf32, #tpu.memory_space<vmem>>, vector<16xf32>,
          tpu.vector_store %arg15[%swap3A], %div3A {strides = array<i32>} : memref<2560xf32, #tpu.memory_space<vmem>>, vector<16xf32>,
          %mul3A_192 = arith.constant 16 : i32
          %mul3A_193 = arith.muli %scan3A_103, %mul3A_192 : i32
          %get3A = arith.index_cast %mul3A_193 : i32 to index
          %get3A_194 = tpu.vector_load %arg7[%get3A] {strides = array<i32>} : memref<2560xi32, #tpu.memory_space<vmem>>, vector<16xi32>,
          %mul3A_195 = arith.constant 16 : i32
          %mul3A_196 = arith.muli %scan3A_103, %mul3A_195 : i32
          %swap3A_197 = arith.index_cast %mul3A_196 : i32 to index
          %swap3A_198 = tpu.vector_load %arg17[%swap3A_197] {strides = array<i32>} : memref<2560xi32, #tpu.memory_space<vmem>>, vector<16xi32>,
          tpu.vector_store %arg17[%swap3A_197], %get3A_194 {strides = array<i32>} : memref<2560xi32, #tpu.memory_space<vmem>>, vector<16xi32>,
        }
        %scan3A_96 = arith.constant 160 : i32
        %sub3A = arith.constant 32 : i32
        %sub3A_97 = arith.subi %add3A_63, %sub3A : i32
        %ge3A = arith.constant 0 : i32
        %ge3A_98 = arith.cmpi sge, %sub3A_97, %ge3A : i32
        %convert_element_type3A_99 = arith.extui %ge3A_98 : i1 to i32
        %cond3A_100 = arith.constant 0 : i32
        %cond3A_101 = arith.cmpi ne, %convert_element_type3A_99, %cond3A_100 : i32
        scf.if %cond3A_101 {
          %dma_wait3A_103 = arith.constant 0 : i32
          %dma_wait3A_104 = tpu.memref_slice %arg18[%dma_wait3A_103] : memref<100000xf32, #tpu.memory_space<vmem_shared>> -> memref<100000xf32, #tpu.memory_space<vmem_shared>>
          tpu.wait_indirect_dma semaphore(%arg21 : memref<!tpu.dma_semaphore, #tpu.memory_space<semaphore_mem>>) src(%arg14 : memref<2560xf32, #tpu.memory_space<vmem>>) dst(%dma_wait3A_104 : memref<100000xf32, #tpu.memory_space<vmem_shared>>)
        } else {
        }
        %dma_start3A = arith.constant 0 : i32
        %dma_start3A_102 = tpu.memref_slice %arg18[%dma_start3A] : memref<100000xf32, #tpu.memory_space<vmem_shared>> -> memref<100000xf32, #tpu.memory_space<vmem_shared>>
        tpu.enqueue_indirect_dma source(%arg15 : memref<2560xf32, #tpu.memory_space<vmem>>) target(%dma_start3A_102 : memref<100000xf32, #tpu.memory_space<vmem_shared>>) offsets(%arg17 : memref<2560xi32, #tpu.memory_space<vmem>>) semaphore(%arg21 : memref<!tpu.dma_semaphore, #tpu.memory_space<semaphore_mem>>) {add = true}
      } else {
      }
    }
    %scan3A_11 = arith.constant 40 : i32
    %dma_wait3A = arith.constant 0 : i32
    %dma_wait3A_12 = tpu.memref_slice %arg18[%dma_wait3A] : memref<100000xf32, #tpu.memory_space<vmem_shared>> -> memref<100000xf32, #tpu.memory_space<vmem_shared>>
    tpu.wait_indirect_dma semaphore(%arg21 : memref<!tpu.dma_semaphore, #tpu.memory_space<semaphore_mem>>) src(%arg14 : memref<2560xf32, #tpu.memory_space<vmem>>) dst(%dma_wait3A_12 : memref<100000xf32, #tpu.memory_space<vmem_shared>>)
    %barrier3A_13 = arith.constant 0 : index
    tpu.barrier barrier_id(%barrier3A_13)
    %mul3A_14 = arith.constant 6250 : i32
    %mul3A_15 = arith.muli %arg1, %mul3A_14 : i32
    %shift_right_arithmetic3A_16 = arith.constant 3 : i32
    %shift_right_arithmetic3A_17 = arith.shrsi %mul3A_15, %shift_right_arithmetic3A_16 : i32
    %shift_left3A_18 = arith.constant 3 : i32
    %shift_left3A_19 = arith.shli %shift_right_arithmetic3A_17, %shift_left3A_18 : i32
    %multiple_of3A_20 = tpu.assume_multiple %shift_left3A_19, 8 : i32
    %mul3A_21 = arith.constant 100000 : i32
    %mul3A_22 = arith.muli %arg0, %mul3A_21 : i32
    %add3A_23 = arith.addi %mul3A_22, %multiple_of3A_20 : i32
    "tpu.region"() ({
      %run_scoped3A = tpu.sem_alloc : memref<!tpu.dma_semaphore, #tpu.memory_space<semaphore_mem>>
      %dma_start3A = tpu.memref_slice %arg5[%add3A_23] : memref<200000xf32, #tpu.memory_space<hbm>> -> memref<6256xf32, #tpu.memory_space<hbm>>
      %dma_start3A_24 = tpu.memref_slice %arg18[%multiple_of3A_20] : memref<100000xf32, #tpu.memory_space<vmem_shared>> -> memref<6256xf32, #tpu.memory_space<vmem_shared>>
      tpu.enqueue_dma source(%dma_start3A_24 : memref<6256xf32, #tpu.memory_space<vmem_shared>>) target(%dma_start3A : memref<6256xf32, #tpu.memory_space<hbm>>) target_semaphore(%run_scoped3A : memref<!tpu.dma_semaphore, #tpu.memory_space<semaphore_mem>>)
      %dma_wait3A_25 = tpu.memref_slice %arg5[%add3A_23] : memref<200000xf32, #tpu.memory_space<hbm>> -> memref<6256xf32, #tpu.memory_space<hbm>>
      %dma_wait3A_26 = tpu.memref_slice %arg18[%multiple_of3A_20] : memref<100000xf32, #tpu.memory_space<vmem_shared>> -> memref<6256xf32, #tpu.memory_space<vmem_shared>>
      tpu.wait_dma2 semaphore(%run_scoped3A : memref<!tpu.dma_semaphore, #tpu.memory_space<semaphore_mem>>) src(%dma_wait3A_26 : memref<6256xf32, #tpu.memory_space<vmem_shared>>) dst(%dma_wait3A_25 : memref<6256xf32, #tpu.memory_space<hbm>>)
      tpu.yield
    }) : () -> ()
    return
  }
}

#map = affine_map<(d0, d1) -> (0, 0)>
#map1 = affine_map<(d0, d1) -> (0)>
#map2 = affine_map<(d0, d1) -> (0, 0, 0)>
module attributes {stable_mosaic.version = 14 : i64} {
  func.func @_edge_ab_body(%arg0: i32, %arg1: i32, %arg2: memref<100000x8xf32, #tpu.memory_space<hbm>>, %arg3: memref<12800000xi32, #tpu.memory_space<hbm>>, %arg4: memref<50000x4x128xf32, #tpu.memory_space<hbm>>, %arg5: memref<6250x8xf32, #tpu.memory_space<hbm>>, %arg6: memref<200000x8xf32, #tpu.memory_space<hbm>>, %arg7: memref<1024xi32, #tpu.memory_space<vmem>>, %arg8: memref<1024xi32, #tpu.memory_space<vmem>>, %arg9: memref<1024xi32, #tpu.memory_space<vmem>>, %arg10: memref<1024xi32, #tpu.memory_space<vmem>>, %arg11: memref<8x128xf32, #tpu.memory_space<vmem>>, %arg12: memref<8x128xf32, #tpu.memory_space<vmem>>, %arg13: memref<8x128xf32, #tpu.memory_space<vmem>>, %arg14: memref<8x128xf32, #tpu.memory_space<vmem>>, %arg15: memref<8x128xf32, #tpu.memory_space<vmem>>, %arg16: memref<8x128xf32, #tpu.memory_space<vmem>>, %arg17: memref<1024x8xf32, #tpu.memory_space<vmem>>, %arg18: memref<1024x8xf32, #tpu.memory_space<vmem>>, %arg19: memref<1024x8xf32, #tpu.memory_space<vmem>>, %arg20: memref<1024x8xf32, #tpu.memory_space<vmem>>, %arg21: memref<1024x8xf32, #tpu.memory_space<vmem>>, %arg22: memref<1024x8xf32, #tpu.memory_space<vmem>>, %arg23: memref<1024xi32, #tpu.memory_space<vmem>>, %arg24: memref<1024xi32, #tpu.memory_space<vmem>>, %arg25: memref<100000x8xf32, #tpu.memory_space<vmem_shared>>, %arg26: memref<!tpu.dma_semaphore, #tpu.memory_space<semaphore_mem>>, %arg27: memref<!tpu.dma_semaphore, #tpu.memory_space<semaphore_mem>>, %arg28: memref<!tpu.dma_semaphore, #tpu.memory_space<semaphore_mem>>) attributes {dimension_semantics = [#tpu.dimension_semantics<core_parallel>, #tpu.dimension_semantics<subcore_parallel>], iteration_bounds = array<i64: 2, 16>, scalar_prefetch = 0 : i64, scratch_operands = 22 : i64, tpu.core_type = #tpu.core_type<sc_vector_subcore>, window_params = [{transform_indices = #map}, {transform_indices = #map1}, {transform_indices = #map2}, {transform_indices = #map}, {transform_indices = #map}]} {
    %mul3A = arith.constant 16 : i32
    %mul3A_0 = arith.muli %arg0, %mul3A : i32
    %add3A = arith.addi %mul3A_0, %arg1 : i32
    %mul3A_1 = arith.constant 6250 : i32
    %mul3A_2 = arith.muli %arg1, %mul3A_1 : i32
    "tpu.region"() ({
      %run_scoped3A = tpu.sem_alloc : memref<!tpu.dma_semaphore, #tpu.memory_space<semaphore_mem>>
      %dma_start3A = arith.constant 0 : i32
      %dma_start3A_20 = tpu.memref_slice %arg25[%mul3A_2, %dma_start3A] : memref<100000x8xf32, #tpu.memory_space<vmem_shared>> -> memref<6250x8xf32, #tpu.memory_space<vmem_shared>>
      tpu.enqueue_dma source(%arg5 : memref<6250x8xf32, #tpu.memory_space<hbm>>) target(%dma_start3A_20 : memref<6250x8xf32, #tpu.memory_space<vmem_shared>>) target_semaphore(%run_scoped3A : memref<!tpu.dma_semaphore, #tpu.memory_space<semaphore_mem>>)
      %dma_wait3A_21 = arith.constant 0 : i32
      %dma_wait3A_22 = tpu.memref_slice %arg25[%mul3A_2, %dma_wait3A_21] : memref<100000x8xf32, #tpu.memory_space<vmem_shared>> -> memref<6250x8xf32, #tpu.memory_space<vmem_shared>>
      tpu.wait_dma2 semaphore(%run_scoped3A : memref<!tpu.dma_semaphore, #tpu.memory_space<semaphore_mem>>) src(%arg5 : memref<6250x8xf32, #tpu.memory_space<hbm>>) dst(%dma_wait3A_22 : memref<6250x8xf32, #tpu.memory_space<vmem_shared>>)
      tpu.yield
    }) : () -> ()
    "tpu.region"() ({
      %run_scoped3A = tpu.sem_alloc : memref<!tpu.dma_semaphore, #tpu.memory_space<semaphore_mem>>
      %dma_start3A = arith.constant 0 : i32
      %dma_start3A_20 = arith.constant 0 : i32
      %dma_start3A_21 = tpu.memref_slice %arg5[%dma_start3A, %dma_start3A_20] : memref<6250x8xf32, #tpu.memory_space<hbm>> -> memref<1024x8xf32, #tpu.memory_space<hbm>>
      %dma_start3A_22 = arith.constant 0 : i32
      %dma_start3A_23 = arith.constant 0 : i32
      %dma_start3A_24 = tpu.memref_slice %arg5[%dma_start3A_22, %dma_start3A_23] : memref<6250x8xf32, #tpu.memory_space<hbm>> -> memref<1024x8xf32, #tpu.memory_space<hbm>>
      tpu.enqueue_dma source(%dma_start3A_24 : memref<1024x8xf32, #tpu.memory_space<hbm>>) target(%arg21 : memref<1024x8xf32, #tpu.memory_space<vmem>>) target_semaphore(%run_scoped3A : memref<!tpu.dma_semaphore, #tpu.memory_space<semaphore_mem>>)
      %dma_wait3A_25 = arith.constant 0 : i32
      %dma_wait3A_26 = arith.constant 0 : i32
      %dma_wait3A_27 = tpu.memref_slice %arg5[%dma_wait3A_25, %dma_wait3A_26] : memref<6250x8xf32, #tpu.memory_space<hbm>> -> memref<1024x8xf32, #tpu.memory_space<hbm>>
      %dma_wait3A_28 = arith.constant 0 : i32
      %dma_wait3A_29 = arith.constant 0 : i32
      %dma_wait3A_30 = tpu.memref_slice %arg5[%dma_wait3A_28, %dma_wait3A_29] : memref<6250x8xf32, #tpu.memory_space<hbm>> -> memref<1024x8xf32, #tpu.memory_space<hbm>>
      tpu.wait_dma2 semaphore(%run_scoped3A : memref<!tpu.dma_semaphore, #tpu.memory_space<semaphore_mem>>) src(%dma_wait3A_30 : memref<1024x8xf32, #tpu.memory_space<hbm>>) dst(%arg21 : memref<1024x8xf32, #tpu.memory_space<vmem>>)
      tpu.yield
    }) : () -> ()
    "tpu.region"() ({
      %run_scoped3A = tpu.sem_alloc : memref<!tpu.dma_semaphore, #tpu.memory_space<semaphore_mem>>
      %dma_start3A = arith.constant 0 : i32
      %dma_start3A_20 = arith.constant 0 : i32
      %dma_start3A_21 = tpu.memref_slice %arg5[%dma_start3A, %dma_start3A_20] : memref<6250x8xf32, #tpu.memory_space<hbm>> -> memref<1024x8xf32, #tpu.memory_space<hbm>>
      %dma_start3A_22 = arith.constant 0 : i32
      %dma_start3A_23 = arith.constant 0 : i32
      %dma_start3A_24 = tpu.memref_slice %arg5[%dma_start3A_22, %dma_start3A_23] : memref<6250x8xf32, #tpu.memory_space<hbm>> -> memref<1024x8xf32, #tpu.memory_space<hbm>>
      tpu.enqueue_dma source(%dma_start3A_24 : memref<1024x8xf32, #tpu.memory_space<hbm>>) target(%arg22 : memref<1024x8xf32, #tpu.memory_space<vmem>>) target_semaphore(%run_scoped3A : memref<!tpu.dma_semaphore, #tpu.memory_space<semaphore_mem>>)
      %dma_wait3A_25 = arith.constant 0 : i32
      %dma_wait3A_26 = arith.constant 0 : i32
      %dma_wait3A_27 = tpu.memref_slice %arg5[%dma_wait3A_25, %dma_wait3A_26] : memref<6250x8xf32, #tpu.memory_space<hbm>> -> memref<1024x8xf32, #tpu.memory_space<hbm>>
      %dma_wait3A_28 = arith.constant 0 : i32
      %dma_wait3A_29 = arith.constant 0 : i32
      %dma_wait3A_30 = tpu.memref_slice %arg5[%dma_wait3A_28, %dma_wait3A_29] : memref<6250x8xf32, #tpu.memory_space<hbm>> -> memref<1024x8xf32, #tpu.memory_space<hbm>>
      tpu.wait_dma2 semaphore(%run_scoped3A : memref<!tpu.dma_semaphore, #tpu.memory_space<semaphore_mem>>) src(%dma_wait3A_30 : memref<1024x8xf32, #tpu.memory_space<hbm>>) dst(%arg22 : memref<1024x8xf32, #tpu.memory_space<vmem>>)
      tpu.yield
    }) : () -> ()
    %barrier3A = arith.constant 0 : index
    tpu.barrier barrier_id(%barrier3A)
    %iota3A = tpu.iota {dimensions = array<i32: 0>} : vector<16xi32>
    %lt3A = arith.constant 6250 : i32
    %lt3A_3 = arith.cmpi slt, %add3A, %lt3A : i32
    %convert_element_type3A = arith.extui %lt3A_3 : i1 to i32
    %cond3A = arith.constant 0 : i32
    %cond3A_4 = arith.cmpi ne, %convert_element_type3A, %cond3A : i32
    scf.if %cond3A_4 {
      %mul3A_20 = arith.constant 1024 : i32
      %mul3A_21 = arith.muli %add3A, %mul3A_20 : i32
      %dma_start3A = tpu.memref_slice %arg3[%mul3A_21] : memref<12800000xi32, #tpu.memory_space<hbm>> -> memref<1024xi32, #tpu.memory_space<hbm>>
      %dma_start3A_22 = tpu.memref_slice %arg3[%mul3A_21] : memref<12800000xi32, #tpu.memory_space<hbm>> -> memref<1024xi32, #tpu.memory_space<hbm>>
      tpu.enqueue_dma source(%dma_start3A_22 : memref<1024xi32, #tpu.memory_space<hbm>>) target(%arg7 : memref<1024xi32, #tpu.memory_space<vmem>>) target_semaphore(%arg26 : memref<!tpu.dma_semaphore, #tpu.memory_space<semaphore_mem>>)
      %mul3A_23 = arith.constant 1024 : i32
      %mul3A_24 = arith.muli %add3A, %mul3A_23 : i32
      %add3A_25 = arith.constant 6400000 : i32
      %add3A_26 = arith.addi %add3A_25, %mul3A_24 : i32
      %dma_start3A_27 = tpu.memref_slice %arg3[%add3A_26] : memref<12800000xi32, #tpu.memory_space<hbm>> -> memref<1024xi32, #tpu.memory_space<hbm>>
      %dma_start3A_28 = tpu.memref_slice %arg3[%add3A_26] : memref<12800000xi32, #tpu.memory_space<hbm>> -> memref<1024xi32, #tpu.memory_space<hbm>>
      tpu.enqueue_dma source(%dma_start3A_28 : memref<1024xi32, #tpu.memory_space<hbm>>) target(%arg9 : memref<1024xi32, #tpu.memory_space<vmem>>) target_semaphore(%arg26 : memref<!tpu.dma_semaphore, #tpu.memory_space<semaphore_mem>>)
      %mul3A_29 = arith.constant 8 : i32
      %mul3A_30 = arith.muli %add3A, %mul3A_29 : i32
      %dma_start3A_31 = arith.constant 0 : i32
      %dma_start3A_32 = arith.constant 0 : i32
      %dma_start3A_33 = tpu.memref_slice %arg4[%mul3A_30, %dma_start3A_31, %dma_start3A_32] : memref<50000x4x128xf32, #tpu.memory_space<hbm>> -> memref<8x1x128xf32, #tpu.memory_space<hbm>>
      %dma_start3A_34 = tpu.memref_squeeze %dma_start3A_33 : memref<8x1x128xf32, #tpu.memory_space<hbm>> -> memref<8x128xf32, #tpu.memory_space<hbm>>
      %dma_start3A_35 = arith.constant 0 : i32
      %dma_start3A_36 = tpu.memref_slice %arg4[%mul3A_30, %dma_start3A_31, %dma_start3A_35] : memref<50000x4x128xf32, #tpu.memory_space<hbm>> -> memref<8x1x128xf32, #tpu.memory_space<hbm>>
      %dma_start3A_37 = tpu.memref_squeeze %dma_start3A_36 : memref<8x1x128xf32, #tpu.memory_space<hbm>> -> memref<8x128xf32, #tpu.memory_space<hbm>>
      tpu.enqueue_dma source(%dma_start3A_37 : memref<8x128xf32, #tpu.memory_space<hbm>>) target(%arg11 : memref<8x128xf32, #tpu.memory_space<vmem>>) target_semaphore(%arg26 : memref<!tpu.dma_semaphore, #tpu.memory_space<semaphore_mem>>)
      %mul3A_38 = arith.constant 8 : i32
      %mul3A_39 = arith.muli %add3A, %mul3A_38 : i32
      %dma_start3A_40 = arith.constant 1 : i32
      %dma_start3A_41 = arith.constant 0 : i32
      %dma_start3A_42 = tpu.memref_slice %arg4[%mul3A_39, %dma_start3A_40, %dma_start3A_41] : memref<50000x4x128xf32, #tpu.memory_space<hbm>> -> memref<8x1x128xf32, #tpu.memory_space<hbm>>
      %dma_start3A_43 = tpu.memref_squeeze %dma_start3A_42 : memref<8x1x128xf32, #tpu.memory_space<hbm>> -> memref<8x128xf32, #tpu.memory_space<hbm>>
      %dma_start3A_44 = arith.constant 0 : i32
      %dma_start3A_45 = tpu.memref_slice %arg4[%mul3A_39, %dma_start3A_40, %dma_start3A_44] : memref<50000x4x128xf32, #tpu.memory_space<hbm>> -> memref<8x1x128xf32, #tpu.memory_space<hbm>>
      %dma_start3A_46 = tpu.memref_squeeze %dma_start3A_45 : memref<8x1x128xf32, #tpu.memory_space<hbm>> -> memref<8x128xf32, #tpu.memory_space<hbm>>
      tpu.enqueue_dma source(%dma_start3A_46 : memref<8x128xf32, #tpu.memory_space<hbm>>) target(%arg13 : memref<8x128xf32, #tpu.memory_space<vmem>>) target_semaphore(%arg26 : memref<!tpu.dma_semaphore, #tpu.memory_space<semaphore_mem>>)
      %mul3A_47 = arith.constant 8 : i32
      %mul3A_48 = arith.muli %add3A, %mul3A_47 : i32
      %dma_start3A_49 = arith.constant 2 : i32
      %dma_start3A_50 = arith.constant 0 : i32
      %dma_start3A_51 = tpu.memref_slice %arg4[%mul3A_48, %dma_start3A_49, %dma_start3A_50] : memref<50000x4x128xf32, #tpu.memory_space<hbm>> -> memref<8x1x128xf32, #tpu.memory_space<hbm>>
      %dma_start3A_52 = tpu.memref_squeeze %dma_start3A_51 : memref<8x1x128xf32, #tpu.memory_space<hbm>> -> memref<8x128xf32, #tpu.memory_space<hbm>>
      %dma_start3A_53 = arith.constant 0 : i32
      %dma_start3A_54 = tpu.memref_slice %arg4[%mul3A_48, %dma_start3A_49, %dma_start3A_53] : memref<50000x4x128xf32, #tpu.memory_space<hbm>> -> memref<8x1x128xf32, #tpu.memory_space<hbm>>
      %dma_start3A_55 = tpu.memref_squeeze %dma_start3A_54 : memref<8x1x128xf32, #tpu.memory_space<hbm>> -> memref<8x128xf32, #tpu.memory_space<hbm>>
      tpu.enqueue_dma source(%dma_start3A_55 : memref<8x128xf32, #tpu.memory_space<hbm>>) target(%arg15 : memref<8x128xf32, #tpu.memory_space<vmem>>) target_semaphore(%arg26 : memref<!tpu.dma_semaphore, #tpu.memory_space<semaphore_mem>>)
      %mul3A_56 = arith.constant 1024 : i32
      %mul3A_57 = arith.muli %add3A, %mul3A_56 : i32
      %dma_wait3A_58 = tpu.memref_slice %arg3[%mul3A_57] : memref<12800000xi32, #tpu.memory_space<hbm>> -> memref<1024xi32, #tpu.memory_space<hbm>>
      %dma_wait3A_59 = tpu.memref_slice %arg3[%mul3A_57] : memref<12800000xi32, #tpu.memory_space<hbm>> -> memref<1024xi32, #tpu.memory_space<hbm>>
      tpu.wait_dma2 semaphore(%arg26 : memref<!tpu.dma_semaphore, #tpu.memory_space<semaphore_mem>>) src(%dma_wait3A_59 : memref<1024xi32, #tpu.memory_space<hbm>>) dst(%arg7 : memref<1024xi32, #tpu.memory_space<vmem>>)
      %mul3A_60 = arith.constant 1024 : i32
      %mul3A_61 = arith.muli %add3A, %mul3A_60 : i32
      %add3A_62 = arith.constant 6400000 : i32
      %add3A_63 = arith.addi %add3A_62, %mul3A_61 : i32
      %dma_wait3A_64 = tpu.memref_slice %arg3[%add3A_63] : memref<12800000xi32, #tpu.memory_space<hbm>> -> memref<1024xi32, #tpu.memory_space<hbm>>
      %dma_wait3A_65 = tpu.memref_slice %arg3[%add3A_63] : memref<12800000xi32, #tpu.memory_space<hbm>> -> memref<1024xi32, #tpu.memory_space<hbm>>
      tpu.wait_dma2 semaphore(%arg26 : memref<!tpu.dma_semaphore, #tpu.memory_space<semaphore_mem>>) src(%dma_wait3A_65 : memref<1024xi32, #tpu.memory_space<hbm>>) dst(%arg9 : memref<1024xi32, #tpu.memory_space<vmem>>)
      %mul3A_66 = arith.constant 8 : i32
      %mul3A_67 = arith.muli %add3A, %mul3A_66 : i32
      %dma_wait3A_68 = arith.constant 0 : i32
      %dma_wait3A_69 = arith.constant 0 : i32
      %dma_wait3A_70 = tpu.memref_slice %arg4[%mul3A_67, %dma_wait3A_68, %dma_wait3A_69] : memref<50000x4x128xf32, #tpu.memory_space<hbm>> -> memref<8x1x128xf32, #tpu.memory_space<hbm>>
      %dma_wait3A_71 = tpu.memref_squeeze %dma_wait3A_70 : memref<8x1x128xf32, #tpu.memory_space<hbm>> -> memref<8x128xf32, #tpu.memory_space<hbm>>
      %dma_wait3A_72 = arith.constant 0 : i32
      %dma_wait3A_73 = tpu.memref_slice %arg4[%mul3A_67, %dma_wait3A_68, %dma_wait3A_72] : memref<50000x4x128xf32, #tpu.memory_space<hbm>> -> memref<8x1x128xf32, #tpu.memory_space<hbm>>
      %dma_wait3A_74 = tpu.memref_squeeze %dma_wait3A_73 : memref<8x1x128xf32, #tpu.memory_space<hbm>> -> memref<8x128xf32, #tpu.memory_space<hbm>>
      tpu.wait_dma2 semaphore(%arg26 : memref<!tpu.dma_semaphore, #tpu.memory_space<semaphore_mem>>) src(%dma_wait3A_74 : memref<8x128xf32, #tpu.memory_space<hbm>>) dst(%arg11 : memref<8x128xf32, #tpu.memory_space<vmem>>)
      %mul3A_75 = arith.constant 8 : i32
      %mul3A_76 = arith.muli %add3A, %mul3A_75 : i32
      %dma_wait3A_77 = arith.constant 1 : i32
      %dma_wait3A_78 = arith.constant 0 : i32
      %dma_wait3A_79 = tpu.memref_slice %arg4[%mul3A_76, %dma_wait3A_77, %dma_wait3A_78] : memref<50000x4x128xf32, #tpu.memory_space<hbm>> -> memref<8x1x128xf32, #tpu.memory_space<hbm>>
      %dma_wait3A_80 = tpu.memref_squeeze %dma_wait3A_79 : memref<8x1x128xf32, #tpu.memory_space<hbm>> -> memref<8x128xf32, #tpu.memory_space<hbm>>
      %dma_wait3A_81 = arith.constant 0 : i32
      %dma_wait3A_82 = tpu.memref_slice %arg4[%mul3A_76, %dma_wait3A_77, %dma_wait3A_81] : memref<50000x4x128xf32, #tpu.memory_space<hbm>> -> memref<8x1x128xf32, #tpu.memory_space<hbm>>
      %dma_wait3A_83 = tpu.memref_squeeze %dma_wait3A_82 : memref<8x1x128xf32, #tpu.memory_space<hbm>> -> memref<8x128xf32, #tpu.memory_space<hbm>>
      tpu.wait_dma2 semaphore(%arg26 : memref<!tpu.dma_semaphore, #tpu.memory_space<semaphore_mem>>) src(%dma_wait3A_83 : memref<8x128xf32, #tpu.memory_space<hbm>>) dst(%arg13 : memref<8x128xf32, #tpu.memory_space<vmem>>)
      %mul3A_84 = arith.constant 8 : i32
      %mul3A_85 = arith.muli %add3A, %mul3A_84 : i32
      %dma_wait3A_86 = arith.constant 2 : i32
      %dma_wait3A_87 = arith.constant 0 : i32
      %dma_wait3A_88 = tpu.memref_slice %arg4[%mul3A_85, %dma_wait3A_86, %dma_wait3A_87] : memref<50000x4x128xf32, #tpu.memory_space<hbm>> -> memref<8x1x128xf32, #tpu.memory_space<hbm>>
      %dma_wait3A_89 = tpu.memref_squeeze %dma_wait3A_88 : memref<8x1x128xf32, #tpu.memory_space<hbm>> -> memref<8x128xf32, #tpu.memory_space<hbm>>
      %dma_wait3A_90 = arith.constant 0 : i32
      %dma_wait3A_91 = tpu.memref_slice %arg4[%mul3A_85, %dma_wait3A_86, %dma_wait3A_90] : memref<50000x4x128xf32, #tpu.memory_space<hbm>> -> memref<8x1x128xf32, #tpu.memory_space<hbm>>
      %dma_wait3A_92 = tpu.memref_squeeze %dma_wait3A_91 : memref<8x1x128xf32, #tpu.memory_space<hbm>> -> memref<8x128xf32, #tpu.memory_space<hbm>>
      tpu.wait_dma2 semaphore(%arg26 : memref<!tpu.dma_semaphore, #tpu.memory_space<semaphore_mem>>) src(%dma_wait3A_92 : memref<8x128xf32, #tpu.memory_space<hbm>>) dst(%arg15 : memref<8x128xf32, #tpu.memory_space<vmem>>)
      %dma_start3A_93 = arith.constant 0 : i32
      %dma_start3A_94 = arith.constant 0 : i32
      %dma_start3A_95 = tpu.memref_slice %arg2[%dma_start3A_93, %dma_start3A_94] : memref<100000x8xf32, #tpu.memory_space<hbm>> -> memref<100000x8xf32, #tpu.memory_space<hbm>>
      tpu.enqueue_indirect_dma source(%dma_start3A_95 : memref<100000x8xf32, #tpu.memory_space<hbm>>) target(%arg17 : memref<1024x8xf32, #tpu.memory_space<vmem>>) offsets(%arg7 : memref<1024xi32, #tpu.memory_space<vmem>>) semaphore(%arg27 : memref<!tpu.dma_semaphore, #tpu.memory_space<semaphore_mem>>)
      %dma_start3A_96 = arith.constant 0 : i32
      %dma_start3A_97 = arith.constant 0 : i32
      %dma_start3A_98 = tpu.memref_slice %arg2[%dma_start3A_96, %dma_start3A_97] : memref<100000x8xf32, #tpu.memory_space<hbm>> -> memref<100000x8xf32, #tpu.memory_space<hbm>>
      tpu.enqueue_indirect_dma source(%dma_start3A_98 : memref<100000x8xf32, #tpu.memory_space<hbm>>) target(%arg19 : memref<1024x8xf32, #tpu.memory_space<vmem>>) offsets(%arg9 : memref<1024xi32, #tpu.memory_space<vmem>>) semaphore(%arg27 : memref<!tpu.dma_semaphore, #tpu.memory_space<semaphore_mem>>)
    } else {
    }
    %scan3A = arith.constant 0 : i32
    %scan3A_5 = arith.constant 0 : i32
    %scan3A_6 = arith.constant 98 : i32
    %scan3A_7 = arith.addi %scan3A_5, %scan3A_6 : i32
    %scan3A_8 = arith.constant 1 : i32
    scf.for %scan3A_20 = %scan3A_5 to %scan3A_7 step %scan3A_8  : i32 {
      %mul3A_21 = arith.constant 2 : i32
      %mul3A_22 = arith.muli %scan3A_20, %mul3A_21 : i32
      %mul3A_23 = arith.constant 32 : i32
      %mul3A_24 = arith.muli %mul3A_22, %mul3A_23 : i32
      %add3A_25 = arith.addi %add3A, %mul3A_24 : i32
      %add3A_26 = arith.constant 32 : i32
      %add3A_27 = arith.addi %add3A_25, %add3A_26 : i32
      %lt3A_28 = arith.constant 6250 : i32
      %lt3A_29 = arith.cmpi slt, %add3A_27, %lt3A_28 : i32
      %convert_element_type3A_30 = arith.extui %lt3A_29 : i1 to i32
      %cond3A_31 = arith.constant 0 : i32
      %cond3A_32 = arith.cmpi ne, %convert_element_type3A_30, %cond3A_31 : i32
      scf.if %cond3A_32 {
        %mul3A_87 = arith.constant 1024 : i32
        %mul3A_88 = arith.muli %add3A_27, %mul3A_87 : i32
        %dma_start3A = tpu.memref_slice %arg3[%mul3A_88] : memref<12800000xi32, #tpu.memory_space<hbm>> -> memref<1024xi32, #tpu.memory_space<hbm>>
        %dma_start3A_89 = tpu.memref_slice %arg3[%mul3A_88] : memref<12800000xi32, #tpu.memory_space<hbm>> -> memref<1024xi32, #tpu.memory_space<hbm>>
        tpu.enqueue_dma source(%dma_start3A_89 : memref<1024xi32, #tpu.memory_space<hbm>>) target(%arg8 : memref<1024xi32, #tpu.memory_space<vmem>>) target_semaphore(%arg26 : memref<!tpu.dma_semaphore, #tpu.memory_space<semaphore_mem>>)
        %mul3A_90 = arith.constant 1024 : i32
        %mul3A_91 = arith.muli %add3A_27, %mul3A_90 : i32
        %add3A_92 = arith.constant 6400000 : i32
        %add3A_93 = arith.addi %add3A_92, %mul3A_91 : i32
        %dma_start3A_94 = tpu.memref_slice %arg3[%add3A_93] : memref<12800000xi32, #tpu.memory_space<hbm>> -> memref<1024xi32, #tpu.memory_space<hbm>>
        %dma_start3A_95 = tpu.memref_slice %arg3[%add3A_93] : memref<12800000xi32, #tpu.memory_space<hbm>> -> memref<1024xi32, #tpu.memory_space<hbm>>
        tpu.enqueue_dma source(%dma_start3A_95 : memref<1024xi32, #tpu.memory_space<hbm>>) target(%arg10 : memref<1024xi32, #tpu.memory_space<vmem>>) target_semaphore(%arg26 : memref<!tpu.dma_semaphore, #tpu.memory_space<semaphore_mem>>)
        %mul3A_96 = arith.constant 8 : i32
        %mul3A_97 = arith.muli %add3A_27, %mul3A_96 : i32
        %dma_start3A_98 = arith.constant 0 : i32
        %dma_start3A_99 = arith.constant 0 : i32
        %dma_start3A_100 = tpu.memref_slice %arg4[%mul3A_97, %dma_start3A_98, %dma_start3A_99] : memref<50000x4x128xf32, #tpu.memory_space<hbm>> -> memref<8x1x128xf32, #tpu.memory_space<hbm>>
        %dma_start3A_101 = tpu.memref_squeeze %dma_start3A_100 : memref<8x1x128xf32, #tpu.memory_space<hbm>> -> memref<8x128xf32, #tpu.memory_space<hbm>>
        %dma_start3A_102 = arith.constant 0 : i32
        %dma_start3A_103 = tpu.memref_slice %arg4[%mul3A_97, %dma_start3A_98, %dma_start3A_102] : memref<50000x4x128xf32, #tpu.memory_space<hbm>> -> memref<8x1x128xf32, #tpu.memory_space<hbm>>
        %dma_start3A_104 = tpu.memref_squeeze %dma_start3A_103 : memref<8x1x128xf32, #tpu.memory_space<hbm>> -> memref<8x128xf32, #tpu.memory_space<hbm>>
        tpu.enqueue_dma source(%dma_start3A_104 : memref<8x128xf32, #tpu.memory_space<hbm>>) target(%arg12 : memref<8x128xf32, #tpu.memory_space<vmem>>) target_semaphore(%arg26 : memref<!tpu.dma_semaphore, #tpu.memory_space<semaphore_mem>>)
        %mul3A_105 = arith.constant 8 : i32
        %mul3A_106 = arith.muli %add3A_27, %mul3A_105 : i32
        %dma_start3A_107 = arith.constant 1 : i32
        %dma_start3A_108 = arith.constant 0 : i32
        %dma_start3A_109 = tpu.memref_slice %arg4[%mul3A_106, %dma_start3A_107, %dma_start3A_108] : memref<50000x4x128xf32, #tpu.memory_space<hbm>> -> memref<8x1x128xf32, #tpu.memory_space<hbm>>
        %dma_start3A_110 = tpu.memref_squeeze %dma_start3A_109 : memref<8x1x128xf32, #tpu.memory_space<hbm>> -> memref<8x128xf32, #tpu.memory_space<hbm>>
        %dma_start3A_111 = arith.constant 0 : i32
        %dma_start3A_112 = tpu.memref_slice %arg4[%mul3A_106, %dma_start3A_107, %dma_start3A_111] : memref<50000x4x128xf32, #tpu.memory_space<hbm>> -> memref<8x1x128xf32, #tpu.memory_space<hbm>>
        %dma_start3A_113 = tpu.memref_squeeze %dma_start3A_112 : memref<8x1x128xf32, #tpu.memory_space<hbm>> -> memref<8x128xf32, #tpu.memory_space<hbm>>
        tpu.enqueue_dma source(%dma_start3A_113 : memref<8x128xf32, #tpu.memory_space<hbm>>) target(%arg14 : memref<8x128xf32, #tpu.memory_space<vmem>>) target_semaphore(%arg26 : memref<!tpu.dma_semaphore, #tpu.memory_space<semaphore_mem>>)
        %mul3A_114 = arith.constant 8 : i32
        %mul3A_115 = arith.muli %add3A_27, %mul3A_114 : i32
        %dma_start3A_116 = arith.constant 2 : i32
        %dma_start3A_117 = arith.constant 0 : i32
        %dma_start3A_118 = tpu.memref_slice %arg4[%mul3A_115, %dma_start3A_116, %dma_start3A_117] : memref<50000x4x128xf32, #tpu.memory_space<hbm>> -> memref<8x1x128xf32, #tpu.memory_space<hbm>>
        %dma_start3A_119 = tpu.memref_squeeze %dma_start3A_118 : memref<8x1x128xf32, #tpu.memory_space<hbm>> -> memref<8x128xf32, #tpu.memory_space<hbm>>
        %dma_start3A_120 = arith.constant 0 : i32
        %dma_start3A_121 = tpu.memref_slice %arg4[%mul3A_115, %dma_start3A_116, %dma_start3A_120] : memref<50000x4x128xf32, #tpu.memory_space<hbm>> -> memref<8x1x128xf32, #tpu.memory_space<hbm>>
        %dma_start3A_122 = tpu.memref_squeeze %dma_start3A_121 : memref<8x1x128xf32, #tpu.memory_space<hbm>> -> memref<8x128xf32, #tpu.memory_space<hbm>>
        tpu.enqueue_dma source(%dma_start3A_122 : memref<8x128xf32, #tpu.memory_space<hbm>>) target(%arg16 : memref<8x128xf32, #tpu.memory_space<vmem>>) target_semaphore(%arg26 : memref<!tpu.dma_semaphore, #tpu.memory_space<semaphore_mem>>)
      } else {
      }
      %lt3A_33 = arith.constant 6250 : i32
      %lt3A_34 = arith.cmpi slt, %add3A_27, %lt3A_33 : i32
      %convert_element_type3A_35 = arith.extui %lt3A_34 : i1 to i32
      %cond3A_36 = arith.constant 0 : i32
      %cond3A_37 = arith.cmpi ne, %convert_element_type3A_35, %cond3A_36 : i32
      scf.if %cond3A_37 {
        %mul3A_87 = arith.constant 1024 : i32
        %mul3A_88 = arith.muli %add3A_27, %mul3A_87 : i32
        %dma_wait3A_89 = tpu.memref_slice %arg3[%mul3A_88] : memref<12800000xi32, #tpu.memory_space<hbm>> -> memref<1024xi32, #tpu.memory_space<hbm>>
        %dma_wait3A_90 = tpu.memref_slice %arg3[%mul3A_88] : memref<12800000xi32, #tpu.memory_space<hbm>> -> memref<1024xi32, #tpu.memory_space<hbm>>
        tpu.wait_dma2 semaphore(%arg26 : memref<!tpu.dma_semaphore, #tpu.memory_space<semaphore_mem>>) src(%dma_wait3A_90 : memref<1024xi32, #tpu.memory_space<hbm>>) dst(%arg8 : memref<1024xi32, #tpu.memory_space<vmem>>)
        %mul3A_91 = arith.constant 1024 : i32
        %mul3A_92 = arith.muli %add3A_27, %mul3A_91 : i32
        %add3A_93 = arith.constant 6400000 : i32
        %add3A_94 = arith.addi %add3A_93, %mul3A_92 : i32
        %dma_wait3A_95 = tpu.memref_slice %arg3[%add3A_94] : memref<12800000xi32, #tpu.memory_space<hbm>> -> memref<1024xi32, #tpu.memory_space<hbm>>
        %dma_wait3A_96 = tpu.memref_slice %arg3[%add3A_94] : memref<12800000xi32, #tpu.memory_space<hbm>> -> memref<1024xi32, #tpu.memory_space<hbm>>
        tpu.wait_dma2 semaphore(%arg26 : memref<!tpu.dma_semaphore, #tpu.memory_space<semaphore_mem>>) src(%dma_wait3A_96 : memref<1024xi32, #tpu.memory_space<hbm>>) dst(%arg10 : memref<1024xi32, #tpu.memory_space<vmem>>)
        %mul3A_97 = arith.constant 8 : i32
        %mul3A_98 = arith.muli %add3A_27, %mul3A_97 : i32
        %dma_wait3A_99 = arith.constant 0 : i32
        %dma_wait3A_100 = arith.constant 0 : i32
        %dma_wait3A_101 = tpu.memref_slice %arg4[%mul3A_98, %dma_wait3A_99, %dma_wait3A_100] : memref<50000x4x128xf32, #tpu.memory_space<hbm>> -> memref<8x1x128xf32, #tpu.memory_space<hbm>>
        %dma_wait3A_102 = tpu.memref_squeeze %dma_wait3A_101 : memref<8x1x128xf32, #tpu.memory_space<hbm>> -> memref<8x128xf32, #tpu.memory_space<hbm>>
        %dma_wait3A_103 = arith.constant 0 : i32
        %dma_wait3A_104 = tpu.memref_slice %arg4[%mul3A_98, %dma_wait3A_99, %dma_wait3A_103] : memref<50000x4x128xf32, #tpu.memory_space<hbm>> -> memref<8x1x128xf32, #tpu.memory_space<hbm>>
        %dma_wait3A_105 = tpu.memref_squeeze %dma_wait3A_104 : memref<8x1x128xf32, #tpu.memory_space<hbm>> -> memref<8x128xf32, #tpu.memory_space<hbm>>
        tpu.wait_dma2 semaphore(%arg26 : memref<!tpu.dma_semaphore, #tpu.memory_space<semaphore_mem>>) src(%dma_wait3A_105 : memref<8x128xf32, #tpu.memory_space<hbm>>) dst(%arg12 : memref<8x128xf32, #tpu.memory_space<vmem>>)
        %mul3A_106 = arith.constant 8 : i32
        %mul3A_107 = arith.muli %add3A_27, %mul3A_106 : i32
        %dma_wait3A_108 = arith.constant 1 : i32
        %dma_wait3A_109 = arith.constant 0 : i32
        %dma_wait3A_110 = tpu.memref_slice %arg4[%mul3A_107, %dma_wait3A_108, %dma_wait3A_109] : memref<50000x4x128xf32, #tpu.memory_space<hbm>> -> memref<8x1x128xf32, #tpu.memory_space<hbm>>
        %dma_wait3A_111 = tpu.memref_squeeze %dma_wait3A_110 : memref<8x1x128xf32, #tpu.memory_space<hbm>> -> memref<8x128xf32, #tpu.memory_space<hbm>>
        %dma_wait3A_112 = arith.constant 0 : i32
        %dma_wait3A_113 = tpu.memref_slice %arg4[%mul3A_107, %dma_wait3A_108, %dma_wait3A_112] : memref<50000x4x128xf32, #tpu.memory_space<hbm>> -> memref<8x1x128xf32, #tpu.memory_space<hbm>>
        %dma_wait3A_114 = tpu.memref_squeeze %dma_wait3A_113 : memref<8x1x128xf32, #tpu.memory_space<hbm>> -> memref<8x128xf32, #tpu.memory_space<hbm>>
        tpu.wait_dma2 semaphore(%arg26 : memref<!tpu.dma_semaphore, #tpu.memory_space<semaphore_mem>>) src(%dma_wait3A_114 : memref<8x128xf32, #tpu.memory_space<hbm>>) dst(%arg14 : memref<8x128xf32, #tpu.memory_space<vmem>>)
        %mul3A_115 = arith.constant 8 : i32
        %mul3A_116 = arith.muli %add3A_27, %mul3A_115 : i32
        %dma_wait3A_117 = arith.constant 2 : i32
        %dma_wait3A_118 = arith.constant 0 : i32
        %dma_wait3A_119 = tpu.memref_slice %arg4[%mul3A_116, %dma_wait3A_117, %dma_wait3A_118] : memref<50000x4x128xf32, #tpu.memory_space<hbm>> -> memref<8x1x128xf32, #tpu.memory_space<hbm>>
        %dma_wait3A_120 = tpu.memref_squeeze %dma_wait3A_119 : memref<8x1x128xf32, #tpu.memory_space<hbm>> -> memref<8x128xf32, #tpu.memory_space<hbm>>
        %dma_wait3A_121 = arith.constant 0 : i32
        %dma_wait3A_122 = tpu.memref_slice %arg4[%mul3A_116, %dma_wait3A_117, %dma_wait3A_121] : memref<50000x4x128xf32, #tpu.memory_space<hbm>> -> memref<8x1x128xf32, #tpu.memory_space<hbm>>
        %dma_wait3A_123 = tpu.memref_squeeze %dma_wait3A_122 : memref<8x1x128xf32, #tpu.memory_space<hbm>> -> memref<8x128xf32, #tpu.memory_space<hbm>>
        tpu.wait_dma2 semaphore(%arg26 : memref<!tpu.dma_semaphore, #tpu.memory_space<semaphore_mem>>) src(%dma_wait3A_123 : memref<8x128xf32, #tpu.memory_space<hbm>>) dst(%arg16 : memref<8x128xf32, #tpu.memory_space<vmem>>)
      } else {
      }
      %lt3A_38 = arith.constant 6250 : i32
      %lt3A_39 = arith.cmpi slt, %add3A_25, %lt3A_38 : i32
      %convert_element_type3A_40 = arith.extui %lt3A_39 : i1 to i32
      %cond3A_41 = arith.constant 0 : i32
      %cond3A_42 = arith.cmpi ne, %convert_element_type3A_40, %cond3A_41 : i32
      scf.if %cond3A_42 {
        %dma_wait3A_87 = arith.constant 0 : i32
        %dma_wait3A_88 = arith.constant 0 : i32
        %dma_wait3A_89 = tpu.memref_slice %arg2[%dma_wait3A_87, %dma_wait3A_88] : memref<100000x8xf32, #tpu.memory_space<hbm>> -> memref<100000x8xf32, #tpu.memory_space<hbm>>
        tpu.wait_indirect_dma semaphore(%arg27 : memref<!tpu.dma_semaphore, #tpu.memory_space<semaphore_mem>>) src(%dma_wait3A_89 : memref<100000x8xf32, #tpu.memory_space<hbm>>) dst(%arg17 : memref<1024x8xf32, #tpu.memory_space<vmem>>)
        %dma_wait3A_90 = arith.constant 0 : i32
        %dma_wait3A_91 = arith.constant 0 : i32
        %dma_wait3A_92 = tpu.memref_slice %arg2[%dma_wait3A_90, %dma_wait3A_91] : memref<100000x8xf32, #tpu.memory_space<hbm>> -> memref<100000x8xf32, #tpu.memory_space<hbm>>
        tpu.wait_indirect_dma semaphore(%arg27 : memref<!tpu.dma_semaphore, #tpu.memory_space<semaphore_mem>>) src(%dma_wait3A_92 : memref<100000x8xf32, #tpu.memory_space<hbm>>) dst(%arg19 : memref<1024x8xf32, #tpu.memory_space<vmem>>)
      } else {
      }
      %lt3A_43 = arith.constant 6250 : i32
      %lt3A_44 = arith.cmpi slt, %add3A_27, %lt3A_43 : i32
      %convert_element_type3A_45 = arith.extui %lt3A_44 : i1 to i32
      %cond3A_46 = arith.constant 0 : i32
      %cond3A_47 = arith.cmpi ne, %convert_element_type3A_45, %cond3A_46 : i32
      scf.if %cond3A_47 {
        %dma_start3A = arith.constant 0 : i32
        %dma_start3A_87 = arith.constant 0 : i32
        %dma_start3A_88 = tpu.memref_slice %arg2[%dma_start3A, %dma_start3A_87] : memref<100000x8xf32, #tpu.memory_space<hbm>> -> memref<100000x8xf32, #tpu.memory_space<hbm>>
        tpu.enqueue_indirect_dma source(%dma_start3A_88 : memref<100000x8xf32, #tpu.memory_space<hbm>>) target(%arg18 : memref<1024x8xf32, #tpu.memory_space<vmem>>) offsets(%arg8 : memref<1024xi32, #tpu.memory_space<vmem>>) semaphore(%arg27 : memref<!tpu.dma_semaphore, #tpu.memory_space<semaphore_mem>>)
        %dma_start3A_89 = arith.constant 0 : i32
        %dma_start3A_90 = arith.constant 0 : i32
        %dma_start3A_91 = tpu.memref_slice %arg2[%dma_start3A_89, %dma_start3A_90] : memref<100000x8xf32, #tpu.memory_space<hbm>> -> memref<100000x8xf32, #tpu.memory_space<hbm>>
        tpu.enqueue_indirect_dma source(%dma_start3A_91 : memref<100000x8xf32, #tpu.memory_space<hbm>>) target(%arg20 : memref<1024x8xf32, #tpu.memory_space<vmem>>) offsets(%arg10 : memref<1024xi32, #tpu.memory_space<vmem>>) semaphore(%arg27 : memref<!tpu.dma_semaphore, #tpu.memory_space<semaphore_mem>>)
      } else {
      }
      %lt3A_48 = arith.constant 6250 : i32
      %lt3A_49 = arith.cmpi slt, %add3A_25, %lt3A_48 : i32
      %convert_element_type3A_50 = arith.extui %lt3A_49 : i1 to i32
      %cond3A_51 = arith.constant 0 : i32
      %cond3A_52 = arith.cmpi ne, %convert_element_type3A_50, %cond3A_51 : i32
      scf.if %cond3A_52 {
        %scan3A_87 = arith.constant 0 : i32
        %scan3A_88 = arith.constant 0 : i32
        %scan3A_89 = arith.constant 64 : i32
        %scan3A_90 = arith.addi %scan3A_88, %scan3A_89 : i32
        %scan3A_91 = arith.constant 1 : i32
        scf.for %scan3A_100 = %scan3A_88 to %scan3A_90 step %scan3A_91  : i32 {
          %mul3A_101 = arith.constant 16 : i32
          %mul3A_102 = arith.muli %scan3A_100, %mul3A_101 : i32
          %add3A_103 = vector.broadcast %mul3A_102 : i32 to vector<16xi32>
          %add3A_104 = arith.addi %add3A_103, %iota3A : vector<16xi32>
          %shift_right_arithmetic3A = arith.constant 3 : i32
          %shift_right_arithmetic3A_105 = arith.shrsi %scan3A_100, %shift_right_arithmetic3A : i32
          %and3A = arith.constant 7 : i32
          %and3A_106 = arith.andi %scan3A_100, %and3A : i32
          %mul3A_107 = arith.constant 16 : i32
          %mul3A_108 = arith.muli %and3A_106, %mul3A_107 : i32
          %broadcast_in_dim3A = arith.constant 0 : i32
          %broadcast_in_dim3A_109 = vector.broadcast %broadcast_in_dim3A : i32 to vector<16xi32>
          %gather3A = tpu.vector_load_idx %arg17[%add3A_104, %broadcast_in_dim3A_109] : memref<1024x8xf32, #tpu.memory_space<vmem>>[vector<16xi32>, vector<16xi32>], vector<16xf32>,
          %broadcast_in_dim3A_110 = arith.constant 1 : i32
          %broadcast_in_dim3A_111 = vector.broadcast %broadcast_in_dim3A_110 : i32 to vector<16xi32>
          %gather3A_112 = tpu.vector_load_idx %arg17[%add3A_104, %broadcast_in_dim3A_111] : memref<1024x8xf32, #tpu.memory_space<vmem>>[vector<16xi32>, vector<16xi32>], vector<16xf32>,
          %broadcast_in_dim3A_113 = arith.constant 2 : i32
          %broadcast_in_dim3A_114 = vector.broadcast %broadcast_in_dim3A_113 : i32 to vector<16xi32>
          %gather3A_115 = tpu.vector_load_idx %arg17[%add3A_104, %broadcast_in_dim3A_114] : memref<1024x8xf32, #tpu.memory_space<vmem>>[vector<16xi32>, vector<16xi32>], vector<16xf32>,
          %broadcast_in_dim3A_116 = arith.constant 3 : i32
          %broadcast_in_dim3A_117 = vector.broadcast %broadcast_in_dim3A_116 : i32 to vector<16xi32>
          %gather3A_118 = tpu.vector_load_idx %arg17[%add3A_104, %broadcast_in_dim3A_117] : memref<1024x8xf32, #tpu.memory_space<vmem>>[vector<16xi32>, vector<16xi32>], vector<16xf32>,
          %broadcast_in_dim3A_119 = arith.constant 0 : i32
          %broadcast_in_dim3A_120 = vector.broadcast %broadcast_in_dim3A_119 : i32 to vector<16xi32>
          %gather3A_121 = tpu.vector_load_idx %arg19[%add3A_104, %broadcast_in_dim3A_120] : memref<1024x8xf32, #tpu.memory_space<vmem>>[vector<16xi32>, vector<16xi32>], vector<16xf32>,
          %broadcast_in_dim3A_122 = arith.constant 1 : i32
          %broadcast_in_dim3A_123 = vector.broadcast %broadcast_in_dim3A_122 : i32 to vector<16xi32>
          %gather3A_124 = tpu.vector_load_idx %arg19[%add3A_104, %broadcast_in_dim3A_123] : memref<1024x8xf32, #tpu.memory_space<vmem>>[vector<16xi32>, vector<16xi32>], vector<16xf32>,
          %broadcast_in_dim3A_125 = arith.constant 2 : i32
          %broadcast_in_dim3A_126 = vector.broadcast %broadcast_in_dim3A_125 : i32 to vector<16xi32>
          %gather3A_127 = tpu.vector_load_idx %arg19[%add3A_104, %broadcast_in_dim3A_126] : memref<1024x8xf32, #tpu.memory_space<vmem>>[vector<16xi32>, vector<16xi32>], vector<16xf32>,
          %broadcast_in_dim3A_128 = arith.constant 3 : i32
          %broadcast_in_dim3A_129 = vector.broadcast %broadcast_in_dim3A_128 : i32 to vector<16xi32>
          %gather3A_130 = tpu.vector_load_idx %arg19[%add3A_104, %broadcast_in_dim3A_129] : memref<1024x8xf32, #tpu.memory_space<vmem>>[vector<16xi32>, vector<16xi32>], vector<16xf32>,
          %get3A = arith.index_cast %shift_right_arithmetic3A_105 : i32 to index
          %get3A_131 = arith.index_cast %mul3A_108 : i32 to index
          %get3A_132 = tpu.vector_load %arg11[%get3A, %get3A_131] {strides = array<i32>} : memref<8x128xf32, #tpu.memory_space<vmem>>, vector<16xf32>,
          %get3A_133 = arith.index_cast %shift_right_arithmetic3A_105 : i32 to index
          %get3A_134 = arith.index_cast %mul3A_108 : i32 to index
          %get3A_135 = tpu.vector_load %arg13[%get3A_133, %get3A_134] {strides = array<i32>} : memref<8x128xf32, #tpu.memory_space<vmem>>, vector<16xf32>,
          %get3A_136 = arith.index_cast %shift_right_arithmetic3A_105 : i32 to index
          %get3A_137 = arith.index_cast %mul3A_108 : i32 to index
          %get3A_138 = tpu.vector_load %arg15[%get3A_136, %get3A_137] {strides = array<i32>} : memref<8x128xf32, #tpu.memory_space<vmem>>, vector<16xf32>,
          %sub3A_139 = arith.subf %gather3A_121, %gather3A : vector<16xf32>
          %mul3A_140 = arith.mulf %get3A_132, %get3A_132 : vector<16xf32>
          %mul3A_141 = arith.mulf %get3A_135, %get3A_135 : vector<16xf32>
          %add3A_142 = arith.addf %mul3A_140, %mul3A_141 : vector<16xf32>
          %mul3A_143 = arith.mulf %get3A_138, %get3A_138 : vector<16xf32>
          %add3A_144 = arith.addf %add3A_142, %mul3A_143 : vector<16xf32>
          %max3A = arith.constant 1.000000e-16 : f32
          %max3A_145 = vector.broadcast %max3A : f32 to vector<16xf32>
          %max3A_146 = arith.maximumf %add3A_144, %max3A_145 : vector<16xf32>
          %div3A = arith.divf %sub3A_139, %max3A_146 : vector<16xf32>
          %sub3A_147 = arith.subf %gather3A_124, %gather3A_112 : vector<16xf32>
          %sub3A_148 = arith.subf %gather3A_127, %gather3A_115 : vector<16xf32>
          %sub3A_149 = arith.subf %gather3A_130, %gather3A_118 : vector<16xf32>
          %mul3A_150 = arith.mulf %sub3A_147, %sub3A_147 : vector<16xf32>
          %mul3A_151 = arith.mulf %sub3A_148, %sub3A_148 : vector<16xf32>
          %add3A_152 = arith.addf %mul3A_150, %mul3A_151 : vector<16xf32>
          %mul3A_153 = arith.mulf %sub3A_149, %sub3A_149 : vector<16xf32>
          %add3A_154 = arith.addf %add3A_152, %mul3A_153 : vector<16xf32>
          %max3A_155 = arith.constant 1.000000e-16 : f32
          %max3A_156 = vector.broadcast %max3A_155 : f32 to vector<16xf32>
          %max3A_157 = arith.maximumf %add3A_154, %max3A_156 : vector<16xf32>
          %div3A_158 = arith.divf %sub3A_139, %max3A_157 : vector<16xf32>
          %mul3A_159 = arith.mulf %div3A, %get3A_132 : vector<16xf32>
          %broadcast_in_dim3A_160 = arith.constant 0 : i32
          %broadcast_in_dim3A_161 = vector.broadcast %broadcast_in_dim3A_160 : i32 to vector<16xi32>
          tpu.vector_store_idx %arg21[%add3A_104, %broadcast_in_dim3A_161], %mul3A_159 : memref<1024x8xf32, #tpu.memory_space<vmem>>[vector<16xi32>, vector<16xi32>], vector<16xf32>,
          %mul3A_162 = arith.mulf %div3A, %get3A_135 : vector<16xf32>
          %broadcast_in_dim3A_163 = arith.constant 1 : i32
          %broadcast_in_dim3A_164 = vector.broadcast %broadcast_in_dim3A_163 : i32 to vector<16xi32>
          tpu.vector_store_idx %arg21[%add3A_104, %broadcast_in_dim3A_164], %mul3A_162 : memref<1024x8xf32, #tpu.memory_space<vmem>>[vector<16xi32>, vector<16xi32>], vector<16xf32>,
          %mul3A_165 = arith.mulf %div3A, %get3A_138 : vector<16xf32>
          %broadcast_in_dim3A_166 = arith.constant 2 : i32
          %broadcast_in_dim3A_167 = vector.broadcast %broadcast_in_dim3A_166 : i32 to vector<16xi32>
          tpu.vector_store_idx %arg21[%add3A_104, %broadcast_in_dim3A_167], %mul3A_165 : memref<1024x8xf32, #tpu.memory_space<vmem>>[vector<16xi32>, vector<16xi32>], vector<16xf32>,
          %mul3A_168 = arith.mulf %div3A_158, %sub3A_147 : vector<16xf32>
          %broadcast_in_dim3A_169 = arith.constant 3 : i32
          %broadcast_in_dim3A_170 = vector.broadcast %broadcast_in_dim3A_169 : i32 to vector<16xi32>
          tpu.vector_store_idx %arg21[%add3A_104, %broadcast_in_dim3A_170], %mul3A_168 : memref<1024x8xf32, #tpu.memory_space<vmem>>[vector<16xi32>, vector<16xi32>], vector<16xf32>,
          %mul3A_171 = arith.mulf %div3A_158, %sub3A_148 : vector<16xf32>
          %broadcast_in_dim3A_172 = arith.constant 4 : i32
          %broadcast_in_dim3A_173 = vector.broadcast %broadcast_in_dim3A_172 : i32 to vector<16xi32>
          tpu.vector_store_idx %arg21[%add3A_104, %broadcast_in_dim3A_173], %mul3A_171 : memref<1024x8xf32, #tpu.memory_space<vmem>>[vector<16xi32>, vector<16xi32>], vector<16xf32>,
          %mul3A_174 = arith.mulf %div3A_158, %sub3A_149 : vector<16xf32>
          %broadcast_in_dim3A_175 = arith.constant 5 : i32
          %broadcast_in_dim3A_176 = vector.broadcast %broadcast_in_dim3A_175 : i32 to vector<16xi32>
          tpu.vector_store_idx %arg21[%add3A_104, %broadcast_in_dim3A_176], %mul3A_174 : memref<1024x8xf32, #tpu.memory_space<vmem>>[vector<16xi32>, vector<16xi32>], vector<16xf32>,
          %broadcast_in_dim3A_177 = arith.constant 1.000000e+00 : f32
          %broadcast_in_dim3A_178 = vector.broadcast %broadcast_in_dim3A_177 : f32 to vector<16xf32>
          %broadcast_in_dim3A_179 = arith.constant 6 : i32
          %broadcast_in_dim3A_180 = vector.broadcast %broadcast_in_dim3A_179 : i32 to vector<16xi32>
          tpu.vector_store_idx %arg21[%add3A_104, %broadcast_in_dim3A_180], %broadcast_in_dim3A_178 : memref<1024x8xf32, #tpu.memory_space<vmem>>[vector<16xi32>, vector<16xi32>], vector<16xf32>,
          %mul3A_181 = arith.constant 16 : i32
          %mul3A_182 = arith.muli %scan3A_100, %mul3A_181 : i32
          %get3A_183 = arith.index_cast %mul3A_182 : i32 to index
          %get3A_184 = tpu.vector_load %arg7[%get3A_183] {strides = array<i32>} : memref<1024xi32, #tpu.memory_space<vmem>>, vector<16xi32>,
          %mul3A_185 = arith.constant 16 : i32
          %mul3A_186 = arith.muli %scan3A_100, %mul3A_185 : i32
          %swap3A = arith.index_cast %mul3A_186 : i32 to index
          %swap3A_187 = tpu.vector_load %arg23[%swap3A] {strides = array<i32>} : memref<1024xi32, #tpu.memory_space<vmem>>, vector<16xi32>,
          tpu.vector_store %arg23[%swap3A], %get3A_184 {strides = array<i32>} : memref<1024xi32, #tpu.memory_space<vmem>>, vector<16xi32>,
        }
        %scan3A_92 = arith.constant 64 : i32
        %sub3A = arith.constant 32 : i32
        %sub3A_93 = arith.subi %add3A_25, %sub3A : i32
        %ge3A = arith.constant 0 : i32
        %ge3A_94 = arith.cmpi sge, %sub3A_93, %ge3A : i32
        %convert_element_type3A_95 = arith.extui %ge3A_94 : i1 to i32
        %cond3A_96 = arith.constant 0 : i32
        %cond3A_97 = arith.cmpi ne, %convert_element_type3A_95, %cond3A_96 : i32
        scf.if %cond3A_97 {
          %dma_wait3A_100 = arith.constant 0 : i32
          %dma_wait3A_101 = arith.constant 0 : i32
          %dma_wait3A_102 = tpu.memref_slice %arg25[%dma_wait3A_100, %dma_wait3A_101] : memref<100000x8xf32, #tpu.memory_space<vmem_shared>> -> memref<100000x8xf32, #tpu.memory_space<vmem_shared>>
          tpu.wait_indirect_dma semaphore(%arg28 : memref<!tpu.dma_semaphore, #tpu.memory_space<semaphore_mem>>) src(%arg22 : memref<1024x8xf32, #tpu.memory_space<vmem>>) dst(%dma_wait3A_102 : memref<100000x8xf32, #tpu.memory_space<vmem_shared>>)
        } else {
        }
        %dma_start3A = arith.constant 0 : i32
        %dma_start3A_98 = arith.constant 0 : i32
        %dma_start3A_99 = tpu.memref_slice %arg25[%dma_start3A, %dma_start3A_98] : memref<100000x8xf32, #tpu.memory_space<vmem_shared>> -> memref<100000x8xf32, #tpu.memory_space<vmem_shared>>
        tpu.enqueue_indirect_dma source(%arg21 : memref<1024x8xf32, #tpu.memory_space<vmem>>) target(%dma_start3A_99 : memref<100000x8xf32, #tpu.memory_space<vmem_shared>>) offsets(%arg23 : memref<1024xi32, #tpu.memory_space<vmem>>) semaphore(%arg28 : memref<!tpu.dma_semaphore, #tpu.memory_space<semaphore_mem>>) {add = true}
      } else {
      }
      %mul3A_53 = arith.constant 2 : i32
      %mul3A_54 = arith.muli %scan3A_20, %mul3A_53 : i32
      %add3A_55 = arith.constant 1 : i32
      %add3A_56 = arith.addi %mul3A_54, %add3A_55 : i32
      %mul3A_57 = arith.constant 32 : i32
      %mul3A_58 = arith.muli %add3A_56, %mul3A_57 : i32
      %add3A_59 = arith.addi %add3A, %mul3A_58 : i32
      %add3A_60 = arith.constant 32 : i32
      %add3A_61 = arith.addi %add3A_59, %add3A_60 : i32
      %lt3A_62 = arith.constant 6250 : i32
      %lt3A_63 = arith.cmpi slt, %add3A_61, %lt3A_62 : i32
      %convert_element_type3A_64 = arith.extui %lt3A_63 : i1 to i32
      %cond3A_65 = arith.constant 0 : i32
      %cond3A_66 = arith.cmpi ne, %convert_element_type3A_64, %cond3A_65 : i32
      scf.if %cond3A_66 {
        %mul3A_87 = arith.constant 1024 : i32
        %mul3A_88 = arith.muli %add3A_61, %mul3A_87 : i32
        %dma_start3A = tpu.memref_slice %arg3[%mul3A_88] : memref<12800000xi32, #tpu.memory_space<hbm>> -> memref<1024xi32, #tpu.memory_space<hbm>>
        %dma_start3A_89 = tpu.memref_slice %arg3[%mul3A_88] : memref<12800000xi32, #tpu.memory_space<hbm>> -> memref<1024xi32, #tpu.memory_space<hbm>>
        tpu.enqueue_dma source(%dma_start3A_89 : memref<1024xi32, #tpu.memory_space<hbm>>) target(%arg7 : memref<1024xi32, #tpu.memory_space<vmem>>) target_semaphore(%arg26 : memref<!tpu.dma_semaphore, #tpu.memory_space<semaphore_mem>>)
        %mul3A_90 = arith.constant 1024 : i32
        %mul3A_91 = arith.muli %add3A_61, %mul3A_90 : i32
        %add3A_92 = arith.constant 6400000 : i32
        %add3A_93 = arith.addi %add3A_92, %mul3A_91 : i32
        %dma_start3A_94 = tpu.memref_slice %arg3[%add3A_93] : memref<12800000xi32, #tpu.memory_space<hbm>> -> memref<1024xi32, #tpu.memory_space<hbm>>
        %dma_start3A_95 = tpu.memref_slice %arg3[%add3A_93] : memref<12800000xi32, #tpu.memory_space<hbm>> -> memref<1024xi32, #tpu.memory_space<hbm>>
        tpu.enqueue_dma source(%dma_start3A_95 : memref<1024xi32, #tpu.memory_space<hbm>>) target(%arg9 : memref<1024xi32, #tpu.memory_space<vmem>>) target_semaphore(%arg26 : memref<!tpu.dma_semaphore, #tpu.memory_space<semaphore_mem>>)
        %mul3A_96 = arith.constant 8 : i32
        %mul3A_97 = arith.muli %add3A_61, %mul3A_96 : i32
        %dma_start3A_98 = arith.constant 0 : i32
        %dma_start3A_99 = arith.constant 0 : i32
        %dma_start3A_100 = tpu.memref_slice %arg4[%mul3A_97, %dma_start3A_98, %dma_start3A_99] : memref<50000x4x128xf32, #tpu.memory_space<hbm>> -> memref<8x1x128xf32, #tpu.memory_space<hbm>>
        %dma_start3A_101 = tpu.memref_squeeze %dma_start3A_100 : memref<8x1x128xf32, #tpu.memory_space<hbm>> -> memref<8x128xf32, #tpu.memory_space<hbm>>
        %dma_start3A_102 = arith.constant 0 : i32
        %dma_start3A_103 = tpu.memref_slice %arg4[%mul3A_97, %dma_start3A_98, %dma_start3A_102] : memref<50000x4x128xf32, #tpu.memory_space<hbm>> -> memref<8x1x128xf32, #tpu.memory_space<hbm>>
        %dma_start3A_104 = tpu.memref_squeeze %dma_start3A_103 : memref<8x1x128xf32, #tpu.memory_space<hbm>> -> memref<8x128xf32, #tpu.memory_space<hbm>>
        tpu.enqueue_dma source(%dma_start3A_104 : memref<8x128xf32, #tpu.memory_space<hbm>>) target(%arg11 : memref<8x128xf32, #tpu.memory_space<vmem>>) target_semaphore(%arg26 : memref<!tpu.dma_semaphore, #tpu.memory_space<semaphore_mem>>)
        %mul3A_105 = arith.constant 8 : i32
        %mul3A_106 = arith.muli %add3A_61, %mul3A_105 : i32
        %dma_start3A_107 = arith.constant 1 : i32
        %dma_start3A_108 = arith.constant 0 : i32
        %dma_start3A_109 = tpu.memref_slice %arg4[%mul3A_106, %dma_start3A_107, %dma_start3A_108] : memref<50000x4x128xf32, #tpu.memory_space<hbm>> -> memref<8x1x128xf32, #tpu.memory_space<hbm>>
        %dma_start3A_110 = tpu.memref_squeeze %dma_start3A_109 : memref<8x1x128xf32, #tpu.memory_space<hbm>> -> memref<8x128xf32, #tpu.memory_space<hbm>>
        %dma_start3A_111 = arith.constant 0 : i32
        %dma_start3A_112 = tpu.memref_slice %arg4[%mul3A_106, %dma_start3A_107, %dma_start3A_111] : memref<50000x4x128xf32, #tpu.memory_space<hbm>> -> memref<8x1x128xf32, #tpu.memory_space<hbm>>
        %dma_start3A_113 = tpu.memref_squeeze %dma_start3A_112 : memref<8x1x128xf32, #tpu.memory_space<hbm>> -> memref<8x128xf32, #tpu.memory_space<hbm>>
        tpu.enqueue_dma source(%dma_start3A_113 : memref<8x128xf32, #tpu.memory_space<hbm>>) target(%arg13 : memref<8x128xf32, #tpu.memory_space<vmem>>) target_semaphore(%arg26 : memref<!tpu.dma_semaphore, #tpu.memory_space<semaphore_mem>>)
        %mul3A_114 = arith.constant 8 : i32
        %mul3A_115 = arith.muli %add3A_61, %mul3A_114 : i32
        %dma_start3A_116 = arith.constant 2 : i32
        %dma_start3A_117 = arith.constant 0 : i32
        %dma_start3A_118 = tpu.memref_slice %arg4[%mul3A_115, %dma_start3A_116, %dma_start3A_117] : memref<50000x4x128xf32, #tpu.memory_space<hbm>> -> memref<8x1x128xf32, #tpu.memory_space<hbm>>
        %dma_start3A_119 = tpu.memref_squeeze %dma_start3A_118 : memref<8x1x128xf32, #tpu.memory_space<hbm>> -> memref<8x128xf32, #tpu.memory_space<hbm>>
        %dma_start3A_120 = arith.constant 0 : i32
        %dma_start3A_121 = tpu.memref_slice %arg4[%mul3A_115, %dma_start3A_116, %dma_start3A_120] : memref<50000x4x128xf32, #tpu.memory_space<hbm>> -> memref<8x1x128xf32, #tpu.memory_space<hbm>>
        %dma_start3A_122 = tpu.memref_squeeze %dma_start3A_121 : memref<8x1x128xf32, #tpu.memory_space<hbm>> -> memref<8x128xf32, #tpu.memory_space<hbm>>
        tpu.enqueue_dma source(%dma_start3A_122 : memref<8x128xf32, #tpu.memory_space<hbm>>) target(%arg15 : memref<8x128xf32, #tpu.memory_space<vmem>>) target_semaphore(%arg26 : memref<!tpu.dma_semaphore, #tpu.memory_space<semaphore_mem>>)
      } else {
      }
      %lt3A_67 = arith.constant 6250 : i32
      %lt3A_68 = arith.cmpi slt, %add3A_61, %lt3A_67 : i32
      %convert_element_type3A_69 = arith.extui %lt3A_68 : i1 to i32
      %cond3A_70 = arith.constant 0 : i32
      %cond3A_71 = arith.cmpi ne, %convert_element_type3A_69, %cond3A_70 : i32
      scf.if %cond3A_71 {
        %mul3A_87 = arith.constant 1024 : i32
        %mul3A_88 = arith.muli %add3A_61, %mul3A_87 : i32
        %dma_wait3A_89 = tpu.memref_slice %arg3[%mul3A_88] : memref<12800000xi32, #tpu.memory_space<hbm>> -> memref<1024xi32, #tpu.memory_space<hbm>>
        %dma_wait3A_90 = tpu.memref_slice %arg3[%mul3A_88] : memref<12800000xi32, #tpu.memory_space<hbm>> -> memref<1024xi32, #tpu.memory_space<hbm>>
        tpu.wait_dma2 semaphore(%arg26 : memref<!tpu.dma_semaphore, #tpu.memory_space<semaphore_mem>>) src(%dma_wait3A_90 : memref<1024xi32, #tpu.memory_space<hbm>>) dst(%arg7 : memref<1024xi32, #tpu.memory_space<vmem>>)
        %mul3A_91 = arith.constant 1024 : i32
        %mul3A_92 = arith.muli %add3A_61, %mul3A_91 : i32
        %add3A_93 = arith.constant 6400000 : i32
        %add3A_94 = arith.addi %add3A_93, %mul3A_92 : i32
        %dma_wait3A_95 = tpu.memref_slice %arg3[%add3A_94] : memref<12800000xi32, #tpu.memory_space<hbm>> -> memref<1024xi32, #tpu.memory_space<hbm>>
        %dma_wait3A_96 = tpu.memref_slice %arg3[%add3A_94] : memref<12800000xi32, #tpu.memory_space<hbm>> -> memref<1024xi32, #tpu.memory_space<hbm>>
        tpu.wait_dma2 semaphore(%arg26 : memref<!tpu.dma_semaphore, #tpu.memory_space<semaphore_mem>>) src(%dma_wait3A_96 : memref<1024xi32, #tpu.memory_space<hbm>>) dst(%arg9 : memref<1024xi32, #tpu.memory_space<vmem>>)
        %mul3A_97 = arith.constant 8 : i32
        %mul3A_98 = arith.muli %add3A_61, %mul3A_97 : i32
        %dma_wait3A_99 = arith.constant 0 : i32
        %dma_wait3A_100 = arith.constant 0 : i32
        %dma_wait3A_101 = tpu.memref_slice %arg4[%mul3A_98, %dma_wait3A_99, %dma_wait3A_100] : memref<50000x4x128xf32, #tpu.memory_space<hbm>> -> memref<8x1x128xf32, #tpu.memory_space<hbm>>
        %dma_wait3A_102 = tpu.memref_squeeze %dma_wait3A_101 : memref<8x1x128xf32, #tpu.memory_space<hbm>> -> memref<8x128xf32, #tpu.memory_space<hbm>>
        %dma_wait3A_103 = arith.constant 0 : i32
        %dma_wait3A_104 = tpu.memref_slice %arg4[%mul3A_98, %dma_wait3A_99, %dma_wait3A_103] : memref<50000x4x128xf32, #tpu.memory_space<hbm>> -> memref<8x1x128xf32, #tpu.memory_space<hbm>>
        %dma_wait3A_105 = tpu.memref_squeeze %dma_wait3A_104 : memref<8x1x128xf32, #tpu.memory_space<hbm>> -> memref<8x128xf32, #tpu.memory_space<hbm>>
        tpu.wait_dma2 semaphore(%arg26 : memref<!tpu.dma_semaphore, #tpu.memory_space<semaphore_mem>>) src(%dma_wait3A_105 : memref<8x128xf32, #tpu.memory_space<hbm>>) dst(%arg11 : memref<8x128xf32, #tpu.memory_space<vmem>>)
        %mul3A_106 = arith.constant 8 : i32
        %mul3A_107 = arith.muli %add3A_61, %mul3A_106 : i32
        %dma_wait3A_108 = arith.constant 1 : i32
        %dma_wait3A_109 = arith.constant 0 : i32
        %dma_wait3A_110 = tpu.memref_slice %arg4[%mul3A_107, %dma_wait3A_108, %dma_wait3A_109] : memref<50000x4x128xf32, #tpu.memory_space<hbm>> -> memref<8x1x128xf32, #tpu.memory_space<hbm>>
        %dma_wait3A_111 = tpu.memref_squeeze %dma_wait3A_110 : memref<8x1x128xf32, #tpu.memory_space<hbm>> -> memref<8x128xf32, #tpu.memory_space<hbm>>
        %dma_wait3A_112 = arith.constant 0 : i32
        %dma_wait3A_113 = tpu.memref_slice %arg4[%mul3A_107, %dma_wait3A_108, %dma_wait3A_112] : memref<50000x4x128xf32, #tpu.memory_space<hbm>> -> memref<8x1x128xf32, #tpu.memory_space<hbm>>
        %dma_wait3A_114 = tpu.memref_squeeze %dma_wait3A_113 : memref<8x1x128xf32, #tpu.memory_space<hbm>> -> memref<8x128xf32, #tpu.memory_space<hbm>>
        tpu.wait_dma2 semaphore(%arg26 : memref<!tpu.dma_semaphore, #tpu.memory_space<semaphore_mem>>) src(%dma_wait3A_114 : memref<8x128xf32, #tpu.memory_space<hbm>>) dst(%arg13 : memref<8x128xf32, #tpu.memory_space<vmem>>)
        %mul3A_115 = arith.constant 8 : i32
        %mul3A_116 = arith.muli %add3A_61, %mul3A_115 : i32
        %dma_wait3A_117 = arith.constant 2 : i32
        %dma_wait3A_118 = arith.constant 0 : i32
        %dma_wait3A_119 = tpu.memref_slice %arg4[%mul3A_116, %dma_wait3A_117, %dma_wait3A_118] : memref<50000x4x128xf32, #tpu.memory_space<hbm>> -> memref<8x1x128xf32, #tpu.memory_space<hbm>>
        %dma_wait3A_120 = tpu.memref_squeeze %dma_wait3A_119 : memref<8x1x128xf32, #tpu.memory_space<hbm>> -> memref<8x128xf32, #tpu.memory_space<hbm>>
        %dma_wait3A_121 = arith.constant 0 : i32
        %dma_wait3A_122 = tpu.memref_slice %arg4[%mul3A_116, %dma_wait3A_117, %dma_wait3A_121] : memref<50000x4x128xf32, #tpu.memory_space<hbm>> -> memref<8x1x128xf32, #tpu.memory_space<hbm>>
        %dma_wait3A_123 = tpu.memref_squeeze %dma_wait3A_122 : memref<8x1x128xf32, #tpu.memory_space<hbm>> -> memref<8x128xf32, #tpu.memory_space<hbm>>
        tpu.wait_dma2 semaphore(%arg26 : memref<!tpu.dma_semaphore, #tpu.memory_space<semaphore_mem>>) src(%dma_wait3A_123 : memref<8x128xf32, #tpu.memory_space<hbm>>) dst(%arg15 : memref<8x128xf32, #tpu.memory_space<vmem>>)
      } else {
      }
      %lt3A_72 = arith.constant 6250 : i32
      %lt3A_73 = arith.cmpi slt, %add3A_59, %lt3A_72 : i32
      %convert_element_type3A_74 = arith.extui %lt3A_73 : i1 to i32
      %cond3A_75 = arith.constant 0 : i32
      %cond3A_76 = arith.cmpi ne, %convert_element_type3A_74, %cond3A_75 : i32
      scf.if %cond3A_76 {
        %dma_wait3A_87 = arith.constant 0 : i32
        %dma_wait3A_88 = arith.constant 0 : i32
        %dma_wait3A_89 = tpu.memref_slice %arg2[%dma_wait3A_87, %dma_wait3A_88] : memref<100000x8xf32, #tpu.memory_space<hbm>> -> memref<100000x8xf32, #tpu.memory_space<hbm>>
        tpu.wait_indirect_dma semaphore(%arg27 : memref<!tpu.dma_semaphore, #tpu.memory_space<semaphore_mem>>) src(%dma_wait3A_89 : memref<100000x8xf32, #tpu.memory_space<hbm>>) dst(%arg18 : memref<1024x8xf32, #tpu.memory_space<vmem>>)
        %dma_wait3A_90 = arith.constant 0 : i32
        %dma_wait3A_91 = arith.constant 0 : i32
        %dma_wait3A_92 = tpu.memref_slice %arg2[%dma_wait3A_90, %dma_wait3A_91] : memref<100000x8xf32, #tpu.memory_space<hbm>> -> memref<100000x8xf32, #tpu.memory_space<hbm>>
        tpu.wait_indirect_dma semaphore(%arg27 : memref<!tpu.dma_semaphore, #tpu.memory_space<semaphore_mem>>) src(%dma_wait3A_92 : memref<100000x8xf32, #tpu.memory_space<hbm>>) dst(%arg20 : memref<1024x8xf32, #tpu.memory_space<vmem>>)
      } else {
      }
      %lt3A_77 = arith.constant 6250 : i32
      %lt3A_78 = arith.cmpi slt, %add3A_61, %lt3A_77 : i32
      %convert_element_type3A_79 = arith.extui %lt3A_78 : i1 to i32
      %cond3A_80 = arith.constant 0 : i32
      %cond3A_81 = arith.cmpi ne, %convert_element_type3A_79, %cond3A_80 : i32
      scf.if %cond3A_81 {
        %dma_start3A = arith.constant 0 : i32
        %dma_start3A_87 = arith.constant 0 : i32
        %dma_start3A_88 = tpu.memref_slice %arg2[%dma_start3A, %dma_start3A_87] : memref<100000x8xf32, #tpu.memory_space<hbm>> -> memref<100000x8xf32, #tpu.memory_space<hbm>>
        tpu.enqueue_indirect_dma source(%dma_start3A_88 : memref<100000x8xf32, #tpu.memory_space<hbm>>) target(%arg17 : memref<1024x8xf32, #tpu.memory_space<vmem>>) offsets(%arg7 : memref<1024xi32, #tpu.memory_space<vmem>>) semaphore(%arg27 : memref<!tpu.dma_semaphore, #tpu.memory_space<semaphore_mem>>)
        %dma_start3A_89 = arith.constant 0 : i32
        %dma_start3A_90 = arith.constant 0 : i32
        %dma_start3A_91 = tpu.memref_slice %arg2[%dma_start3A_89, %dma_start3A_90] : memref<100000x8xf32, #tpu.memory_space<hbm>> -> memref<100000x8xf32, #tpu.memory_space<hbm>>
        tpu.enqueue_indirect_dma source(%dma_start3A_91 : memref<100000x8xf32, #tpu.memory_space<hbm>>) target(%arg19 : memref<1024x8xf32, #tpu.memory_space<vmem>>) offsets(%arg9 : memref<1024xi32, #tpu.memory_space<vmem>>) semaphore(%arg27 : memref<!tpu.dma_semaphore, #tpu.memory_space<semaphore_mem>>)
      } else {
      }
      %lt3A_82 = arith.constant 6250 : i32
      %lt3A_83 = arith.cmpi slt, %add3A_59, %lt3A_82 : i32
      %convert_element_type3A_84 = arith.extui %lt3A_83 : i1 to i32
      %cond3A_85 = arith.constant 0 : i32
      %cond3A_86 = arith.cmpi ne, %convert_element_type3A_84, %cond3A_85 : i32
      scf.if %cond3A_86 {
        %scan3A_87 = arith.constant 0 : i32
        %scan3A_88 = arith.constant 0 : i32
        %scan3A_89 = arith.constant 64 : i32
        %scan3A_90 = arith.addi %scan3A_88, %scan3A_89 : i32
        %scan3A_91 = arith.constant 1 : i32
        scf.for %scan3A_100 = %scan3A_88 to %scan3A_90 step %scan3A_91  : i32 {
          %mul3A_101 = arith.constant 16 : i32
          %mul3A_102 = arith.muli %scan3A_100, %mul3A_101 : i32
          %add3A_103 = vector.broadcast %mul3A_102 : i32 to vector<16xi32>
          %add3A_104 = arith.addi %add3A_103, %iota3A : vector<16xi32>
          %shift_right_arithmetic3A = arith.constant 3 : i32
          %shift_right_arithmetic3A_105 = arith.shrsi %scan3A_100, %shift_right_arithmetic3A : i32
          %and3A = arith.constant 7 : i32
          %and3A_106 = arith.andi %scan3A_100, %and3A : i32
          %mul3A_107 = arith.constant 16 : i32
          %mul3A_108 = arith.muli %and3A_106, %mul3A_107 : i32
          %broadcast_in_dim3A = arith.constant 0 : i32
          %broadcast_in_dim3A_109 = vector.broadcast %broadcast_in_dim3A : i32 to vector<16xi32>
          %gather3A = tpu.vector_load_idx %arg18[%add3A_104, %broadcast_in_dim3A_109] : memref<1024x8xf32, #tpu.memory_space<vmem>>[vector<16xi32>, vector<16xi32>], vector<16xf32>,
          %broadcast_in_dim3A_110 = arith.constant 1 : i32
          %broadcast_in_dim3A_111 = vector.broadcast %broadcast_in_dim3A_110 : i32 to vector<16xi32>
          %gather3A_112 = tpu.vector_load_idx %arg18[%add3A_104, %broadcast_in_dim3A_111] : memref<1024x8xf32, #tpu.memory_space<vmem>>[vector<16xi32>, vector<16xi32>], vector<16xf32>,
          %broadcast_in_dim3A_113 = arith.constant 2 : i32
          %broadcast_in_dim3A_114 = vector.broadcast %broadcast_in_dim3A_113 : i32 to vector<16xi32>
          %gather3A_115 = tpu.vector_load_idx %arg18[%add3A_104, %broadcast_in_dim3A_114] : memref<1024x8xf32, #tpu.memory_space<vmem>>[vector<16xi32>, vector<16xi32>], vector<16xf32>,
          %broadcast_in_dim3A_116 = arith.constant 3 : i32
          %broadcast_in_dim3A_117 = vector.broadcast %broadcast_in_dim3A_116 : i32 to vector<16xi32>
          %gather3A_118 = tpu.vector_load_idx %arg18[%add3A_104, %broadcast_in_dim3A_117] : memref<1024x8xf32, #tpu.memory_space<vmem>>[vector<16xi32>, vector<16xi32>], vector<16xf32>,
          %broadcast_in_dim3A_119 = arith.constant 0 : i32
          %broadcast_in_dim3A_120 = vector.broadcast %broadcast_in_dim3A_119 : i32 to vector<16xi32>
          %gather3A_121 = tpu.vector_load_idx %arg20[%add3A_104, %broadcast_in_dim3A_120] : memref<1024x8xf32, #tpu.memory_space<vmem>>[vector<16xi32>, vector<16xi32>], vector<16xf32>,
          %broadcast_in_dim3A_122 = arith.constant 1 : i32
          %broadcast_in_dim3A_123 = vector.broadcast %broadcast_in_dim3A_122 : i32 to vector<16xi32>
          %gather3A_124 = tpu.vector_load_idx %arg20[%add3A_104, %broadcast_in_dim3A_123] : memref<1024x8xf32, #tpu.memory_space<vmem>>[vector<16xi32>, vector<16xi32>], vector<16xf32>,
          %broadcast_in_dim3A_125 = arith.constant 2 : i32
          %broadcast_in_dim3A_126 = vector.broadcast %broadcast_in_dim3A_125 : i32 to vector<16xi32>
          %gather3A_127 = tpu.vector_load_idx %arg20[%add3A_104, %broadcast_in_dim3A_126] : memref<1024x8xf32, #tpu.memory_space<vmem>>[vector<16xi32>, vector<16xi32>], vector<16xf32>,
          %broadcast_in_dim3A_128 = arith.constant 3 : i32
          %broadcast_in_dim3A_129 = vector.broadcast %broadcast_in_dim3A_128 : i32 to vector<16xi32>
          %gather3A_130 = tpu.vector_load_idx %arg20[%add3A_104, %broadcast_in_dim3A_129] : memref<1024x8xf32, #tpu.memory_space<vmem>>[vector<16xi32>, vector<16xi32>], vector<16xf32>,
          %get3A = arith.index_cast %shift_right_arithmetic3A_105 : i32 to index
          %get3A_131 = arith.index_cast %mul3A_108 : i32 to index
          %get3A_132 = tpu.vector_load %arg12[%get3A, %get3A_131] {strides = array<i32>} : memref<8x128xf32, #tpu.memory_space<vmem>>, vector<16xf32>,
          %get3A_133 = arith.index_cast %shift_right_arithmetic3A_105 : i32 to index
          %get3A_134 = arith.index_cast %mul3A_108 : i32 to index
          %get3A_135 = tpu.vector_load %arg14[%get3A_133, %get3A_134] {strides = array<i32>} : memref<8x128xf32, #tpu.memory_space<vmem>>, vector<16xf32>,
          %get3A_136 = arith.index_cast %shift_right_arithmetic3A_105 : i32 to index
          %get3A_137 = arith.index_cast %mul3A_108 : i32 to index
          %get3A_138 = tpu.vector_load %arg16[%get3A_136, %get3A_137] {strides = array<i32>} : memref<8x128xf32, #tpu.memory_space<vmem>>, vector<16xf32>,
          %sub3A_139 = arith.subf %gather3A_121, %gather3A : vector<16xf32>
          %mul3A_140 = arith.mulf %get3A_132, %get3A_132 : vector<16xf32>
          %mul3A_141 = arith.mulf %get3A_135, %get3A_135 : vector<16xf32>
          %add3A_142 = arith.addf %mul3A_140, %mul3A_141 : vector<16xf32>
          %mul3A_143 = arith.mulf %get3A_138, %get3A_138 : vector<16xf32>
          %add3A_144 = arith.addf %add3A_142, %mul3A_143 : vector<16xf32>
          %max3A = arith.constant 1.000000e-16 : f32
          %max3A_145 = vector.broadcast %max3A : f32 to vector<16xf32>
          %max3A_146 = arith.maximumf %add3A_144, %max3A_145 : vector<16xf32>
          %div3A = arith.divf %sub3A_139, %max3A_146 : vector<16xf32>
          %sub3A_147 = arith.subf %gather3A_124, %gather3A_112 : vector<16xf32>
          %sub3A_148 = arith.subf %gather3A_127, %gather3A_115 : vector<16xf32>
          %sub3A_149 = arith.subf %gather3A_130, %gather3A_118 : vector<16xf32>
          %mul3A_150 = arith.mulf %sub3A_147, %sub3A_147 : vector<16xf32>
          %mul3A_151 = arith.mulf %sub3A_148, %sub3A_148 : vector<16xf32>
          %add3A_152 = arith.addf %mul3A_150, %mul3A_151 : vector<16xf32>
          %mul3A_153 = arith.mulf %sub3A_149, %sub3A_149 : vector<16xf32>
          %add3A_154 = arith.addf %add3A_152, %mul3A_153 : vector<16xf32>
          %max3A_155 = arith.constant 1.000000e-16 : f32
          %max3A_156 = vector.broadcast %max3A_155 : f32 to vector<16xf32>
          %max3A_157 = arith.maximumf %add3A_154, %max3A_156 : vector<16xf32>
          %div3A_158 = arith.divf %sub3A_139, %max3A_157 : vector<16xf32>
          %mul3A_159 = arith.mulf %div3A, %get3A_132 : vector<16xf32>
          %broadcast_in_dim3A_160 = arith.constant 0 : i32
          %broadcast_in_dim3A_161 = vector.broadcast %broadcast_in_dim3A_160 : i32 to vector<16xi32>
          tpu.vector_store_idx %arg22[%add3A_104, %broadcast_in_dim3A_161], %mul3A_159 : memref<1024x8xf32, #tpu.memory_space<vmem>>[vector<16xi32>, vector<16xi32>], vector<16xf32>,
          %mul3A_162 = arith.mulf %div3A, %get3A_135 : vector<16xf32>
          %broadcast_in_dim3A_163 = arith.constant 1 : i32
          %broadcast_in_dim3A_164 = vector.broadcast %broadcast_in_dim3A_163 : i32 to vector<16xi32>
          tpu.vector_store_idx %arg22[%add3A_104, %broadcast_in_dim3A_164], %mul3A_162 : memref<1024x8xf32, #tpu.memory_space<vmem>>[vector<16xi32>, vector<16xi32>], vector<16xf32>,
          %mul3A_165 = arith.mulf %div3A, %get3A_138 : vector<16xf32>
          %broadcast_in_dim3A_166 = arith.constant 2 : i32
          %broadcast_in_dim3A_167 = vector.broadcast %broadcast_in_dim3A_166 : i32 to vector<16xi32>
          tpu.vector_store_idx %arg22[%add3A_104, %broadcast_in_dim3A_167], %mul3A_165 : memref<1024x8xf32, #tpu.memory_space<vmem>>[vector<16xi32>, vector<16xi32>], vector<16xf32>,
          %mul3A_168 = arith.mulf %div3A_158, %sub3A_147 : vector<16xf32>
          %broadcast_in_dim3A_169 = arith.constant 3 : i32
          %broadcast_in_dim3A_170 = vector.broadcast %broadcast_in_dim3A_169 : i32 to vector<16xi32>
          tpu.vector_store_idx %arg22[%add3A_104, %broadcast_in_dim3A_170], %mul3A_168 : memref<1024x8xf32, #tpu.memory_space<vmem>>[vector<16xi32>, vector<16xi32>], vector<16xf32>,
          %mul3A_171 = arith.mulf %div3A_158, %sub3A_148 : vector<16xf32>
          %broadcast_in_dim3A_172 = arith.constant 4 : i32
          %broadcast_in_dim3A_173 = vector.broadcast %broadcast_in_dim3A_172 : i32 to vector<16xi32>
          tpu.vector_store_idx %arg22[%add3A_104, %broadcast_in_dim3A_173], %mul3A_171 : memref<1024x8xf32, #tpu.memory_space<vmem>>[vector<16xi32>, vector<16xi32>], vector<16xf32>,
          %mul3A_174 = arith.mulf %div3A_158, %sub3A_149 : vector<16xf32>
          %broadcast_in_dim3A_175 = arith.constant 5 : i32
          %broadcast_in_dim3A_176 = vector.broadcast %broadcast_in_dim3A_175 : i32 to vector<16xi32>
          tpu.vector_store_idx %arg22[%add3A_104, %broadcast_in_dim3A_176], %mul3A_174 : memref<1024x8xf32, #tpu.memory_space<vmem>>[vector<16xi32>, vector<16xi32>], vector<16xf32>,
          %broadcast_in_dim3A_177 = arith.constant 1.000000e+00 : f32
          %broadcast_in_dim3A_178 = vector.broadcast %broadcast_in_dim3A_177 : f32 to vector<16xf32>
          %broadcast_in_dim3A_179 = arith.constant 6 : i32
          %broadcast_in_dim3A_180 = vector.broadcast %broadcast_in_dim3A_179 : i32 to vector<16xi32>
          tpu.vector_store_idx %arg22[%add3A_104, %broadcast_in_dim3A_180], %broadcast_in_dim3A_178 : memref<1024x8xf32, #tpu.memory_space<vmem>>[vector<16xi32>, vector<16xi32>], vector<16xf32>,
          %mul3A_181 = arith.constant 16 : i32
          %mul3A_182 = arith.muli %scan3A_100, %mul3A_181 : i32
          %get3A_183 = arith.index_cast %mul3A_182 : i32 to index
          %get3A_184 = tpu.vector_load %arg8[%get3A_183] {strides = array<i32>} : memref<1024xi32, #tpu.memory_space<vmem>>, vector<16xi32>,
          %mul3A_185 = arith.constant 16 : i32
          %mul3A_186 = arith.muli %scan3A_100, %mul3A_185 : i32
          %swap3A = arith.index_cast %mul3A_186 : i32 to index
          %swap3A_187 = tpu.vector_load %arg24[%swap3A] {strides = array<i32>} : memref<1024xi32, #tpu.memory_space<vmem>>, vector<16xi32>,
          tpu.vector_store %arg24[%swap3A], %get3A_184 {strides = array<i32>} : memref<1024xi32, #tpu.memory_space<vmem>>, vector<16xi32>,
        }
        %scan3A_92 = arith.constant 64 : i32
        %sub3A = arith.constant 32 : i32
        %sub3A_93 = arith.subi %add3A_59, %sub3A : i32
        %ge3A = arith.constant 0 : i32
        %ge3A_94 = arith.cmpi sge, %sub3A_93, %ge3A : i32
        %convert_element_type3A_95 = arith.extui %ge3A_94 : i1 to i32
        %cond3A_96 = arith.constant 0 : i32
        %cond3A_97 = arith.cmpi ne, %convert_element_type3A_95, %cond3A_96 : i32
        scf.if %cond3A_97 {
          %dma_wait3A_100 = arith.constant 0 : i32
          %dma_wait3A_101 = arith.constant 0 : i32
          %dma_wait3A_102 = tpu.memref_slice %arg25[%dma_wait3A_100, %dma_wait3A_101] : memref<100000x8xf32, #tpu.memory_space<vmem_shared>> -> memref<100000x8xf32, #tpu.memory_space<vmem_shared>>
          tpu.wait_indirect_dma semaphore(%arg28 : memref<!tpu.dma_semaphore, #tpu.memory_space<semaphore_mem>>) src(%arg21 : memref<1024x8xf32, #tpu.memory_space<vmem>>) dst(%dma_wait3A_102 : memref<100000x8xf32, #tpu.memory_space<vmem_shared>>)
        } else {
        }
        %dma_start3A = arith.constant 0 : i32
        %dma_start3A_98 = arith.constant 0 : i32
        %dma_start3A_99 = tpu.memref_slice %arg25[%dma_start3A, %dma_start3A_98] : memref<100000x8xf32, #tpu.memory_space<vmem_shared>> -> memref<100000x8xf32, #tpu.memory_space<vmem_shared>>
        tpu.enqueue_indirect_dma source(%arg22 : memref<1024x8xf32, #tpu.memory_space<vmem>>) target(%dma_start3A_99 : memref<100000x8xf32, #tpu.memory_space<vmem_shared>>) offsets(%arg24 : memref<1024xi32, #tpu.memory_space<vmem>>) semaphore(%arg28 : memref<!tpu.dma_semaphore, #tpu.memory_space<semaphore_mem>>) {add = true}
      } else {
      }
    }
    %scan3A_9 = arith.constant 98 : i32
    %dma_wait3A = arith.constant 0 : i32
    %dma_wait3A_10 = arith.constant 0 : i32
    %dma_wait3A_11 = tpu.memref_slice %arg25[%dma_wait3A, %dma_wait3A_10] : memref<100000x8xf32, #tpu.memory_space<vmem_shared>> -> memref<100000x8xf32, #tpu.memory_space<vmem_shared>>
    tpu.wait_indirect_dma semaphore(%arg28 : memref<!tpu.dma_semaphore, #tpu.memory_space<semaphore_mem>>) src(%arg21 : memref<1024x8xf32, #tpu.memory_space<vmem>>) dst(%dma_wait3A_11 : memref<100000x8xf32, #tpu.memory_space<vmem_shared>>)
    %barrier3A_12 = arith.constant 0 : index
    tpu.barrier barrier_id(%barrier3A_12)
    %mul3A_13 = arith.constant 6250 : i32
    %mul3A_14 = arith.muli %arg1, %mul3A_13 : i32
    %mul3A_15 = arith.constant 100000 : i32
    %mul3A_16 = arith.muli %arg0, %mul3A_15 : i32
    %mul3A_17 = arith.constant 6250 : i32
    %mul3A_18 = arith.muli %arg1, %mul3A_17 : i32
    %add3A_19 = arith.addi %mul3A_16, %mul3A_18 : i32
    "tpu.region"() ({
      %run_scoped3A = tpu.sem_alloc : memref<!tpu.dma_semaphore, #tpu.memory_space<semaphore_mem>>
      %dma_start3A = arith.constant 0 : i32
      %dma_start3A_20 = tpu.memref_slice %arg6[%add3A_19, %dma_start3A] : memref<200000x8xf32, #tpu.memory_space<hbm>> -> memref<6250x8xf32, #tpu.memory_space<hbm>>
      %dma_start3A_21 = arith.constant 0 : i32
      %dma_start3A_22 = tpu.memref_slice %arg25[%mul3A_14, %dma_start3A_21] : memref<100000x8xf32, #tpu.memory_space<vmem_shared>> -> memref<6250x8xf32, #tpu.memory_space<vmem_shared>>
      tpu.enqueue_dma source(%dma_start3A_22 : memref<6250x8xf32, #tpu.memory_space<vmem_shared>>) target(%dma_start3A_20 : memref<6250x8xf32, #tpu.memory_space<hbm>>) target_semaphore(%run_scoped3A : memref<!tpu.dma_semaphore, #tpu.memory_space<semaphore_mem>>)
      %dma_wait3A_23 = arith.constant 0 : i32
      %dma_wait3A_24 = tpu.memref_slice %arg6[%add3A_19, %dma_wait3A_23] : memref<200000x8xf32, #tpu.memory_space<hbm>> -> memref<6250x8xf32, #tpu.memory_space<hbm>>
      %dma_wait3A_25 = arith.constant 0 : i32
      %dma_wait3A_26 = tpu.memref_slice %arg25[%mul3A_14, %dma_wait3A_25] : memref<100000x8xf32, #tpu.memory_space<vmem_shared>> -> memref<6250x8xf32, #tpu.memory_space<vmem_shared>>
      tpu.wait_dma2 semaphore(%run_scoped3A : memref<!tpu.dma_semaphore, #tpu.memory_space<semaphore_mem>>) src(%dma_wait3A_26 : memref<6250x8xf32, #tpu.memory_space<vmem_shared>>) dst(%dma_wait3A_24 : memref<6250x8xf32, #tpu.memory_space<hbm>>)
      tpu.yield
    }) : () -> ()
    return
  }
}

module attributes {stable_mosaic.version = 14 : i64} {
  func.func @_node_body(%arg0: i32, %arg1: memref<2000x8xf32, #tpu.memory_space<vmem>>, %arg2: memref<2000x8xf32, #tpu.memory_space<vmem>>, %arg3: memref<2000x8xf32, #tpu.memory_space<vmem>>, %arg4: memref<2000x8xf32, #tpu.memory_space<vmem>>, %arg5: memref<2000x1xf32, #tpu.memory_space<vmem>>, %arg6: memref<1x128xf32, #tpu.memory_space<vmem>>) attributes {dimension_semantics = [#tpu.dimension_semantics<arbitrary>], iteration_bounds = array<i64: 50>, scalar_prefetch = 0 : i64, scratch_operands = 0 : i64, tpu.core_type = #tpu.core_type<tc>, window_params = [{transform_indices = @transform_0, window_bounds = array<i64: 2000, 8>}, {transform_indices = @transform_1, window_bounds = array<i64: 2000, 8>}, {transform_indices = @transform_2, window_bounds = array<i64: 2000, 8>}, {transform_indices = @transform_3, window_bounds = array<i64: 2000, 8>}, {transform_indices = @transform_4, window_bounds = array<i64: 2000, 1>}, {pipeline_mode = #tpu.pipeline_mode<synchronous>, transform_indices = @transform_5, window_bounds = array<i64: 1, 128>}]} {
    %get3A = arith.constant 0 : index
    %get3A_0 = arith.constant 0 : index
    %get3A_1 = vector.load %arg1[%get3A, %get3A_0] : memref<2000x8xf32, #tpu.memory_space<vmem>>, vector<2000x8xf32>
    %get3A_2 = arith.constant 0 : index
    %get3A_3 = arith.constant 0 : index
    %get3A_4 = vector.load %arg2[%get3A_2, %get3A_3] : memref<2000x8xf32, #tpu.memory_space<vmem>>, vector<2000x8xf32>
    %add3A = arith.addf %get3A_1, %get3A_4 : vector<2000x8xf32>
    %slice3A = vector.extract_strided_slice %add3A {offsets = [0, 6], sizes = [2000, 1], strides = [1, 1]} : vector<2000x8xf32> to vector<2000x1xf32>
    %max3A = arith.constant 1.000000e+00 : f32
    %max3A_5 = vector.broadcast %max3A : f32 to vector<2000x1xf32>
    %max3A_6 = arith.maximumf %slice3A, %max3A_5 : vector<2000x1xf32>
    %slice3A_7 = vector.extract_strided_slice %add3A {offsets = [0, 0], sizes = [2000, 3], strides = [1, 1]} : vector<2000x8xf32> to vector<2000x3xf32>
    %div3A = vector.broadcast %max3A_6 : vector<2000x1xf32> to vector<2000x3xf32>
    %div3A_8 = arith.divf %slice3A_7, %div3A : vector<2000x3xf32>
    %slice3A_9 = vector.extract_strided_slice %add3A {offsets = [0, 3], sizes = [2000, 3], strides = [1, 1]} : vector<2000x8xf32> to vector<2000x3xf32>
    %div3A_10 = vector.broadcast %max3A_6 : vector<2000x1xf32> to vector<2000x3xf32>
    %div3A_11 = arith.divf %slice3A_9, %div3A_10 : vector<2000x3xf32>
    %mul3A = arith.mulf %div3A_8, %div3A_8 : vector<2000x3xf32>
    %reduce_sum3A = arith.constant dense<0.000000e+00> : vector<2000xf32>
    %reduce_sum3A_12 = vector.multi_reduction <add>, %mul3A, %reduce_sum3A [1] : vector<2000x3xf32> to vector<2000xf32>
    %broadcast_in_dim3A = vector.shape_cast %reduce_sum3A_12 : vector<2000xf32> to vector<2000x1xf32>
    %sqrt3A = math.sqrt %broadcast_in_dim3A : vector<2000x1xf32>
    %mul3A_13 = arith.mulf %div3A_11, %div3A_11 : vector<2000x3xf32>
    %reduce_sum3A_14 = arith.constant dense<0.000000e+00> : vector<2000xf32>
    %reduce_sum3A_15 = vector.multi_reduction <add>, %mul3A_13, %reduce_sum3A_14 [1] : vector<2000x3xf32> to vector<2000xf32>
    %broadcast_in_dim3A_16 = vector.shape_cast %reduce_sum3A_15 : vector<2000xf32> to vector<2000x1xf32>
    %sqrt3A_17 = math.sqrt %broadcast_in_dim3A_16 : vector<2000x1xf32>
    %max3A_18 = arith.constant 9.99999993E-9 : f32
    %max3A_19 = vector.broadcast %max3A_18 : f32 to vector<2000x1xf32>
    %max3A_20 = arith.maximumf %sqrt3A_17, %max3A_19 : vector<2000x1xf32>
    %div3A_21 = vector.broadcast %max3A_20 : vector<2000x1xf32> to vector<2000x3xf32>
    %div3A_22 = arith.divf %div3A_11, %div3A_21 : vector<2000x3xf32>
    %get3A_23 = arith.constant 0 : index
    %get3A_24 = arith.constant 0 : index
    %get3A_25 = vector.load %arg3[%get3A_23, %get3A_24] : memref<2000x8xf32, #tpu.memory_space<vmem>>, vector<2000x1xf32>
    %get3A_26 = arith.constant 0 : index
    %get3A_27 = arith.constant 1 : index
    %get3A_28 = vector.load %arg3[%get3A_26, %get3A_27] : memref<2000x8xf32, #tpu.memory_space<vmem>>, vector<2000x3xf32>
    %get3A_29 = arith.constant 0 : index
    %get3A_30 = arith.constant 4 : index
    %get3A_31 = vector.load %arg3[%get3A_29, %get3A_30] : memref<2000x8xf32, #tpu.memory_space<vmem>>, vector<2000x1xf32>
    %broadcast_in_dim3A_32 = arith.constant 0.000000e+00 : f32
    %broadcast_in_dim3A_33 = vector.broadcast %broadcast_in_dim3A_32 : f32 to vector<2000x2xf32>
    %concatenate3A = tpu.concatenate %div3A_22, %get3A_28, %broadcast_in_dim3A_33 in 1 : vector<2000x3xf32>, vector<2000x3xf32>, vector<2000x2xf32> -> vector<2000x8xf32>
    %swap3A = arith.constant 0 : index
    %swap3A_34 = arith.constant 0 : index
    %swap3A_35 = vector.load %arg4[%swap3A, %swap3A_34] : memref<2000x8xf32, #tpu.memory_space<vmem>>, vector<2000x8xf32>
    tpu.vector_store %arg4[%swap3A, %swap3A_34], %concatenate3A {strides = array<i32>} : memref<2000x8xf32, #tpu.memory_space<vmem>>, vector<2000x8xf32>,
    %div3A_36 = arith.constant 1.000000e+00 : f32
    %div3A_37 = vector.broadcast %div3A_36 : f32 to vector<2000x1xf32>
    %div3A_38 = arith.divf %div3A_37, %max3A_6 : vector<2000x1xf32>
    %swap3A_39 = arith.constant 0 : index
    %swap3A_40 = arith.constant 0 : index
    %swap3A_41 = vector.load %arg5[%swap3A_39, %swap3A_40] : memref<2000x1xf32, #tpu.memory_space<vmem>>, vector<2000x1xf32>
    tpu.vector_store %arg5[%swap3A_39, %swap3A_40], %div3A_38 {strides = array<i32>} : memref<2000x1xf32, #tpu.memory_space<vmem>>, vector<2000x1xf32>,
    %abs3A = math.absf %get3A_25 : vector<2000x1xf32>
    %lt3A = arith.constant 3.000000e-01 : f32
    %lt3A_42 = vector.broadcast %lt3A : f32 to vector<2000x1xf32>
    %lt3A_43 = arith.cmpf olt, %abs3A, %lt3A_42 : vector<2000x1xf32>
    %sub3A = arith.constant 1.000000e+00 : f32
    %sub3A_44 = vector.broadcast %sub3A : f32 to vector<2000x1xf32>
    %sub3A_45 = arith.subf %sqrt3A, %sub3A_44 : vector<2000x1xf32>
    %integer_pow3A = arith.mulf %sub3A_45, %sub3A_45 : vector<2000x1xf32>
    %jit3A = arith.constant 0.000000e+00 : f32
    %broadcast_in_dim3A_46 = vector.broadcast %jit3A : f32 to vector<2000x1xf32>
    %select_n3A = arith.select %lt3A_43, %integer_pow3A, %broadcast_in_dim3A_46 : vector<2000x1xi1>, vector<2000x1xf32>
    %reduce_sum3A_47 = vector.shape_cast %select_n3A : vector<2000x1xf32> to vector<1x2000x1xf32>
    %reduce_sum3A_48 = arith.constant dense<0.000000e+00> : vector<1xf32>
    %reduce_sum3A_49 = vector.multi_reduction <add>, %reduce_sum3A_47, %reduce_sum3A_48 [1, 2] : vector<1x2000x1xf32> to vector<1xf32>
    %reduce_sum3A_50 = vector.shape_cast %reduce_sum3A_49 : vector<1xf32> to vector<1x1x1xf32>
    %reduce_sum3A_51 = vector.extract %reduce_sum3A_50[0, 0, 0] : f32 from vector<1x1x1xf32>
    %convert_element_type3A = arith.extui %lt3A_43 : vector<2000x1xi1> to vector<2000x1xi32>
    %convert_element_type3A_52 = arith.sitofp %convert_element_type3A : vector<2000x1xi32> to vector<2000x1xf32>
    %reduce_sum3A_53 = vector.shape_cast %convert_element_type3A_52 : vector<2000x1xf32> to vector<1x2000x1xf32>
    %reduce_sum3A_54 = arith.constant dense<0.000000e+00> : vector<1xf32>
    %reduce_sum3A_55 = vector.multi_reduction <add>, %reduce_sum3A_53, %reduce_sum3A_54 [1, 2] : vector<1x2000x1xf32> to vector<1xf32>
    %reduce_sum3A_56 = vector.shape_cast %reduce_sum3A_55 : vector<1xf32> to vector<1x1x1xf32>
    %reduce_sum3A_57 = vector.extract %reduce_sum3A_56[0, 0, 0] : f32 from vector<1x1x1xf32>
    %gt3A = arith.constant 0.000000e+00 : f32
    %gt3A_58 = vector.broadcast %gt3A : f32 to vector<2000x1xf32>
    %gt3A_59 = arith.cmpf ogt, %get3A_31, %gt3A_58 : vector<2000x1xf32>
    %convert_element_type3A_60 = arith.extui %gt3A_59 : vector<2000x1xi1> to vector<2000x1xi32>
    %convert_element_type3A_61 = arith.sitofp %convert_element_type3A_60 : vector<2000x1xi32> to vector<2000x1xf32>
    %reduce_sum3A_62 = vector.shape_cast %convert_element_type3A_61 : vector<2000x1xf32> to vector<1x2000x1xf32>
    %reduce_sum3A_63 = arith.constant dense<0.000000e+00> : vector<1xf32>
    %reduce_sum3A_64 = vector.multi_reduction <add>, %reduce_sum3A_62, %reduce_sum3A_63 [1, 2] : vector<1x2000x1xf32> to vector<1xf32>
    %reduce_sum3A_65 = vector.shape_cast %reduce_sum3A_64 : vector<1xf32> to vector<1x1x1xf32>
    %reduce_sum3A_66 = vector.extract %reduce_sum3A_65[0, 0, 0] : f32 from vector<1x1x1xf32>
    %gt3A_67 = arith.constant 0.000000e+00 : f32
    %gt3A_68 = vector.broadcast %gt3A_67 : f32 to vector<2000x1xf32>
    %gt3A_69 = arith.cmpf ogt, %get3A_25, %gt3A_68 : vector<2000x1xf32>
    %convert_element_type3A_70 = arith.extui %gt3A_69 : vector<2000x1xi1> to vector<2000x1xi32>
    %convert_element_type3A_71 = arith.sitofp %convert_element_type3A_70 : vector<2000x1xi32> to vector<2000x1xf32>
    %reduce_sum3A_72 = vector.shape_cast %convert_element_type3A_71 : vector<2000x1xf32> to vector<1x2000x1xf32>
    %reduce_sum3A_73 = arith.constant dense<0.000000e+00> : vector<1xf32>
    %reduce_sum3A_74 = vector.multi_reduction <add>, %reduce_sum3A_72, %reduce_sum3A_73 [1, 2] : vector<1x2000x1xf32> to vector<1xf32>
    %reduce_sum3A_75 = vector.shape_cast %reduce_sum3A_74 : vector<1xf32> to vector<1x1x1xf32>
    %reduce_sum3A_76 = vector.extract %reduce_sum3A_75[0, 0, 0] : f32 from vector<1x1x1xf32>
    %iota3A = tpu.iota {dimensions = array<i32: 1>} : vector<1x128xi32>
    %eq3A = arith.constant 0 : i32
    %eq3A_77 = vector.broadcast %eq3A : i32 to vector<1x128xi32>
    %eq3A_78 = arith.cmpi eq, %iota3A, %eq3A_77 : vector<1x128xi32>
    %jit3A_79 = arith.constant 0.000000e+00 : f32
    %broadcast_in_dim3A_80 = vector.broadcast %reduce_sum3A_51 : f32 to vector<1x128xf32>
    %broadcast_in_dim3A_81 = vector.broadcast %jit3A_79 : f32 to vector<1x128xf32>
    %select_n3A_82 = arith.select %eq3A_78, %broadcast_in_dim3A_80, %broadcast_in_dim3A_81 : vector<1x128xi1>, vector<1x128xf32>
    %eq3A_83 = arith.constant 1 : i32
    %eq3A_84 = vector.broadcast %eq3A_83 : i32 to vector<1x128xi32>
    %eq3A_85 = arith.cmpi eq, %iota3A, %eq3A_84 : vector<1x128xi32>
    %jit3A_86 = arith.constant 0.000000e+00 : f32
    %broadcast_in_dim3A_87 = vector.broadcast %reduce_sum3A_57 : f32 to vector<1x128xf32>
    %broadcast_in_dim3A_88 = vector.broadcast %jit3A_86 : f32 to vector<1x128xf32>
    %select_n3A_89 = arith.select %eq3A_85, %broadcast_in_dim3A_87, %broadcast_in_dim3A_88 : vector<1x128xi1>, vector<1x128xf32>
    %add3A_90 = arith.addf %select_n3A_82, %select_n3A_89 : vector<1x128xf32>
    %eq3A_91 = arith.constant 2 : i32
    %eq3A_92 = vector.broadcast %eq3A_91 : i32 to vector<1x128xi32>
    %eq3A_93 = arith.cmpi eq, %iota3A, %eq3A_92 : vector<1x128xi32>
    %jit3A_94 = arith.constant 0.000000e+00 : f32
    %broadcast_in_dim3A_95 = vector.broadcast %reduce_sum3A_66 : f32 to vector<1x128xf32>
    %broadcast_in_dim3A_96 = vector.broadcast %jit3A_94 : f32 to vector<1x128xf32>
    %select_n3A_97 = arith.select %eq3A_93, %broadcast_in_dim3A_95, %broadcast_in_dim3A_96 : vector<1x128xi1>, vector<1x128xf32>
    %add3A_98 = arith.addf %add3A_90, %select_n3A_97 : vector<1x128xf32>
    %eq3A_99 = arith.constant 3 : i32
    %eq3A_100 = vector.broadcast %eq3A_99 : i32 to vector<1x128xi32>
    %eq3A_101 = arith.cmpi eq, %iota3A, %eq3A_100 : vector<1x128xi32>
    %jit3A_102 = arith.constant 0.000000e+00 : f32
    %broadcast_in_dim3A_103 = vector.broadcast %reduce_sum3A_76 : f32 to vector<1x128xf32>
    %broadcast_in_dim3A_104 = vector.broadcast %jit3A_102 : f32 to vector<1x128xf32>
    %select_n3A_105 = arith.select %eq3A_101, %broadcast_in_dim3A_103, %broadcast_in_dim3A_104 : vector<1x128xi1>, vector<1x128xf32>
    %add3A_106 = arith.addf %add3A_98, %select_n3A_105 : vector<1x128xf32>
    %eq3A_107 = arith.constant 0 : i32
    %eq3A_108 = arith.cmpi eq, %arg0, %eq3A_107 : i32
    %convert_element_type3A_109 = arith.extui %eq3A_108 : i1 to i32
    %cond3A = arith.constant 0 : i32
    %cond3A_110 = arith.cmpi ne, %convert_element_type3A_109, %cond3A : i32
    scf.if %cond3A_110 {
      %broadcast_in_dim3A_118 = arith.constant 0.000000e+00 : f32
      %broadcast_in_dim3A_119 = vector.broadcast %broadcast_in_dim3A_118 : f32 to vector<1x128xf32>
      %swap3A_120 = arith.constant 0 : index
      %swap3A_121 = arith.constant 0 : index
      %swap3A_122 = vector.load %arg6[%swap3A_120, %swap3A_121] : memref<1x128xf32, #tpu.memory_space<vmem>>, vector<1x128xf32>
      tpu.vector_store %arg6[%swap3A_120, %swap3A_121], %broadcast_in_dim3A_119 {strides = array<i32>} : memref<1x128xf32, #tpu.memory_space<vmem>>, vector<1x128xf32>,
    } else {
    }
    %get3A_111 = arith.constant 0 : index
    %get3A_112 = arith.constant 0 : index
    %get3A_113 = vector.load %arg6[%get3A_111, %get3A_112] : memref<1x128xf32, #tpu.memory_space<vmem>>, vector<1x128xf32>
    %add3A_114 = arith.addf %get3A_113, %add3A_106 : vector<1x128xf32>
    %swap3A_115 = arith.constant 0 : index
    %swap3A_116 = arith.constant 0 : index
    %swap3A_117 = vector.load %arg6[%swap3A_115, %swap3A_116] : memref<1x128xf32, #tpu.memory_space<vmem>>, vector<1x128xf32>
    tpu.vector_store %arg6[%swap3A_115, %swap3A_116], %add3A_114 {strides = array<i32>} : memref<1x128xf32, #tpu.memory_space<vmem>>, vector<1x128xf32>,
    return
  }
  func.func @transform_0(%arg0: i32) -> (i32, i32) {
    %c0_i32 = arith.constant 0 : i32
    %c0_i32_0 = arith.constant 0 : i32
    return %arg0, %c0_i32 : i32, i32
  }
  func.func @transform_1(%arg0: i32) -> (i32, i32) {
    %add3A = arith.constant 50 : i32
    %add3A_0 = arith.addi %arg0, %add3A : i32
    %c0_i32 = arith.constant 0 : i32
    %c0_i32_1 = arith.constant 0 : i32
    return %add3A_0, %c0_i32 : i32, i32
  }
  func.func @transform_2(%arg0: i32) -> (i32, i32) {
    %c0_i32 = arith.constant 0 : i32
    %c0_i32_0 = arith.constant 0 : i32
    return %arg0, %c0_i32 : i32, i32
  }
  func.func @transform_3(%arg0: i32) -> (i32, i32) {
    %c0_i32 = arith.constant 0 : i32
    %c0_i32_0 = arith.constant 0 : i32
    return %arg0, %c0_i32 : i32, i32
  }
  func.func @transform_4(%arg0: i32) -> (i32, i32) {
    %c0_i32 = arith.constant 0 : i32
    %c0_i32_0 = arith.constant 0 : i32
    return %arg0, %c0_i32 : i32, i32
  }
  func.func @transform_5(%arg0: i32) -> (i32, i32) {
    %c0_i32 = arith.constant 0 : i32
    %c0_i32_0 = arith.constant 0 : i32
    %c0_i32_1 = arith.constant 0 : i32
    return %c0_i32, %c0_i32_0 : i32, i32
  }
}

module attributes {stable_mosaic.version = 14 : i64} {
  func.func @_loss_body(%arg0: i32, %arg1: memref<2000x1xf32, #tpu.memory_space<vmem>>, %arg2: memref<2000x1xf32, #tpu.memory_space<vmem>>, %arg3: memref<2000x1xf32, #tpu.memory_space<vmem>>, %arg4: memref<1x128xf32, #tpu.memory_space<vmem>>, %arg5: memref<1x1xf32, #tpu.memory_space<vmem>>) attributes {dimension_semantics = [#tpu.dimension_semantics<arbitrary>], iteration_bounds = array<i64: 50>, scalar_prefetch = 0 : i64, scratch_operands = 0 : i64, tpu.core_type = #tpu.core_type<tc>, window_params = [{transform_indices = @transform_0, window_bounds = array<i64: 2000, 1>}, {transform_indices = @transform_1, window_bounds = array<i64: 2000, 1>}, {transform_indices = @transform_2, window_bounds = array<i64: 2000, 1>}, {pipeline_mode = #tpu.pipeline_mode<synchronous>, transform_indices = @transform_3, window_bounds = array<i64: 1, 128>}, {pipeline_mode = #tpu.pipeline_mode<synchronous>, transform_indices = @transform_4, window_bounds = array<i64: 1, 1>}]} {
    %get3A = arith.constant 0 : index
    %get3A_0 = arith.constant 0 : index
    %get3A_1 = vector.load %arg1[%get3A, %get3A_0] : memref<2000x1xf32, #tpu.memory_space<vmem>>, vector<2000x1xf32>
    %get3A_2 = arith.constant 0 : index
    %get3A_3 = arith.constant 0 : index
    %get3A_4 = vector.load %arg2[%get3A_2, %get3A_3] : memref<2000x1xf32, #tpu.memory_space<vmem>>, vector<2000x1xf32>
    %add3A = arith.addf %get3A_1, %get3A_4 : vector<2000x1xf32>
    %get3A_5 = arith.constant 0 : index
    %get3A_6 = arith.constant 0 : index
    %get3A_7 = vector.load %arg3[%get3A_5, %get3A_6] : memref<2000x1xf32, #tpu.memory_space<vmem>>, vector<2000x1xf32>
    %mul3A = arith.mulf %add3A, %get3A_7 : vector<2000x1xf32>
    %mul3A_8 = arith.mulf %mul3A, %mul3A : vector<2000x1xf32>
    %reduce_sum3A = vector.shape_cast %mul3A_8 : vector<2000x1xf32> to vector<1x2000x1xf32>
    %reduce_sum3A_9 = arith.constant dense<0.000000e+00> : vector<1xf32>
    %reduce_sum3A_10 = vector.multi_reduction <add>, %reduce_sum3A, %reduce_sum3A_9 [1, 2] : vector<1x2000x1xf32> to vector<1xf32>
    %reduce_sum3A_11 = vector.shape_cast %reduce_sum3A_10 : vector<1xf32> to vector<1x1x1xf32>
    %reduce_sum3A_12 = vector.extract %reduce_sum3A_11[0, 0, 0] : f32 from vector<1x1x1xf32>
    %reshape3A = vector.broadcast %reduce_sum3A_12 : f32 to vector<1x1xf32>
    %eq3A = arith.constant 0 : i32
    %eq3A_13 = arith.cmpi eq, %arg0, %eq3A : i32
    %convert_element_type3A = arith.extui %eq3A_13 : i1 to i32
    %cond3A = arith.constant 0 : i32
    %cond3A_14 = arith.cmpi ne, %convert_element_type3A, %cond3A : i32
    scf.if %cond3A_14 {
      %broadcast_in_dim3A = arith.constant 0.000000e+00 : f32
      %broadcast_in_dim3A_26 = vector.broadcast %broadcast_in_dim3A : f32 to vector<1x1xf32>
      %swap3A_27 = arith.constant 0 : index
      %swap3A_28 = arith.constant 0 : index
      %swap3A_29 = vector.load %arg5[%swap3A_27, %swap3A_28] : memref<1x1xf32, #tpu.memory_space<vmem>>, vector<1x1xf32>
      tpu.vector_store %arg5[%swap3A_27, %swap3A_28], %broadcast_in_dim3A_26 {strides = array<i32>} : memref<1x1xf32, #tpu.memory_space<vmem>>, vector<1x1xf32>,
    } else {
    }
    %get3A_15 = arith.constant 0 : index
    %get3A_16 = arith.constant 0 : index
    %get3A_17 = vector.load %arg5[%get3A_15, %get3A_16] : memref<1x1xf32, #tpu.memory_space<vmem>>, vector<1x1xf32>
    %add3A_18 = arith.addf %get3A_17, %reshape3A : vector<1x1xf32>
    %swap3A = arith.constant 0 : index
    %swap3A_19 = arith.constant 0 : index
    %swap3A_20 = vector.load %arg5[%swap3A, %swap3A_19] : memref<1x1xf32, #tpu.memory_space<vmem>>, vector<1x1xf32>
    tpu.vector_store %arg5[%swap3A, %swap3A_19], %add3A_18 {strides = array<i32>} : memref<1x1xf32, #tpu.memory_space<vmem>>, vector<1x1xf32>,
    %eq3A_21 = arith.constant 49 : i32
    %eq3A_22 = arith.cmpi eq, %arg0, %eq3A_21 : i32
    %convert_element_type3A_23 = arith.extui %eq3A_22 : i1 to i32
    %cond3A_24 = arith.constant 0 : i32
    %cond3A_25 = arith.cmpi ne, %convert_element_type3A_23, %cond3A_24 : i32
    scf.if %cond3A_25 {
      %get3A_26 = arith.constant 0 : index
      %get3A_27 = arith.constant 0 : index
      %get3A_28 = vector.load %arg5[%get3A_26, %get3A_27] : memref<1x1xf32, #tpu.memory_space<vmem>>, vector<1x1xf32>
      %squeeze3A = vector.extract %get3A_28[0, 0] : f32 from vector<1x1xf32>
      %get3A_29 = arith.constant 0 : index
      %get3A_30 = arith.constant 0 : index
      %get3A_31 = vector.load %arg4[%get3A_29, %get3A_30] : memref<1x128xf32, #tpu.memory_space<vmem>>, vector<1x128xf32>
      %slice3A = vector.extract_strided_slice %get3A_31 {offsets = [0, 0], sizes = [1, 1], strides = [1, 1]} : vector<1x128xf32> to vector<1x1xf32>
      %squeeze3A_32 = vector.extract %slice3A[0, 0] : f32 from vector<1x1xf32>
      %slice3A_33 = vector.extract_strided_slice %get3A_31 {offsets = [0, 1], sizes = [1, 1], strides = [1, 1]} : vector<1x128xf32> to vector<1x1xf32>
      %squeeze3A_34 = vector.extract %slice3A_33[0, 0] : f32 from vector<1x1xf32>
      %slice3A_35 = vector.extract_strided_slice %get3A_31 {offsets = [0, 2], sizes = [1, 1], strides = [1, 1]} : vector<1x128xf32> to vector<1x1xf32>
      %squeeze3A_36 = vector.extract %slice3A_35[0, 0] : f32 from vector<1x1xf32>
      %slice3A_37 = vector.extract_strided_slice %get3A_31 {offsets = [0, 3], sizes = [1, 1], strides = [1, 1]} : vector<1x128xf32> to vector<1x1xf32>
      %squeeze3A_38 = vector.extract %slice3A_37[0, 0] : f32 from vector<1x1xf32>
      %gt3A = arith.constant 0.000000e+00 : f32
      %gt3A_39 = arith.cmpf ogt, %squeeze3A_34, %gt3A : f32
      %max3A = arith.constant 1.000000e+00 : f32
      %max3A_40 = arith.maximumf %squeeze3A_34, %max3A : f32
      %div3A = arith.divf %squeeze3A_32, %max3A_40 : f32
      %jit3A = arith.constant 0.000000e+00 : f32
      %select_n3A = arith.select %gt3A_39, %div3A, %jit3A : f32
      %sub3A = arith.subf %squeeze3A_38, %squeeze3A_36 : f32
      %add3A_41 = arith.constant 9.99999993E-9 : f32
      %add3A_42 = arith.addf %squeeze3A_36, %add3A_41 : f32
      %div3A_43 = arith.divf %sub3A, %add3A_42 : f32
      %integer_pow3A = arith.mulf %div3A_43, %div3A_43 : f32
      %div3A_44 = arith.constant 1.000000e+05 : f32
      %div3A_45 = arith.divf %squeeze3A, %div3A_44 : f32
      %mul3A_46 = arith.constant 1.000000e-01 : f32
      %mul3A_47 = arith.mulf %mul3A_46, %div3A_45 : f32
      %add3A_48 = arith.addf %select_n3A, %mul3A_47 : f32
      %mul3A_49 = arith.constant 0.00999999977 : f32
      %mul3A_50 = arith.mulf %mul3A_49, %integer_pow3A : f32
      %add3A_51 = arith.addf %add3A_48, %mul3A_50 : f32
      %reshape3A_52 = vector.broadcast %add3A_51 : f32 to vector<1x1xf32>
      %swap3A_53 = arith.constant 0 : index
      %swap3A_54 = arith.constant 0 : index
      %swap3A_55 = vector.load %arg5[%swap3A_53, %swap3A_54] : memref<1x1xf32, #tpu.memory_space<vmem>>, vector<1x1xf32>
      tpu.vector_store %arg5[%swap3A_53, %swap3A_54], %reshape3A_52 {strides = array<i32>} : memref<1x1xf32, #tpu.memory_space<vmem>>, vector<1x1xf32>,
    } else {
    }
    return
  }
  func.func @transform_0(%arg0: i32) -> (i32, i32) {
    %c0_i32 = arith.constant 0 : i32
    %c0_i32_0 = arith.constant 0 : i32
    return %arg0, %c0_i32 : i32, i32
  }
  func.func @transform_1(%arg0: i32) -> (i32, i32) {
    %add3A = arith.constant 50 : i32
    %add3A_0 = arith.addi %arg0, %add3A : i32
    %c0_i32 = arith.constant 0 : i32
    %c0_i32_1 = arith.constant 0 : i32
    return %add3A_0, %c0_i32 : i32, i32
  }
  func.func @transform_2(%arg0: i32) -> (i32, i32) {
    %c0_i32 = arith.constant 0 : i32
    %c0_i32_0 = arith.constant 0 : i32
    return %arg0, %c0_i32 : i32, i32
  }
  func.func @transform_3(%arg0: i32) -> (i32, i32) {
    %c0_i32 = arith.constant 0 : i32
    %c0_i32_0 = arith.constant 0 : i32
    %c0_i32_1 = arith.constant 0 : i32
    return %c0_i32, %c0_i32_0 : i32, i32
  }
  func.func @transform_4(%arg0: i32) -> (i32, i32) {
    %c0_i32 = arith.constant 0 : i32
    %c0_i32_0 = arith.constant 0 : i32
    %c0_i32_1 = arith.constant 0 : i32
    return %c0_i32, %c0_i32_0 : i32, i32
  }
}

</mosaic_0001>

<sc_bundles>
// kernel: kernel.6.cloned.1.call-start
scs
__scs_entry_jumppad:
0x0: {  	(pc) =	sbr.rel $0x88, $3  }
0x1: {  	(tag) =	ssettag $0x0;
	lr =	simm.s32 $0x1  }
0x2: {  	[smem:$0x3F9C] =	sst lr;
	_ =	strace $0xD0000000  }
0x3: {  	_ = 	snop  }
0x4: {  	_ = 	snop  }
0x5: {  	_ = 	snop  }
0x6: {  	_ = 	snop  }
0x7: {  	_ = 	snop  }
__scs_overlays_trampoline_lowered:
0x8: {  	[smem:$0x3FAB] =	sst s0  }
0x9: {  	[smem:$0x3FAC] =	sst s1  }
0xa: {  	[smem:$0x3FAD] =	sst s2  }
0xb: {  	[smem:$0x3FAE] =	sst s3  }
0xc: {  	[smem:$0x3FAF] =	sst s4  }
0xd: {  	[smem:$0x3FB0] =	sst s5  }
0xe: {  	[smem:$0x3FB1] =	sst s6  }
0xf: {  	[smem:$0x3FB2] =	sst s7  }
0x10: {  	[smem:$0x3FB3] =	sst s8  }
0x11: {  	[smem:$0x3FB4] =	sst s9;
	s0 =	simm.s32 @!p0 $0x0  }
0x12: {  	s1 =	sld [smem:$0x3F9A];
	s0 =	simm.s32 @p0 $0x1  }
0x13: {  	[smem:$0x3FB5] =	sst s0;
	s0 =	simm.s32 @!p1 $0x0  }
0x14: {  	s2 =	sld [smem:$0x3F99];
	s0 =	simm.s32 @p1 $0x1  }
0x15: {  	[smem:$0x3FB6] =	sst s0;
	s0 =	simm.s32 @!p2 $0x0  }
0x16: {  	s3 =	sld [smem:$0x3FDB];
	s0 =	simm.s32 @p2 $0x1  }
0x17: {  	s4 =	simm.s32 $0x1BF5;
	[smem:$0x3FB8] =	sst s0  }
0x18: {  	s0 =	sld [smem:$0x3F9B];
	_ =	swait.ge [sflag:s4], $0x0  }
0x19: {  	s7 =	sld [smem:$0x3F9C]  }
0x1a: {  	s8 =	sadd.s32 $0xFFFFE003, lr  }
0x1b: {  	s9 =	sadd.s32 $0xFFFFFEF7, lr;
	s5 =	simm.s32 $0xFFFFFFFF;
	p2 =	slt.u32 s8, $0xFFFFF086  }
0x1c: {  	p1 =	slt.u32 s9, $0xF7A;
	s5 =	simm.s32 @!p2 $0x0  }
0x1d: {  	s5 =	simm.s32 @p1 $0x1;
	p0 =	seq.s32 s7, s2  }
0x1e: {  	s7 =	smul.u32 @!p0 $0xF7A, s2;
	p2 =	seq.s32 @!p0 s5, $0x0  }
0x1f: {  	s9 =	smul.u32 $0xF7A, s1;
	s8 =	simm.s32 @!p0 $0x1BF5;
	p2 =	por !p2, p0  }
0x20: {  	[sflag:s8] =	ssyncset.s32 @!p0 $0xFFFFF086;
	s6 =	sadd.s32 @!p0 s3, s7;
	s7 =	simm.s32 @!p0 $0x108  }
0x21: {  	s3 =	sadd.s32 s3, s9;
	s6 =	sadd.s32 @!p0 $0x88, s6;
	s7 =	simm.s32 @p2 $0x1082  }
0x22: {  	[simem:s7], [sflag:s8] =	dma.local @!p0 [hbm:s6], $0xF7A  }
0x23: {  	s9 =	sor.u32 $0xD0000000, s2;
	s6 =	simm.s32 $0x108;
	_ =	swait.ge @!p0 [sflag:s8], $0x0  }
0x24: {  	s3 =	sadd.s32 $0x88, s3;
	s6 =	simm.s32 @!p1 $0x1082;
	[sflag:s4] =	ssyncset.s32 $0xFFFFF086  }
0x25: {  	[simem:s6], [sflag:s4] =	dma.local [hbm:s3], $0xF7A  }
0x26: {  	[smem:$0x3F9C] =	sst s1;
	(tag) =	ssettag s2;
	_ =	strace s9  }
0x27: {  	s1 =	sld [smem:$0x3FAC]  }
0x28: {  	s2 =	sld [smem:$0x3FAD]  }
0x29: {  	s4 =	sld [smem:$0x3FAF]  }
0x2a: {  	p0 =	seq.s32 s5, $0x0;
	s5 =	sld [smem:$0x3FB0]  }
0x2b: {  	s6 =	sld [smem:$0x3FB1]  }
0x2c: {  	s7 =	sld [smem:$0x3FB2]  }
0x2d: {  	s3 =	simm.s32 $0x108;
	s8 =	sld [smem:$0x3FB3]  }
0x2e: {  	s3 =	simm.s32 @!p0 $0x1082;
	s9 =	sld [smem:$0x3FB4]  }
0x2f: {  	lr =	sadd.s32 s0, s3;
	s0 =	sld [smem:$0x3FAB]  }
0x30: {  	s3 =	sld [smem:$0x3FAE]  }
0x31: {  	[smem:$0x3FB7] =	sst s10  }
0x32: {  	s10 =	sld [smem:$0x3FB5];
	_ =	sdelay $0x3  }
0x33: {  	p0 =	seq.s32 s10, $0x1;
	s10 =	sld [smem:$0x3FB7];
	_ =	sdelay $0x3  }
0x34: {  	[smem:$0x3FB7] =	sst s10  }
0x35: {  	s10 =	sld [smem:$0x3FB6];
	_ =	sdelay $0x3  }
0x36: {  	p1 =	seq.s32 s10, $0x1;
	s10 =	sld [smem:$0x3FB7];
	_ =	sdelay $0x3  }
0x37: {  	[smem:$0x3FB7] =	sst s10  }
0x38: {  	s10 =	sld [smem:$0x3FB8]  }
0x39: {  	_ = 	snop;
	(pc) =	sbr.ind lr, $3  }
0x3a: {  	_ = 	snop  }
0x3b: {  	_ = 	snop  }
0x3c: {  	p2 =	seq.s32 s10, $0x1;
	s10 =	sld [smem:$0x3FB7]  }
0x3d: {  	_ =	shalt  }
0x3e: {  	_ =	shalt  }
0x3f: {  	_ =	shalt  }
0x40: {  	_ =	shalt  }
0x41: {  	_ =	shalt  }
0x42: {  	_ =	shalt  }
0x43: {  	_ =	shalt  }
0x44: {  	_ =	shalt  }
0x45: {  	_ =	shalt  }
0x46: {  	_ =	shalt  }
0x47: {  	_ =	shalt  }
0x48: {  	_ =	shalt  }
0x49: {  	_ =	shalt  }
0x4a: {  	_ =	shalt  }
0x4b: {  	_ =	shalt  }
0x4c: {  	_ =	shalt  }
0x4d: {  	_ =	shalt  }
0x4e: {  	_ =	shalt  }
0x4f: {  	_ =	shalt  }
0x50: {  	_ =	shalt  }
0x51: {  	_ =	shalt  }
0x52: {  	_ =	shalt  }
0x53: {  	_ =	shalt  }
0x54: {  	_ =	shalt  }
0x55: {  	_ =	shalt  }
0x56: {  	_ =	shalt  }
0x57: {  	_ =	shalt  }
0x58: {  	_ =	shalt  }
0x59: {  	_ =	shalt  }
0x5a: {  	_ =	shalt  }
0x5b: {  	_ =	shalt  }
0x5c: {  	_ =	shalt  }
0x5d: {  	_ =	shalt  }
0x5e: {  	_ =	shalt  }
0x5f: {  	_ =	shalt  }
0x60: {  	_ =	shalt  }
0x61: {  	_ =	shalt  }
0x62: {  	_ =	shalt  }
0x63: {  	_ =	shalt  }
0x64: {  	_ =	shalt  }
0x65: {  	_ =	shalt  }
0x66: {  	_ =	shalt  }
0x67: {  	_ =	shalt  }
0x68: {  	_ =	shalt  }
0x69: {  	_ =	shalt  }
0x6a: {  	_ =	shalt  }
0x6b: {  	_ =	shalt  }
0x6c: {  	_ =	shalt  }
0x6d: {  	_ =	shalt  }
0x6e: {  	_ =	shalt  }
0x6f: {  	_ =	shalt  }
0x70: {  	_ =	shalt  }
0x71: {  	_ =	shalt  }
0x72: {  	_ =	shalt  }
0x73: {  	_ =	shalt  }
0x74: {  	_ =	shalt  }
0x75: {  	_ =	shalt  }
0x76: {  	_ =	shalt  }
0x77: {  	_ =	shalt  }
0x78: {  	_ =	shalt  }
0x79: {  	_ =	shalt  }
0x7a: {  	_ =	shalt  }
0x7b: {  	_ =	shalt  }
0x7c: {  	_ =	shalt  }
0x7d: {  	_ =	shalt  }
0x7e: {  	_ =	shalt  }
0x7f: {  	_ =	shalt  }
0x80: {  	_ =	shalt  }
0x81: {  	_ =	shalt  }
0x82: {  	_ =	shalt  }
0x83: {  	_ =	shalt  }
0x84: {  	_ =	shalt  }
0x85: {  	_ =	shalt  }
0x86: {  	_ =	shalt  }
0x87: {  	_ =	shalt  }
.Lfunc_end0:
.L_simem_size_0:
called_computation.1_lowered:
.L_overlay_start_0:
0x88: {  	s2 =	sld [smem:$0x3FD9]  }
0x89: {  	s3 =	sld [smem:$0x3FFE];
	_ =	sdelay $0x1  }
0x8a: {  	s1 =	srdreg.scid  }
0x8b: {  	s0 =	sand.u32 $0x1, s1  }
0x8c: {  	s17 =	sshll.u32 s0, $0xA;
	s2 =	sadd.s32 s3, s2  }
0x8d: {  	s2 =	sadd.s32 s2, s17  }
0x8e: {  	[smem:$0x3FC3] =	sst s2  }
0x8f: {  	_ = 	snop  }
0x90: {  	s2 =	sld [smem:$0x3FC5];
	(tm) =	ssettm $0x1  }
0x91: {  	s18 =	sld [smem:$0x3FFB];
	_ =	sdelay $0x3  }
0x92: {  	_ =	strace s18  }
0x93: {  	s3 =	sld [smem:$0x3FFC];
	_ =	sdelay $0x3  }
0x94: {  	_ =	strace s3  }
0x95: {  	s3 =	sld [smem:$0x3FFD];
	_ =	sdelay $0x3  }
0x96: {  	_ =	strace s3  }
0x97: {  	_ =	strace $0x8FFFFFFF  }
0x98: {  	s19 =	sld [smem:$0x3FDB];
	_ =	sdelay $0x1  }
0x99: {  	s4 =	simm.s32 $_scs_section_size  }
0x9a: {  	s5 =	simm.s32 $_size__tile_overlayer_lowered;
	s6 =	simm.s32 $_tile_overlayer_lowered  }
0x9b: {  	s22 =	simm.s32 $0x1BFF;
	s21 =	sshll.u32 s6, $0x1;
	s3 =	sadd.s32 s4, s19  }
0x9c: {  	s7 =	simm.s32 $0x0;
	s20 =	sshll.u32 s5, $0x1;
	s5 =	sadd.s32 s21, s3  }
0x9d: {  	[timem:s7], [sflag:s22] =	dma.local [hbm:s5], s20  }
0x9e: {  	_ =	swait.ge [sflag:s22], s20  }
0x9f: {  	s4 =	ssub.s32 $0x0, s20;
	[sflag:s22] =	ssyncset.done $0x0  }
0xa0: {  	[sflag:s22] =	ssyncadd.s32 s4;
	_ =	sdelay $0x1  }
0xa1: {  	s23 =	simm.s32 $0x1B8B  }
0xa2: {  	_ =	swait.ge [sflag:s23], $0x1  }
0xa3: {  	[sflag:s23] =	ssyncset.done $0x0  }
0xa4: {  	s25 =	simm.s32 $0x1B8E;
	s24 =	sld [smem:$0x3FFE];
	[sflag:s23] =	ssyncadd.s32 $0xFFFFFFFF  }
0xa5: {  	s26 =	simm.s32 $execute0_lowered;
	[smem:$0x3FD2] =	sst s25  }
0xa6: {  	s5 =	sshll.u32 s26, $0x1;
	_ =	strace $0x80000049;
	[dreg:$0x1] =	wrdreg $0xFFFFFFFF  }
0xa7: {  	s28 =	simm.s32 $_size_execute0_lowered;
	s3 =	sadd.s32 s3, s5;
	[dreg:$0x0] =	wrdreg $0x0  }
0xa8: {  	s5 =	sshll.u32 s28, $0x1;
	[dreg:$0x2] =	wrdreg s3  }
0xa9: {  	[dreg:$0x3] =	wrdreg s5  }
0xaa: {  	[dreg:$0x4] =	wrdreg $0xC0  }
0xab: {  	_ =	task [dreg:s7], $0x5FFFF  }
0xac: {  	[dreg:$0x1] =	wrdreg $0xFFFFFFFF  }
0xad: {  	[dreg:$0x0] =	wrdreg $0x60  }
0xae: {  	[dreg:$0x2] =	wrdreg s24  }
0xaf: {  	[dreg:$0x3] =	wrdreg s2  }
0xb0: {  	[dreg:$0x4] =	wrdreg $0xF0000  }
0xb1: {  	[dreg:$0x5] =	wrdreg $0x9  }
0xb2: {  	_ =	task.clear_ibuf [dreg:s7], $0x6FFFF;
	_ =	strace $0x90000049  }
0xb3: {  	s29 =	simm.s32 $0x9;
	_ =	strace $0x8000004B  }
0xb4: {  	_ =	swait.ge [sflag:s29], $0x1  }
0xb5: {  	[sflag:s29] =	ssyncadd.s32 $0xFFFFFFFF  }
0xb6: {  	_ =	strace $0x9000004B  }
0xb7: {  	_ =	sfence  }
0xb8: {  	s30 =	sld [smem:$0x0];
	_ =	sdelay $0x2  }
0xb9: {  	s31 =	sshll.u32 s1, $0xD;
	s1 =	sshrl.u32 s1, $0x2  }
0xba: {  	s3 =	sand.u32 $0x4000, s31;
	s1 =	sadd.s32 s1, s30  }
0xbb: {  	s0 =	sor.u32 s3, s0;
	s1 =	sshll.u32 s1, $0x11  }
0xbc: {  	s0 =	sor.u32 s1, s0  }
0xbd: {  	s0 =	sadd.s32 $0x8F2B, s0  }
0xbe: {  	[sflag:s0] =	ssyncadd.remote.s32 $0x1  }
0xbf: {  	_ =	sfence.sel $0xFFFF  }
0xc0: {  	[dreg:$0x0] =	wrdreg $0xFFFFFFFF;
	(pc) =	sbr.abs _section_cstart, $3  }
0xc1: {  	[dreg:$0x1] =	wrdreg $0xFFFFFFFF  }
0xc2: {  	_ =	task.clear_ibuf [dreg:s7], $0x2FFFF;
	_ =	strace $0x9FFFFFFF  }
0xc3: {  	(tm) =	ssettm $0x7FFFFFFF  }
tec
execute0_lowered:
.L_overlay_start_1:
0x0: {  	(tag) =	ssettag $0x1  }
0x1: {  	s0 =	rddreg [dreg:$0x0]  }
0x2: {  	s12 =	rddreg [dreg:$0x1]  }
0x3: {  	s2 =	rddreg [dreg:$0x2];
	s1 =	simm.s32 $0x0  }
0x4: {  	s20 =	srdreg.scid;
	s10 =	stileid.u32;
	s31 =	simm.s32 $0x1  }
0x5: {  	s13 =	simm.s32 $0x2;
	s15 =	simm.s32 $0x4800;
	s17 =	simm.s32 $0x8800  }
0x6: {  	s18 =	simm.s32 $0x3;
	[smem:$0x7FF] =	sst s1;
	s5 =	sadd.s32 $0x30E600, s0  }
0x7: {  	s6 =	sadd.s32 $0x1200, s0;
	s1 =	sand.u32 $0x1, s20;
	s21 =	smul.u32 $0x186A, s10  }
0x8: {  	s3 =	sadd.s32 $0x326E00, s0;
	s9 =	smul.u32 $0x30D40, s10;
	s23 =	sshll.u32 s10, $0x6  }
0x9: {  	s14 =	sadd.s32 $0x10, s12;
	s16 =	sadd.s32 $0x20, s12;
	_ =	strace $0x8000004A  }
0xa: {  	[dreg:$0x4] =	wrdreg s3;
	s4 =	ssub.s32 $0x2, s1;
	s8 =	sshll.u32 s1, $0x4  }
0xb: {  	s1 =	smul.u32 $0x186A0, s1;
	s7 =	sshrl.u32 s4, $0x1;
	s3 =	sadd.s32 s21, s0  }
0xc: {  	s8 =	sor.u32 s10, s8;
	s22 =	sshrl.u32 s9, $0x2;
	s9 =	sor.u32 $0x1C04, s23  }
0xd: {  	s23 =	simm.s32 $0xC800;
	s4 =	ssub.s32 s4, s7;
	s24 =	sshll.u32 s8, $0x7  }
0xe: {  	s7 =	sadd.s32 s22, s2;
	s25 =	sshll.u32 s8, $0x9;
	s1 =	sadd.s32 s1, s3  }
0xf: {  	s22 =	simm.s32 $0xA800;
	[dreg:$0x5] =	wrdreg s9;
	s11 =	sadd.s32 s6, s24  }
0x10: {  	s3 =	simm.s32 $0x0;
	s26 =	sadd.s32 s12, s25;
	[dreg:$0x6] =	wrdreg s11  }
0x11: {  	s28 =	sadd.s32 s25, s14;
	s29 =	sadd.s32 $0x328800, s1;
	[dreg:$0x8] =	wrdreg s26  }
0x12: {  	s30 =	smax.u32 s4, $0x1;
	s7 =	sshrl.u32 s7, $0x3;
	[dreg:$0x9] =	wrdreg s28  }
.Ltmp0:
0x13: {  	s12 =	simm.s32 $0x4;
	[dreg:$0xb] =	wrdreg s29;
	(pc) =	sbr.rel .LBB2_1-.Ltmp0, $4  }
0x14: {  	s4 =	simm.s32 $0x2800;
	s11 =	sadd.s32 $0xC4700, s0;
	[dreg:$0xc] =	wrdreg s30  }
0x15: {  	s0 =	sadd.s32 s25, s16;
	s25 =	simm.s32 $0x80;
	[dreg:$0xd] =	wrdreg s7  }
0x16: {  	v0 =	vlaneseq.u32;
	s26 =	simm.s32 $0x200;
	s10 =	sadd.s32 s24, s11;
	[dreg:$0xa] =	wrdreg s0  }
0x17: {  	v1 =	vimm.f32 $1.000000000e+00;
	v0 =	vmul.u32 $0x8, v0;
	s0 =	simm.s32 $0x400;
	[dreg:$0x7] =	wrdreg s10;
	s10 =	simm.s32 $0x6800  }
.LBB2_11:
0x18: {  	_ =	swait.ge [sflag:s18], $0x2000  }
0x19: {  	[sflag:s18] =	ssyncset.done $0x0  }
0x1a: {  	[sflag:s18] =	ssyncadd.s32 $0xFFFFE000  }
0x1b: {  	[bflag:$0x0] =	sbarrier.arrive $0xFFFF  }
0x1c: {  	s9 =	rddreg [dreg:$0x5]  }
0x1d: {  	s1 =	rddreg [dreg:$0xb]  }
0x1e: {  	s12 =	simm.s32 $0x4;
	s7 =	rddreg [dreg:$0xd]  }
0x1f: {  	[hbm:s1], [sflag:s9] =	dma.local [spmem:s7], $0x186A  }
0x20: {  	_ =	swait.ge [sflag:s12], $0x186A  }
0x21: {  	s3 =	rddreg [dreg:$0xe]  }
0x22: {  	s30 =	rddreg [dreg:$0xc];
	s3 =	sadd.s32 $0x1, s3  }
0x23: {  	p0 =	sne.s32 s3, s30  }
.Ltmp1:
0x24: {  	_ = 	snop;
	(pc) =	sbr.rel @!p0 .LBB2_12-.Ltmp1, $3  }
0x25: {  	_ =	sdelay $0x1  }
0x26: {  	[sflag:s12] =	ssyncset.done $0x0  }
0x27: {  	[sflag:s12] =	ssyncadd.s32 $0xFFFFE796  }
.LBB2_1:
0x28: {  	[dreg:$0xe] =	wrdreg s3  }
0x29: {  	s30 =	rddreg [dreg:$0x4]  }
0x2a: {  	[spmem:s7], [sflag:s9] =	dma.local [hbm:s30], $0x186A  }
0x2b: {  	_ =	swait.ge [sflag:s12], $0x186A  }
0x2c: {  	[sflag:s12] =	ssyncset.done $0x0  }
0x2d: {  	s1 =	simm.s32 $0x0;
	[sflag:s12] =	ssyncadd.s32 $0xFFFFE796  }
0x2e: {  	[tilespmem:s22], [sflag:$0x4] =	stream.linear.gather [hbm4b:s30+s1], $0x2000, $0x38;
	[tilespmem:$0x1B350] =	vst v63  }
0x2f: {  	_ =	swait.ge [sflag:s12], $0x2000  }
0x30: {  	[sflag:s12] =	ssyncset.done $0x0  }
0x31: {  	[sflag:s12] =	ssyncadd.s32 $0xFFFFE000  }
0x32: {  	[tilespmem:s23], [sflag:$0x4] =	stream.linear.gather [hbm4b:s30+s1], $0x2000, $0x38;
	[tilespmem:$0x1B350] =	vst v63  }
0x33: {  	_ =	swait.ge [sflag:s12], $0x2000  }
0x34: {  	[sflag:s12] =	ssyncset.done $0x0  }
0x35: {  	[sflag:s12] =	ssyncadd.s32 $0xFFFFE000  }
0x36: {  	[bflag:$0x0] =	sbarrier.arrive $0xFFFF  }
0x37: {  	s9 =	rddreg [dreg:$0x6]  }
0x38: {  	[tilespmem:s1], [sflag:$0x1] =	stream.linear.gather [hbm4b:s9+s1], $0x400, $0x38;
	[tilespmem:$0x1B350] =	vst v63  }
0x39: {  	s19 =	simm.s32 $0x800;
	s12 =	rddreg [dreg:$0x7]  }
0x3a: {  	[tilespmem:s19], [sflag:$0x1] =	stream.linear.gather [hbm4b:s12+s1], $0x400, $0x38;
	[tilespmem:$0x1B350] =	vst v63  }
0x3b: {  	s21 =	simm.s32 $0x1000;
	s20 =	rddreg [dreg:$0x8]  }
0x3c: {  	[tilespmem:s21], [sflag:$0x1] =	stream.strided.gather [hbm4b:s20+s25], $0x400, s26, s25, $0x38;
	[tilespmem:$0x1B350] =	vst v63  }
0x3d: {  	s28 =	simm.s32 $0x1800;
	s24 =	rddreg [dreg:$0x9]  }
0x3e: {  	[tilespmem:s28], [sflag:$0x1] =	stream.strided.gather [hbm4b:s24+s25], $0x400, s26, s25, $0x38;
	[tilespmem:$0x1B350] =	vst v63  }
0x3f: {  	s30 =	simm.s32 $0x2000;
	s29 =	rddreg [dreg:$0xa]  }
0x40: {  	[tilespmem:s30], [sflag:$0x1] =	stream.strided.gather [hbm4b:s29+s25], $0x400, s26, s25, $0x38;
	[tilespmem:$0x1B350] =	vst v63  }
0x41: {  	_ =	swait.ge [sflag:s31], $0x400  }
0x42: {  	[sflag:s31] =	ssyncset.done $0x0  }
0x43: {  	[sflag:s31] =	ssyncadd.s32 $0xFFFFFC00  }
0x44: {  	_ =	swait.ge [sflag:s31], $0x400  }
0x45: {  	[sflag:s31] =	ssyncset.done $0x0  }
0x46: {  	[sflag:s31] =	ssyncadd.s32 $0xFFFFFC00  }
0x47: {  	_ =	swait.ge [sflag:s31], $0x400  }
0x48: {  	[sflag:s31] =	ssyncset.done $0x0  }
0x49: {  	[sflag:s31] =	ssyncadd.s32 $0xFFFFFC00  }
0x4a: {  	_ =	swait.ge [sflag:s31], $0x400  }
0x4b: {  	[sflag:s31] =	ssyncset.done $0x0  }
0x4c: {  	[sflag:s31] =	ssyncadd.s32 $0xFFFFFC00  }
0x4d: {  	_ =	swait.ge [sflag:s31], $0x400  }
.Ltmp2:
0x4e: {  	[sflag:s31] =	ssyncset.done $0x0;
	(pc) =	sbr.rel .LBB2_2-.Ltmp2, $4  }
0x4f: {  	[sflag:s31] =	ssyncadd.s32 $0xFFFFFC00  }
0x50: {  	[tilespmem:s4], [sflag:$0x2] =	stream.indirect.gather [hbm4b:s5+s0], $0x8, s1, s0, $0xb8;
	[tilespmem:$0x1B350] =	vst v63  }
0x51: {  	s20 =	simm.s32 $0x0  }
0x52: {  	[tilespmem:s10], [sflag:$0x2] =	stream.indirect.gather [hbm4b:s5+s0], $0x8, s19, s0, $0xb8;
	[tilespmem:$0x1B350] =	vst v63  }
.LBB2_10:
0x53: {  	s20 =	sadd.s32 $0x1, s20  }
0x54: {  	p0 =	sne.s32 s20, $0x62  }
.Ltmp3:
0x55: {  	_ = 	snop;
	(pc) =	sbr.rel @!p0 .LBB2_11-.Ltmp3, $1  }
0x56: {  	_ =	sdelay $0x3  }
.LBB2_2:
0x57: {  	s1 =	sshll.u32 s20, $0x6  }
0x58: {  	s7 =	sor.u32 s8, s1  }
0x59: {  	s21 =	sor.u32 $0x20, s7  }
0x5a: {  	p0 =	sgt.u32 s21, $0x1869  }
0x5b: {  	s1 =	simm.s32 @p0 $0x2  }
0x5c: {  	_ =	swait.ge @p0 [sflag:s1], $0x2000  }
0x5d: {  	[sflag:s1] =	ssyncset.done @p0 $0x0  }
0x5e: {  	[sflag:s1] =	ssyncadd.s32 @p0 $0xFFFFE000  }
0x5f: {  	_ =	swait.ge @p0 [sflag:s1], $0x2000  }
0x60: {  	[sflag:s1] =	ssyncset.done @p0 $0x0  }
0x61: {  	[sflag:s1] =	ssyncadd.s32 @p0 $0xFFFFE000;
	s1 =	sshll.u32 @!p0 s21, $0x7  }
0x62: {  	s9 =	simm.s32 @!p0 $0x0;
	s12 =	simm.s32 @!p0 $0x400;
	s3 =	sadd.s32 @!p0 s6, s1  }
0x63: {  	[tilespmem:s12], [sflag:$0x1] =	stream.linear.gather @!p0 [hbm4b:s3+s9], $0x400, $0x38;
	[tilespmem:$0x1B350] =	vst v63  }
0x64: {  	s19 =	simm.s32 @!p0 $0xC00;
	s1 =	sadd.s32 @!p0 s1, s11  }
0x65: {  	[tilespmem:s19], [sflag:$0x1] =	stream.linear.gather @!p0 [hbm4b:s1+s9], $0x400, $0x38;
	[tilespmem:$0x1B350] =	vst v63  }
0x66: {  	s24 =	simm.s32 @!p0 $0x200;
	s3 =	rddreg [dreg:$0x1];
	s1 =	sshll.u32 @!p0 s21, $0x9  }
0x67: {  	s28 =	simm.s32 @!p0 $0x1400;
	s9 =	simm.s32 @!p0 $0x80;
	s3 =	sadd.s32 @!p0 s3, s1  }
0x68: {  	[tilespmem:s28], [sflag:$0x1] =	stream.strided.gather @!p0 [hbm4b:s3+s9], $0x400, s24, s9, $0x38;
	[tilespmem:$0x1B350] =	vst v63  }
0x69: {  	s3 =	sadd.s32 @!p0 s1, s14;
	s28 =	simm.s32 @!p0 $0x1C00  }
0x6a: {  	[tilespmem:s28], [sflag:$0x1] =	stream.strided.gather @!p0 [hbm4b:s3+s9], $0x400, s24, s9, $0x38;
	[tilespmem:$0x1B350] =	vst v63  }
0x6b: {  	s1 =	sadd.s32 @!p0 s1, s16;
	s3 =	simm.s32 @!p0 $0x2400  }
0x6c: {  	[tilespmem:s3], [sflag:$0x1] =	stream.strided.gather @!p0 [hbm4b:s1+s9], $0x400, s24, s9, $0x38;
	[tilespmem:$0x1B350] =	vst v63  }
0x6d: {  	s1 =	simm.s32 @!p0 $0x1  }
0x6e: {  	_ =	swait.ge @!p0 [sflag:s1], $0x400  }
0x6f: {  	[sflag:s1] =	ssyncset.done @!p0 $0x0  }
0x70: {  	[sflag:s1] =	ssyncadd.s32 @!p0 $0xFFFFFC00  }
0x71: {  	_ =	swait.ge @!p0 [sflag:s1], $0x400  }
0x72: {  	[sflag:s1] =	ssyncset.done @!p0 $0x0  }
0x73: {  	[sflag:s1] =	ssyncadd.s32 @!p0 $0xFFFFFC00  }
0x74: {  	_ =	swait.ge @!p0 [sflag:s1], $0x400  }
0x75: {  	[sflag:s1] =	ssyncset.done @!p0 $0x0  }
0x76: {  	[sflag:s1] =	ssyncadd.s32 @!p0 $0xFFFFFC00  }
0x77: {  	_ =	swait.ge @!p0 [sflag:s1], $0x400  }
0x78: {  	[sflag:s1] =	ssyncset.done @!p0 $0x0  }
0x79: {  	[sflag:s1] =	ssyncadd.s32 @!p0 $0xFFFFFC00  }
0x7a: {  	_ =	swait.ge @!p0 [sflag:s1], $0x400  }
0x7b: {  	[sflag:s1] =	ssyncset.done @!p0 $0x0  }
0x7c: {  	[sflag:s1] =	ssyncadd.s32 @!p0 $0xFFFFFC00;
	s1 =	simm.s32 @!p0 $0x2  }
0x7d: {  	_ =	swait.ge @!p0 [sflag:s1], $0x2000  }
0x7e: {  	[sflag:s1] =	ssyncset.done @!p0 $0x0  }
0x7f: {  	[sflag:s1] =	ssyncadd.s32 @!p0 $0xFFFFE000  }
0x80: {  	s3 =	simm.s32 $0x0;
	_ =	swait.ge @!p0 [sflag:s1], $0x2000  }
0x81: {  	v2 =	vmov s3;
	[sflag:s1] =	ssyncset.done @!p0 $0x0  }
0x82: {  	v2 =	vshll.u32 v2, $0x3;
	[sflag:s1] =	ssyncadd.s32 @!p0 $0xFFFFE000;
	s1 =	simm.s32 @!p0 $0x4800  }
0x83: {  	v2 =	vor.u32 v0, v2;
	[tilespmem:s1], [sflag:$0x2] =	stream.indirect.gather @!p0 [hbm4b:s5+s12], $0x8, s12, s12, $0xb8;
	[tilespmem:$0x1B350] =	vst v63  }
0x84: {  	s24 =	simm.s32 $0x2000;
	v3 =	vor.u32 $0x2, v2;
	s1 =	simm.s32 @!p0 $0x8800  }
0x85: {  	v4 =	vor.u32 $0x1, v2;
	[tilespmem:s1], [sflag:$0x2] =	stream.indirect.gather @!p0 [hbm4b:s5+s12], $0x8, s19, s12, $0xb8;
	[tilespmem:$0x1B350] =	vst v63  }
0x86: {  	s28 =	simm.s32 $0x1800;
	v5 =	vld [tilespmem:s24+$0x0]  }
0x87: {  	s9 =	simm.s32 $0x1000;
	v6 =	vld [tilespmem:s28+$0x0]  }
0x88: {  	v7 =	vor.u32 $0x3, v2;
	v8 =	vld [tilespmem:s9+$0x0]  }
0x89: {  	v9 =	vld.idx.msk [tilespmem:v3+s10+$0x0], $0xffff  }
0x8a: {  	v10 =	vld.idx.msk [tilespmem:v4+s10+$0x0], $0xffff  }
0x8b: {  	v11 =	vld.idx.msk [tilespmem:v4+s4+$0x0], $0xffff  }
0x8c: {  	v12 =	vld.idx.msk [tilespmem:v3+s4+$0x0], $0xffff  }
0x8d: {  	v13 =	vld.idx.msk [tilespmem:v7+s4+$0x0], $0xffff  }
0x8e: {  	v14 =	vld.idx.msk [tilespmem:v7+s10+$0x0], $0xffff;
	_ =	sdelay $0x1  }
0x8f: {  	v15 =	vmul.f32 v6, v6;
	v16 =	vmul.f32 v8, v8  }
0x90: {  	v10 =	vsub.f32 v10, v11;
	v9 =	vsub.f32 v9, v12  }
0x91: {  	v51 =	vmul.f32 v5, v5;
	v50 =	vadd.f32 v15, v16  }
0x92: {  	v13 =	vsub.f32 v14, v13;
	v52 =	vmul.f32 v10, v10;
	v53 =	vmul.f32 v9, v9  }
0x93: {  	v11 =	vadd.f32 v51, v50  }
0x94: {  	v55 =	vmul.f32 v13, v13;
	v54 =	vadd.f32 v53, v52  }
0x95: {  	v11 =	vmax.f32 v11, $1.000000020e-16  }
0x96: {  	v56 =	vadd.f32 v55, v54;
	(erf) = vrcp.f32 v11;
	_ =	sdelay $0x1  }
0x97: {  	v57 =	vld.idx.msk [tilespmem:v2+s10+$0x0], $0xffff;
	v11 =	vmax.f32 v56, $1.000000020e-16  }
0x98: {  	v58 =	vld.idx.msk [tilespmem:v2+s4+$0x0], $0xffff;
	(erf) = vrcp.f32 v11;
	_ =	sdelay $0x4  }
0x99: {  	v59 =	vsub.f32 v57, v58  }
0x9a: {  	v60 =	vpop (erf)  }
0x9b: {  	v12 =	vmul.f32 v60, v59;
	_ =	sdelay $0x1  }
0x9c: {  	v61 =	vpop (erf);
	v8 =	vmul.f32 v12, v8  }
0x9d: {  	v62 =	vor.u32 $0x4, v2;
	v6 =	vmul.f32 v12, v6;
	v11 =	vmul.f32 v61, v59  }
0x9e: {  	v63 =	vor.u32 $0x5, v2;
	v5 =	vmul.f32 v12, v5;
	[tilespmem:v2+s22+$0x0] =	vst.idx.msk $0xffff, v8  }
0x9f: {  	v2 =	vor.u32 $0x6, v2;
	[tilespmem:v4+s22+$0x0] =	vst.idx.msk $0xffff, v6;
	v4 =	vmul.f32 v11, v10  }
0xa0: {  	[tilespmem:v3+s22+$0x0] =	vst.idx.msk $0xffff, v5;
	v3 =	vmul.f32 v11, v9  }
0xa1: {  	v5 =	vmul.f32 v11, v13;
	[tilespmem:v7+s22+$0x0] =	vst.idx.msk $0xffff, v4  }
0xa2: {  	[tilespmem:v62+s22+$0x0] =	vst.idx.msk $0xffff, v3  }
0xa3: {  	[tilespmem:v63+s22+$0x0] =	vst.idx.msk $0xffff, v5  }
0xa4: {  	s29 =	simm.s32 $0x10;
	s30 =	simm.s32 $0xE810;
	[tilespmem:v2+s22+$0x0] =	vst.idx.msk $0xffff, v1  }
0xa5: {  	s12 =	simm.s32 $0x20;
	s19 =	simm.s32 $0x2010;
	s24 =	simm.s32 $0xE800;
	v3 =	vmov s29;
	v2 =	vld [tilespmem:s3+$0x0]  }
.LBB2_3:
0xa6: {  	s9 =	sadd.s32 $0x10, s9  }
0xa7: {  	v3 =	vshll.u32 v3, $0x3;
	s28 =	sadd.s32 $0x10, s28;
	s3 =	smov.u32 s12;
	s1 =	sadd.s32 $0x10, s12  }
0xa8: {  	p1 =	sne.s32 s12, $0x3F0;
	v3 =	vor.u32 v0, v3  }
0xa9: {  	v4 =	vor.u32 $0x1, v3;
	v5 =	vor.u32 $0x2, v3  }
0xaa: {  	[tilespmem:s24+$0x0] =	vst v2;
	s24 =	smov.u32 s30  }
0xab: {  	v2 =	vld [tilespmem:s19+$0x0]  }
0xac: {  	v6 =	vld [tilespmem:s28+$0x0]  }
0xad: {  	v7 =	vor.u32 $0x3, v3;
	v8 =	vld [tilespmem:s9+$0x0]  }
0xae: {  	v9 =	vld.idx.msk [tilespmem:v5+s10+$0x0], $0xffff  }
0xaf: {  	v10 =	vld.idx.msk [tilespmem:v4+s10+$0x0], $0xffff  }
0xb0: {  	v11 =	vld.idx.msk [tilespmem:v4+s4+$0x0], $0xffff  }
0xb1: {  	v12 =	vld.idx.msk [tilespmem:v5+s4+$0x0], $0xffff;
	v13 =	vmul.f32 v6, v6  }
0xb2: {  	v14 =	vld.idx.msk [tilespmem:v7+s4+$0x0], $0xffff;
	v15 =	vmul.f32 v8, v8  }
0xb3: {  	v16 =	vld.idx.msk [tilespmem:v7+s10+$0x0], $0xffff  }
0xb4: {  	v13 =	vadd.f32 v13, v15;
	v15 =	vmul.f32 v2, v2;
	_ =	sdelay $0x1  }
0xb5: {  	v10 =	vsub.f32 v10, v11;
	v13 =	vadd.f32 v15, v13  }
0xb6: {  	v9 =	vsub.f32 v9, v12  }
0xb7: {  	v11 =	vmax.f32 v13, $1.000000020e-16  }
0xb8: {  	v12 =	vsub.f32 v16, v14;
	v13 =	vmul.f32 v10, v10;
	v14 =	vmul.f32 v9, v9  }
0xb9: {  	(erf) = vrcp.f32 v11  }
0xba: {  	v13 =	vadd.f32 v14, v13;
	v14 =	vmul.f32 v12, v12;
	v11 =	vld.idx.msk [tilespmem:v3+s10+$0x0], $0xffff  }
0xbb: {  	v15 =	vld.idx.msk [tilespmem:v3+s4+$0x0], $0xffff  }
0xbc: {  	v13 =	vadd.f32 v14, v13;
	_ =	sdelay $0x1  }
0xbd: {  	v13 =	vmax.f32 v13, $1.000000020e-16  }
0xbe: {  	(erf) = vrcp.f32 v13;
	_ =	sdelay $0x1  }
0xbf: {  	v11 =	vsub.f32 v11, v15  }
0xc0: {  	v13 =	vpop (erf)  }
0xc1: {  	v13 =	vmul.f32 v13, v11;
	_ =	sdelay $0x1  }
0xc2: {  	v8 =	vmul.f32 v13, v8;
	v6 =	vmul.f32 v13, v6  }
0xc3: {  	v2 =	vmul.f32 v13, v2  }
0xc4: {  	[tilespmem:v3+s22+$0x0] =	vst.idx.msk $0xffff, v8  }
0xc5: {  	[tilespmem:v4+s22+$0x0] =	vst.idx.msk $0xffff, v6;
	v4 =	vpop (erf)  }
0xc6: {  	v4 =	vmul.f32 v4, v11;
	[tilespmem:v5+s22+$0x0] =	vst.idx.msk $0xffff, v2;
	v2 =	vor.u32 $0x4, v3  }
0xc7: {  	v5 =	vor.u32 $0x5, v3  }
0xc8: {  	v3 =	vor.u32 $0x6, v3;
	v6 =	vmul.f32 v4, v10;
	v8 =	vmul.f32 v4, v9  }
0xc9: {  	v4 =	vmul.f32 v4, v12  }
0xca: {  	[tilespmem:v7+s22+$0x0] =	vst.idx.msk $0xffff, v6  }
.Ltmp4:
0xcb: {  	[tilespmem:v2+s22+$0x0] =	vst.idx.msk $0xffff, v8;
	(pc) =	sbr.rel @p1 .LBB2_3-.Ltmp4, $4  }
0xcc: {  	[tilespmem:v5+s22+$0x0] =	vst.idx.msk $0xffff, v4  }
0xcd: {  	[tilespmem:v3+s22+$0x0] =	vst.idx.msk $0xffff, v1  }
0xce: {  	s12 =	smov.u32 s1;
	v2 =	vld [tilespmem:s29+$0x0]  }
0xcf: {  	s30 =	sadd.s32 $0x10, s30;
	s19 =	sadd.s32 $0x10, s19;
	v3 =	vmov s3;
	s29 =	sadd.s32 $0x10, s29  }
0xd0: {  	v3 =	vshll.u32 v3, $0x3  }
0xd1: {  	v3 =	vor.u32 v0, v3  }
0xd2: {  	v4 =	vor.u32 $0x2, v3  }
0xd3: {  	v5 =	vor.u32 $0x1, v3;
	[tilespmem:s24+$0x0] =	vst v2  }
0xd4: {  	s1 =	sadd.s32 $0x10, s28;
	v2 =	vld [tilespmem:s19+$0x0]  }
0xd5: {  	s3 =	sadd.s32 $0x10, s9;
	v6 =	vld [tilespmem:s1+$0x0]  }
0xd6: {  	v7 =	vor.u32 $0x3, v3;
	v8 =	vld [tilespmem:s3+$0x0]  }
0xd7: {  	v9 =	vld.idx.msk [tilespmem:v4+s10+$0x0], $0xffff  }
0xd8: {  	v10 =	vld.idx.msk [tilespmem:v5+s10+$0x0], $0xffff  }
0xd9: {  	v11 =	vld.idx.msk [tilespmem:v5+s4+$0x0], $0xffff  }
0xda: {  	v12 =	vld.idx.msk [tilespmem:v4+s4+$0x0], $0xffff  }
0xdb: {  	v13 =	vld.idx.msk [tilespmem:v7+s4+$0x0], $0xffff  }
0xdc: {  	v14 =	vld.idx.msk [tilespmem:v7+s10+$0x0], $0xffff;
	_ =	sdelay $0x1  }
0xdd: {  	v15 =	vmul.f32 v6, v6;
	v16 =	vmul.f32 v8, v8  }
0xde: {  	v10 =	vsub.f32 v10, v11;
	v9 =	vsub.f32 v9, v12  }
0xdf: {  	v49 =	vmul.f32 v2, v2;
	v48 =	vadd.f32 v15, v16  }
0xe0: {  	v13 =	vsub.f32 v14, v13;
	v50 =	vmul.f32 v10, v10;
	v51 =	vmul.f32 v9, v9  }
0xe1: {  	v11 =	vadd.f32 v49, v48  }
0xe2: {  	v53 =	vmul.f32 v13, v13;
	v52 =	vadd.f32 v51, v50  }
0xe3: {  	v11 =	vmax.f32 v11, $1.000000020e-16  }
0xe4: {  	(erf) = vrcp.f32 v11;
	v54 =	vadd.f32 v53, v52;
	_ =	sdelay $0x1  }
0xe5: {  	v55 =	vld.idx.msk [tilespmem:v3+s10+$0x0], $0xffff;
	v11 =	vmax.f32 v54, $1.000000020e-16  }
0xe6: {  	v56 =	vld.idx.msk [tilespmem:v3+s4+$0x0], $0xffff;
	(erf) = vrcp.f32 v11;
	_ =	sdelay $0x4  }
0xe7: {  	v57 =	vsub.f32 v55, v56  }
0xe8: {  	v58 =	vpop (erf)  }
0xe9: {  	v12 =	vmul.f32 v58, v57;
	_ =	sdelay $0x1  }
0xea: {  	v8 =	vmul.f32 v12, v8;
	v59 =	vpop (erf)  }
0xeb: {  	v60 =	vor.u32 $0x4, v3;
	v6 =	vmul.f32 v12, v6;
	v11 =	vmul.f32 v59, v57  }
0xec: {  	v61 =	vor.u32 $0x5, v3;
	v2 =	vmul.f32 v12, v2;
	[tilespmem:v3+s22+$0x0] =	vst.idx.msk $0xffff, v8  }
0xed: {  	v3 =	vor.u32 $0x6, v3;
	[tilespmem:v5+s22+$0x0] =	vst.idx.msk $0xffff, v6;
	v62 =	vmul.f32 v11, v10  }
0xee: {  	[tilespmem:v4+s22+$0x0] =	vst.idx.msk $0xffff, v2;
	v2 =	vmul.f32 v11, v9  }
0xef: {  	v63 =	vmul.f32 v11, v13;
	[tilespmem:v7+s22+$0x0] =	vst.idx.msk $0xffff, v62  }
0xf0: {  	[tilespmem:v60+s22+$0x0] =	vst.idx.msk $0xffff, v2  }
0xf1: {  	[tilespmem:v61+s22+$0x0] =	vst.idx.msk $0xffff, v63  }
0xf2: {  	[tilespmem:v3+s22+$0x0] =	vst.idx.msk $0xffff, v1  }
0xf3: {  	v2 =	vld [tilespmem:s29+$0x0];
	_ =	sdelay $0x3  }
0xf4: {  	p1 =	seq.s32 s20, $0x0  }
0xf5: {  	s1 =	simm.s32 @!p1 $0x3;
	[tilespmem:s30+$0x0] =	vst v2  }
0xf6: {  	_ =	swait.ge @!p1 [sflag:s1], $0x2000  }
0xf7: {  	[sflag:s1] =	ssyncset.done @!p1 $0x0  }
0xf8: {  	[sflag:s1] =	ssyncadd.s32 @!p1 $0xFFFFE000;
	p1 =	sgt.u32 s21, $0x1849  }
.Ltmp5:
0xf9: {  	_ = 	snop;
	(pc) =	sbr.rel @p1 .LBB2_6-.Ltmp5, $3  }
0xfa: {  	_ =	sdelay $0x1  }
0xfb: {  	s30 =	simm.s32 $0xE800  }
0xfc: {  	[spmem:s2] =	stream.indirect.scatter.add.f32 [tilespmem:s22], [sflag:$0x3], $0x8, s30, s0, $0xb8;
	[tilespmem:$0x1B350] =	vst v63  }
0xfd: {  	s1 =	sadd.s32 $0x40, s7  }
0xfe: {  	s3 =	sshll.u32 s1, $0x7  }
0xff: {  	s9 =	simm.s32 $0x0;
	s19 =	simm.s32 $0x800;
	s12 =	sadd.s32 s6, s3  }
0x100: {  	[tilespmem:s9], [sflag:$0x1] =	stream.linear.gather [hbm4b:s12+s9], $0x400, $0x38;
	[tilespmem:$0x1B350] =	vst v63  }
0x101: {  	s21 =	rddreg [dreg:$0x1];
	s1 =	sshll.u32 s1, $0x9;
	s3 =	sadd.s32 s3, s11  }
0x102: {  	[tilespmem:s19], [sflag:$0x1] =	stream.linear.gather [hbm4b:s3+s9], $0x400, $0x38;
	[tilespmem:$0x1B350] =	vst v63  }
0x103: {  	s24 =	simm.s32 $0x1000;
	s3 =	sadd.s32 s21, s1  }
0x104: {  	[tilespmem:s24], [sflag:$0x1] =	stream.strided.gather [hbm4b:s3+s25], $0x400, s26, s25, $0x38;
	[tilespmem:$0x1B350] =	vst v63  }
0x105: {  	s29 =	simm.s32 $0x1800;
	s28 =	sadd.s32 s1, s14  }
0x106: {  	[tilespmem:s29], [sflag:$0x1] =	stream.strided.gather [hbm4b:s28+s25], $0x400, s26, s25, $0x38;
	[tilespmem:$0x1B350] =	vst v63  }
0x107: {  	s30 =	simm.s32 $0x2000;
	s1 =	sadd.s32 s1, s16  }
0x108: {  	[tilespmem:s30], [sflag:$0x1] =	stream.strided.gather [hbm4b:s1+s25], $0x400, s26, s25, $0x38;
	[tilespmem:$0x1B350] =	vst v63  }
0x109: {  	_ =	swait.ge [sflag:s31], $0x400  }
0x10a: {  	[sflag:s31] =	ssyncset.done $0x0  }
0x10b: {  	[sflag:s31] =	ssyncadd.s32 $0xFFFFFC00  }
0x10c: {  	_ =	swait.ge [sflag:s31], $0x400  }
0x10d: {  	[sflag:s31] =	ssyncset.done $0x0  }
0x10e: {  	[sflag:s31] =	ssyncadd.s32 $0xFFFFFC00  }
0x10f: {  	_ =	swait.ge [sflag:s31], $0x400  }
0x110: {  	[sflag:s31] =	ssyncset.done $0x0  }
0x111: {  	[sflag:s31] =	ssyncadd.s32 $0xFFFFFC00  }
0x112: {  	_ =	swait.ge [sflag:s31], $0x400  }
.Ltmp6:
0x113: {  	[sflag:s31] =	ssyncset.done $0x0;
	(pc) =	sbr.rel .LBB2_7-.Ltmp6, $4  }
0x114: {  	[sflag:s31] =	ssyncadd.s32 $0xFFFFFC00  }
0x115: {  	_ =	swait.ge [sflag:s31], $0x400  }
0x116: {  	[sflag:s31] =	ssyncset.done $0x0  }
0x117: {  	[sflag:s31] =	ssyncadd.s32 $0xFFFFFC00  }
.LBB2_6:
.Ltmp7:
0x118: {  	(pc) =	sbr.rel @p0 .LBB2_10-.Ltmp7, $1  }
0x119: {  	_ =	sdelay $0x3  }
.LBB2_7:
0x11a: {  	_ =	swait.ge [sflag:s13], $0x2000  }
0x11b: {  	[sflag:s13] =	ssyncset.done $0x0  }
0x11c: {  	[sflag:s13] =	ssyncadd.s32 $0xFFFFE000  }
0x11d: {  	s1 =	simm.s32 $0x0;
	_ =	swait.ge [sflag:s13], $0x2000  }
0x11e: {  	s3 =	simm.s32 @!p1 $0x400;
	v2 =	vmov s1;
	[sflag:s13] =	ssyncset.done $0x0  }
0x11f: {  	s7 =	simm.s32 @!p1 $0x0;
	s9 =	simm.s32 @!p1 $0x2800;
	v2 =	vshll.u32 v2, $0x3;
	[sflag:s13] =	ssyncadd.s32 $0xFFFFE000  }
0x120: {  	v2 =	vor.u32 v0, v2;
	[tilespmem:s9], [sflag:$0x2] =	stream.indirect.gather @!p1 [hbm4b:s5+s3], $0x8, s7, s3, $0xb8;
	[tilespmem:$0x1B350] =	vst v63  }
0x121: {  	s19 =	simm.s32 $0x2400;
	s1 =	simm.s32 @!p1 $0x800;
	v3 =	vor.u32 $0x2, v2;
	s7 =	simm.s32 @!p1 $0x6800  }
0x122: {  	v4 =	vor.u32 $0x1, v2;
	[tilespmem:s7], [sflag:$0x2] =	stream.indirect.gather @!p1 [hbm4b:s5+s3], $0x8, s1, s3, $0xb8;
	[tilespmem:$0x1B350] =	vst v63  }
0x123: {  	s21 =	simm.s32 $0x1C00;
	v5 =	vld [tilespmem:s19+$0x0]  }
0x124: {  	s7 =	simm.s32 $0x1400;
	v6 =	vld [tilespmem:s21+$0x0]  }
0x125: {  	v7 =	vor.u32 $0x3, v2;
	v8 =	vld [tilespmem:s7+$0x0]  }
0x126: {  	v9 =	vld.idx.msk [tilespmem:v3+s17+$0x0], $0xffff  }
0x127: {  	v10 =	vld.idx.msk [tilespmem:v4+s17+$0x0], $0xffff  }
0x128: {  	v11 =	vld.idx.msk [tilespmem:v4+s15+$0x0], $0xffff  }
0x129: {  	v12 =	vld.idx.msk [tilespmem:v3+s15+$0x0], $0xffff  }
0x12a: {  	v13 =	vld.idx.msk [tilespmem:v7+s15+$0x0], $0xffff  }
0x12b: {  	v14 =	vld.idx.msk [tilespmem:v7+s17+$0x0], $0xffff;
	_ =	sdelay $0x1  }
0x12c: {  	v15 =	vmul.f32 v6, v6;
	v16 =	vmul.f32 v8, v8  }
0x12d: {  	v10 =	vsub.f32 v10, v11;
	v9 =	vsub.f32 v9, v12  }
0x12e: {  	v51 =	vmul.f32 v5, v5;
	v50 =	vadd.f32 v15, v16  }
0x12f: {  	v13 =	vsub.f32 v14, v13;
	v52 =	vmul.f32 v10, v10;
	v53 =	vmul.f32 v9, v9  }
0x130: {  	v11 =	vadd.f32 v51, v50  }
0x131: {  	v55 =	vmul.f32 v13, v13;
	v54 =	vadd.f32 v53, v52  }
0x132: {  	v11 =	vmax.f32 v11, $1.000000020e-16  }
0x133: {  	v56 =	vadd.f32 v55, v54;
	(erf) = vrcp.f32 v11;
	_ =	sdelay $0x1  }
0x134: {  	v57 =	vld.idx.msk [tilespmem:v2+s17+$0x0], $0xffff;
	v11 =	vmax.f32 v56, $1.000000020e-16  }
0x135: {  	v58 =	vld.idx.msk [tilespmem:v2+s15+$0x0], $0xffff;
	(erf) = vrcp.f32 v11;
	_ =	sdelay $0x4  }
0x136: {  	v59 =	vsub.f32 v57, v58  }
0x137: {  	v60 =	vpop (erf)  }
0x138: {  	v12 =	vmul.f32 v60, v59;
	_ =	sdelay $0x1  }
0x139: {  	v61 =	vpop (erf);
	v8 =	vmul.f32 v12, v8  }
0x13a: {  	v62 =	vor.u32 $0x4, v2;
	v6 =	vmul.f32 v12, v6;
	v11 =	vmul.f32 v61, v59  }
0x13b: {  	v63 =	vor.u32 $0x5, v2;
	v5 =	vmul.f32 v12, v5;
	[tilespmem:v2+s23+$0x0] =	vst.idx.msk $0xffff, v8  }
0x13c: {  	v2 =	vor.u32 $0x6, v2;
	[tilespmem:v4+s23+$0x0] =	vst.idx.msk $0xffff, v6;
	v4 =	vmul.f32 v11, v10  }
0x13d: {  	[tilespmem:v3+s23+$0x0] =	vst.idx.msk $0xffff, v5;
	v3 =	vmul.f32 v11, v9  }
0x13e: {  	v5 =	vmul.f32 v11, v13;
	[tilespmem:v7+s23+$0x0] =	vst.idx.msk $0xffff, v4  }
0x13f: {  	[tilespmem:v62+s23+$0x0] =	vst.idx.msk $0xffff, v3  }
0x140: {  	s24 =	simm.s32 $0x400;
	[tilespmem:v63+s23+$0x0] =	vst.idx.msk $0xffff, v5  }
0x141: {  	s29 =	simm.s32 $0xEC00;
	s30 =	simm.s32 $0x10;
	s28 =	simm.s32 $0x410;
	[tilespmem:v2+s23+$0x0] =	vst.idx.msk $0xffff, v1  }
0x142: {  	s9 =	simm.s32 $0xEC10;
	s19 =	simm.s32 $0x20;
	v3 =	vmov s30;
	v2 =	vld [tilespmem:s24+$0x0];
	s24 =	simm.s32 $0x2410  }
.LBB2_8:
0x143: {  	s7 =	sadd.s32 $0x10, s7  }
0x144: {  	v3 =	vshll.u32 v3, $0x3;
	s21 =	sadd.s32 $0x10, s21;
	s3 =	smov.u32 s19;
	s12 =	sadd.s32 $0x10, s19  }
0x145: {  	p0 =	sne.s32 s19, $0x3F0;
	v3 =	vor.u32 v0, v3  }
0x146: {  	v4 =	vor.u32 $0x1, v3;
	v5 =	vor.u32 $0x2, v3  }
0x147: {  	[tilespmem:s29+$0x0] =	vst v2;
	s29 =	smov.u32 s9  }
0x148: {  	v2 =	vld [tilespmem:s24+$0x0]  }
0x149: {  	v6 =	vld [tilespmem:s21+$0x0]  }
0x14a: {  	v7 =	vor.u32 $0x3, v3;
	v8 =	vld [tilespmem:s7+$0x0]  }
0x14b: {  	v9 =	vld.idx.msk [tilespmem:v5+s17+$0x0], $0xffff  }
0x14c: {  	v10 =	vld.idx.msk [tilespmem:v4+s17+$0x0], $0xffff  }
0x14d: {  	v11 =	vld.idx.msk [tilespmem:v4+s15+$0x0], $0xffff  }
0x14e: {  	v12 =	vld.idx.msk [tilespmem:v5+s15+$0x0], $0xffff;
	v13 =	vmul.f32 v6, v6  }
0x14f: {  	v14 =	vld.idx.msk [tilespmem:v7+s15+$0x0], $0xffff;
	v15 =	vmul.f32 v8, v8  }
0x150: {  	v16 =	vld.idx.msk [tilespmem:v7+s17+$0x0], $0xffff  }
0x151: {  	v13 =	vadd.f32 v13, v15;
	v15 =	vmul.f32 v2, v2;
	_ =	sdelay $0x1  }
0x152: {  	v10 =	vsub.f32 v10, v11;
	v13 =	vadd.f32 v15, v13  }
0x153: {  	v9 =	vsub.f32 v9, v12  }
0x154: {  	v11 =	vmax.f32 v13, $1.000000020e-16  }
0x155: {  	v12 =	vsub.f32 v16, v14;
	v13 =	vmul.f32 v10, v10;
	v14 =	vmul.f32 v9, v9  }
0x156: {  	(erf) = vrcp.f32 v11  }
0x157: {  	v13 =	vadd.f32 v14, v13;
	v14 =	vmul.f32 v12, v12;
	v11 =	vld.idx.msk [tilespmem:v3+s17+$0x0], $0xffff  }
0x158: {  	v15 =	vld.idx.msk [tilespmem:v3+s15+$0x0], $0xffff  }
0x159: {  	v13 =	vadd.f32 v14, v13;
	_ =	sdelay $0x1  }
0x15a: {  	v13 =	vmax.f32 v13, $1.000000020e-16  }
0x15b: {  	(erf) = vrcp.f32 v13;
	_ =	sdelay $0x1  }
0x15c: {  	v11 =	vsub.f32 v11, v15  }
0x15d: {  	v13 =	vpop (erf)  }
0x15e: {  	v13 =	vmul.f32 v13, v11;
	_ =	sdelay $0x1  }
0x15f: {  	v8 =	vmul.f32 v13, v8;
	v6 =	vmul.f32 v13, v6  }
0x160: {  	v2 =	vmul.f32 v13, v2  }
0x161: {  	[tilespmem:v3+s23+$0x0] =	vst.idx.msk $0xffff, v8  }
0x162: {  	[tilespmem:v4+s23+$0x0] =	vst.idx.msk $0xffff, v6;
	v4 =	vpop (erf)  }
0x163: {  	v4 =	vmul.f32 v4, v11;
	[tilespmem:v5+s23+$0x0] =	vst.idx.msk $0xffff, v2;
	v2 =	vor.u32 $0x4, v3  }
0x164: {  	v5 =	vor.u32 $0x5, v3  }
0x165: {  	v3 =	vor.u32 $0x6, v3;
	v6 =	vmul.f32 v4, v10;
	v8 =	vmul.f32 v4, v9  }
0x166: {  	v4 =	vmul.f32 v4, v12  }
0x167: {  	[tilespmem:v7+s23+$0x0] =	vst.idx.msk $0xffff, v6  }
.Ltmp8:
0x168: {  	[tilespmem:v2+s23+$0x0] =	vst.idx.msk $0xffff, v8;
	(pc) =	sbr.rel @p0 .LBB2_8-.Ltmp8, $4  }
0x169: {  	[tilespmem:v5+s23+$0x0] =	vst.idx.msk $0xffff, v4  }
0x16a: {  	[tilespmem:v3+s23+$0x0] =	vst.idx.msk $0xffff, v1  }
0x16b: {  	s19 =	smov.u32 s12;
	v2 =	vld [tilespmem:s28+$0x0]  }
0x16c: {  	s9 =	sadd.s32 $0x10, s9;
	s24 =	sadd.s32 $0x10, s24;
	v3 =	vmov s3;
	s28 =	sadd.s32 $0x10, s28  }
0x16d: {  	v3 =	vshll.u32 v3, $0x3  }
0x16e: {  	v3 =	vor.u32 v0, v3  }
0x16f: {  	v4 =	vor.u32 $0x2, v3  }
0x170: {  	v5 =	vor.u32 $0x1, v3;
	[tilespmem:s29+$0x0] =	vst v2  }
0x171: {  	s1 =	sadd.s32 $0x10, s21;
	v2 =	vld [tilespmem:s24+$0x0]  }
0x172: {  	s3 =	sadd.s32 $0x10, s7;
	v6 =	vld [tilespmem:s1+$0x0]  }
0x173: {  	v7 =	vor.u32 $0x3, v3;
	v8 =	vld [tilespmem:s3+$0x0]  }
0x174: {  	v9 =	vld.idx.msk [tilespmem:v4+s17+$0x0], $0xffff  }
0x175: {  	v10 =	vld.idx.msk [tilespmem:v5+s17+$0x0], $0xffff  }
0x176: {  	v11 =	vld.idx.msk [tilespmem:v5+s15+$0x0], $0xffff  }
0x177: {  	v12 =	vld.idx.msk [tilespmem:v4+s15+$0x0], $0xffff  }
0x178: {  	v13 =	vld.idx.msk [tilespmem:v7+s15+$0x0], $0xffff  }
0x179: {  	v14 =	vld.idx.msk [tilespmem:v7+s17+$0x0], $0xffff;
	_ =	sdelay $0x1  }
0x17a: {  	v15 =	vmul.f32 v6, v6;
	v16 =	vmul.f32 v8, v8  }
0x17b: {  	v10 =	vsub.f32 v10, v11;
	v9 =	vsub.f32 v9, v12  }
0x17c: {  	v49 =	vmul.f32 v2, v2;
	v48 =	vadd.f32 v15, v16  }
0x17d: {  	v13 =	vsub.f32 v14, v13;
	v50 =	vmul.f32 v10, v10;
	v51 =	vmul.f32 v9, v9  }
0x17e: {  	v11 =	vadd.f32 v49, v48  }
0x17f: {  	v53 =	vmul.f32 v13, v13;
	v52 =	vadd.f32 v51, v50  }
0x180: {  	v11 =	vmax.f32 v11, $1.000000020e-16  }
0x181: {  	(erf) = vrcp.f32 v11;
	v54 =	vadd.f32 v53, v52;
	_ =	sdelay $0x1  }
0x182: {  	v55 =	vld.idx.msk [tilespmem:v3+s17+$0x0], $0xffff;
	v11 =	vmax.f32 v54, $1.000000020e-16  }
0x183: {  	v56 =	vld.idx.msk [tilespmem:v3+s15+$0x0], $0xffff;
	(erf) = vrcp.f32 v11;
	_ =	sdelay $0x4  }
0x184: {  	v57 =	vsub.f32 v55, v56  }
0x185: {  	v58 =	vpop (erf)  }
0x186: {  	v12 =	vmul.f32 v58, v57;
	_ =	sdelay $0x1  }
0x187: {  	v8 =	vmul.f32 v12, v8;
	v59 =	vpop (erf)  }
0x188: {  	v60 =	vor.u32 $0x4, v3;
	v6 =	vmul.f32 v12, v6;
	v11 =	vmul.f32 v59, v57  }
0x189: {  	v61 =	vor.u32 $0x5, v3;
	v2 =	vmul.f32 v12, v2;
	[tilespmem:v3+s23+$0x0] =	vst.idx.msk $0xffff, v8  }
0x18a: {  	v3 =	vor.u32 $0x6, v3;
	[tilespmem:v5+s23+$0x0] =	vst.idx.msk $0xffff, v6;
	v62 =	vmul.f32 v11, v10  }
0x18b: {  	[tilespmem:v4+s23+$0x0] =	vst.idx.msk $0xffff, v2;
	v2 =	vmul.f32 v11, v9  }
0x18c: {  	v63 =	vmul.f32 v11, v13;
	[tilespmem:v7+s23+$0x0] =	vst.idx.msk $0xffff, v62  }
0x18d: {  	[tilespmem:v60+s23+$0x0] =	vst.idx.msk $0xffff, v2  }
0x18e: {  	[tilespmem:v61+s23+$0x0] =	vst.idx.msk $0xffff, v63  }
0x18f: {  	[tilespmem:v3+s23+$0x0] =	vst.idx.msk $0xffff, v1  }
0x190: {  	v2 =	vld [tilespmem:s28+$0x0];
	_ =	sdelay $0x4  }
.Ltmp9:
0x191: {  	[tilespmem:s9+$0x0] =	vst v2;
	(pc) =	sbr.rel .LBB2_10-.Ltmp9, $4  }
0x192: {  	_ =	swait.ge [sflag:s18], $0x2000  }
0x193: {  	[sflag:s18] =	ssyncset.done $0x0  }
0x194: {  	s30 =	simm.s32 $0xEC00;
	[sflag:s18] =	ssyncadd.s32 $0xFFFFE000  }
0x195: {  	[spmem:s2] =	stream.indirect.scatter.add.f32 [tilespmem:s23], [sflag:$0x3], $0x8, s30, s0, $0xb8;
	[tilespmem:$0x1B350] =	vst v63  }
.LBB2_12:
0x196: {  	_ =	sfence.sel $0x180000  }
0x197: {  	[bflag:$0x0] =	sbarrier.arrive $0xFFFF  }
0x198: {  	_ =	strace $0x9000004A  }
0x199: {  	s0 =	stileid.u32;
	[bflag:$0x2] =	sbarrier.arrive $0xFFFF  }
0x19a: {  	p0 =	sne.s32 s0, $0x0;
	s0 =	rddreg [dreg:$0x3]  }
0x19b: {  	s0 =	sadd.s32 @!p0 $0x100000, s0  }
0x19c: {  	[sflag:s0] =	ssyncadd.tile.s32 @!p0 $0x1;
	_ =	shalt  }
.Lfunc_end2:
_tile_overlayer_lowered:
.L_overlay_start_2:
0x19d: {  	(tag) =	ssettag $0x2  }
0x19e: {  	s0 =	rddreg [dreg:$0x0];
	s2 =	stileid.u32  }
0x19f: {  	s1 =	rddreg [dreg:$0x1];
	p0 =	sne.s32 s2, $0x0  }
0x1a0: {  	s3 =	rddreg [dreg:$0x2];
	[bflag:$0x3] =	sbarrier.arrive $0xFFFF;
	s2 =	simm.s32 @!p0 $0x1C04  }
0x1a1: {  	[timem:s3], [sflag:s2] =	dma.local @!p0 [hbm:s0], s1  }
0x1a2: {  	s0 =	simm.s32 @!p0 $0x4  }
0x1a3: {  	_ =	swait.ge @!p0 [sflag:s0], s1  }
0x1a4: {  	s1 =	ssub.s32 @!p0 $0x0, s1;
	[sflag:s0] =	ssyncset.done @!p0 $0x0  }
0x1a5: {  	[sflag:s0] =	ssyncadd.s32 @!p0 s1  }
0x1a6: {  	[bflag:$0x3] =	sbarrier.arrive $0xFFFF  }
0x1a7: {  	_ =	shalt  }

// kernel: kernel.9.cloned.1.call-start
scs
__scs_entry_jumppad:
0x0: {  	(pc) =	sbr.rel $0x88, $3  }
0x1: {  	(tag) =	ssettag $0x0;
	lr =	simm.s32 $0x1  }
0x2: {  	[smem:$0x3F9C] =	sst lr;
	_ =	strace $0xD0000000  }
0x3: {  	_ = 	snop  }
0x4: {  	_ = 	snop  }
0x5: {  	_ = 	snop  }
0x6: {  	_ = 	snop  }
0x7: {  	_ = 	snop  }
__scs_overlays_trampoline_lowered:
0x8: {  	[smem:$0x3FAB] =	sst s0  }
0x9: {  	[smem:$0x3FAC] =	sst s1  }
0xa: {  	[smem:$0x3FAD] =	sst s2  }
0xb: {  	[smem:$0x3FAE] =	sst s3  }
0xc: {  	[smem:$0x3FAF] =	sst s4  }
0xd: {  	[smem:$0x3FB0] =	sst s5  }
0xe: {  	[smem:$0x3FB1] =	sst s6  }
0xf: {  	[smem:$0x3FB2] =	sst s7  }
0x10: {  	[smem:$0x3FB3] =	sst s8  }
0x11: {  	[smem:$0x3FB4] =	sst s9;
	s0 =	simm.s32 @!p0 $0x0  }
0x12: {  	s1 =	sld [smem:$0x3F9A];
	s0 =	simm.s32 @p0 $0x1  }
0x13: {  	[smem:$0x3FB5] =	sst s0;
	s0 =	simm.s32 @!p1 $0x0  }
0x14: {  	s2 =	sld [smem:$0x3F99];
	s0 =	simm.s32 @p1 $0x1  }
0x15: {  	[smem:$0x3FB6] =	sst s0;
	s0 =	simm.s32 @!p2 $0x0  }
0x16: {  	s3 =	sld [smem:$0x3FDB];
	s0 =	simm.s32 @p2 $0x1  }
0x17: {  	s4 =	simm.s32 $0x1BF5;
	[smem:$0x3FB8] =	sst s0  }
0x18: {  	s0 =	sld [smem:$0x3F9B];
	_ =	swait.ge [sflag:s4], $0x0  }
0x19: {  	s7 =	sld [smem:$0x3F9C]  }
0x1a: {  	s8 =	sadd.s32 $0xFFFFE003, lr  }
0x1b: {  	s9 =	sadd.s32 $0xFFFFFEF7, lr;
	s5 =	simm.s32 $0xFFFFFFFF;
	p2 =	slt.u32 s8, $0xFFFFF086  }
0x1c: {  	p1 =	slt.u32 s9, $0xF7A;
	s5 =	simm.s32 @!p2 $0x0  }
0x1d: {  	s5 =	simm.s32 @p1 $0x1;
	p0 =	seq.s32 s7, s2  }
0x1e: {  	s7 =	smul.u32 @!p0 $0xF7A, s2;
	p2 =	seq.s32 @!p0 s5, $0x0  }
0x1f: {  	s9 =	smul.u32 $0xF7A, s1;
	s8 =	simm.s32 @!p0 $0x1BF5;
	p2 =	por !p2, p0  }
0x20: {  	[sflag:s8] =	ssyncset.s32 @!p0 $0xFFFFF086;
	s6 =	sadd.s32 @!p0 s3, s7;
	s7 =	simm.s32 @!p0 $0x108  }
0x21: {  	s3 =	sadd.s32 s3, s9;
	s6 =	sadd.s32 @!p0 $0x88, s6;
	s7 =	simm.s32 @p2 $0x1082  }
0x22: {  	[simem:s7], [sflag:s8] =	dma.local @!p0 [hbm:s6], $0xF7A  }
0x23: {  	s9 =	sor.u32 $0xD0000000, s2;
	s6 =	simm.s32 $0x108;
	_ =	swait.ge @!p0 [sflag:s8], $0x0  }
0x24: {  	s3 =	sadd.s32 $0x88, s3;
	s6 =	simm.s32 @!p1 $0x1082;
	[sflag:s4] =	ssyncset.s32 $0xFFFFF086  }
0x25: {  	[simem:s6], [sflag:s4] =	dma.local [hbm:s3], $0xF7A  }
0x26: {  	[smem:$0x3F9C] =	sst s1;
	(tag) =	ssettag s2;
	_ =	strace s9  }
0x27: {  	s1 =	sld [smem:$0x3FAC]  }
0x28: {  	s2 =	sld [smem:$0x3FAD]  }
0x29: {  	s4 =	sld [smem:$0x3FAF]  }
0x2a: {  	p0 =	seq.s32 s5, $0x0;
	s5 =	sld [smem:$0x3FB0]  }
0x2b: {  	s6 =	sld [smem:$0x3FB1]  }
0x2c: {  	s7 =	sld [smem:$0x3FB2]  }
0x2d: {  	s3 =	simm.s32 $0x108;
	s8 =	sld [smem:$0x3FB3]  }
0x2e: {  	s3 =	simm.s32 @!p0 $0x1082;
	s9 =	sld [smem:$0x3FB4]  }
0x2f: {  	lr =	sadd.s32 s0, s3;
	s0 =	sld [smem:$0x3FAB]  }
0x30: {  	s3 =	sld [smem:$0x3FAE]  }
0x31: {  	[smem:$0x3FB7] =	sst s10  }
0x32: {  	s10 =	sld [smem:$0x3FB5];
	_ =	sdelay $0x3  }
0x33: {  	p0 =	seq.s32 s10, $0x1;
	s10 =	sld [smem:$0x3FB7];
	_ =	sdelay $0x3  }
0x34: {  	[smem:$0x3FB7] =	sst s10  }
0x35: {  	s10 =	sld [smem:$0x3FB6];
	_ =	sdelay $0x3  }
0x36: {  	p1 =	seq.s32 s10, $0x1;
	s10 =	sld [smem:$0x3FB7];
	_ =	sdelay $0x3  }
0x37: {  	[smem:$0x3FB7] =	sst s10  }
0x38: {  	s10 =	sld [smem:$0x3FB8]  }
0x39: {  	_ = 	snop;
	(pc) =	sbr.ind lr, $3  }
0x3a: {  	_ = 	snop  }
0x3b: {  	_ = 	snop  }
0x3c: {  	p2 =	seq.s32 s10, $0x1;
	s10 =	sld [smem:$0x3FB7]  }
0x3d: {  	_ =	shalt  }
0x3e: {  	_ =	shalt  }
0x3f: {  	_ =	shalt  }
0x40: {  	_ =	shalt  }
0x41: {  	_ =	shalt  }
0x42: {  	_ =	shalt  }
0x43: {  	_ =	shalt  }
0x44: {  	_ =	shalt  }
0x45: {  	_ =	shalt  }
0x46: {  	_ =	shalt  }
0x47: {  	_ =	shalt  }
0x48: {  	_ =	shalt  }
0x49: {  	_ =	shalt  }
0x4a: {  	_ =	shalt  }
0x4b: {  	_ =	shalt  }
0x4c: {  	_ =	shalt  }
0x4d: {  	_ =	shalt  }
0x4e: {  	_ =	shalt  }
0x4f: {  	_ =	shalt  }
0x50: {  	_ =	shalt  }
0x51: {  	_ =	shalt  }
0x52: {  	_ =	shalt  }
0x53: {  	_ =	shalt  }
0x54: {  	_ =	shalt  }
0x55: {  	_ =	shalt  }
0x56: {  	_ =	shalt  }
0x57: {  	_ =	shalt  }
0x58: {  	_ =	shalt  }
0x59: {  	_ =	shalt  }
0x5a: {  	_ =	shalt  }
0x5b: {  	_ =	shalt  }
0x5c: {  	_ =	shalt  }
0x5d: {  	_ =	shalt  }
0x5e: {  	_ =	shalt  }
0x5f: {  	_ =	shalt  }
0x60: {  	_ =	shalt  }
0x61: {  	_ =	shalt  }
0x62: {  	_ =	shalt  }
0x63: {  	_ =	shalt  }
0x64: {  	_ =	shalt  }
0x65: {  	_ =	shalt  }
0x66: {  	_ =	shalt  }
0x67: {  	_ =	shalt  }
0x68: {  	_ =	shalt  }
0x69: {  	_ =	shalt  }
0x6a: {  	_ =	shalt  }
0x6b: {  	_ =	shalt  }
0x6c: {  	_ =	shalt  }
0x6d: {  	_ =	shalt  }
0x6e: {  	_ =	shalt  }
0x6f: {  	_ =	shalt  }
0x70: {  	_ =	shalt  }
0x71: {  	_ =	shalt  }
0x72: {  	_ =	shalt  }
0x73: {  	_ =	shalt  }
0x74: {  	_ =	shalt  }
0x75: {  	_ =	shalt  }
0x76: {  	_ =	shalt  }
0x77: {  	_ =	shalt  }
0x78: {  	_ =	shalt  }
0x79: {  	_ =	shalt  }
0x7a: {  	_ =	shalt  }
0x7b: {  	_ =	shalt  }
0x7c: {  	_ =	shalt  }
0x7d: {  	_ =	shalt  }
0x7e: {  	_ =	shalt  }
0x7f: {  	_ =	shalt  }
0x80: {  	_ =	shalt  }
0x81: {  	_ =	shalt  }
0x82: {  	_ =	shalt  }
0x83: {  	_ =	shalt  }
0x84: {  	_ =	shalt  }
0x85: {  	_ =	shalt  }
0x86: {  	_ =	shalt  }
0x87: {  	_ =	shalt  }
.Lfunc_end0:
.L_simem_size_0:
called_computation.2_lowered:
.L_overlay_start_0:
0x88: {  	s2 =	sld [smem:$0x3FD9]  }
0x89: {  	s3 =	sld [smem:$0x3FFE];
	_ =	sdelay $0x1  }
0x8a: {  	s1 =	srdreg.scid  }
0x8b: {  	s0 =	sand.u32 $0x1, s1  }
0x8c: {  	s16 =	sshll.u32 s0, $0xA;
	s2 =	sadd.s32 s3, s2  }
0x8d: {  	s2 =	sadd.s32 s2, s16  }
0x8e: {  	[smem:$0x3FC3] =	sst s2  }
0x8f: {  	_ = 	snop  }
0x90: {  	(tm) =	ssettm $0x1  }
0x91: {  	s17 =	sld [smem:$0x3FFB];
	_ =	sdelay $0x3  }
0x92: {  	_ =	strace s17  }
0x93: {  	s2 =	sld [smem:$0x3FFC];
	_ =	sdelay $0x3  }
0x94: {  	_ =	strace s2  }
0x95: {  	s2 =	sld [smem:$0x3FFD];
	_ =	sdelay $0x3  }
0x96: {  	_ =	strace s2  }
0x97: {  	_ =	strace $0x8FFFFFFF  }
0x98: {  	s18 =	sld [smem:$0x3FDB];
	_ =	sdelay $0x1  }
0x99: {  	s19 =	simm.s32 $_scs_section_size  }
0x9a: {  	s4 =	simm.s32 $_size__tile_overlayer_lowered;
	s5 =	simm.s32 $_tile_overlayer_lowered  }
0x9b: {  	s22 =	simm.s32 $0x1BFF;
	s21 =	sshll.u32 s5, $0x1;
	s2 =	sadd.s32 s19, s18  }
0x9c: {  	s6 =	simm.s32 $0x0;
	s20 =	sshll.u32 s4, $0x1;
	s4 =	sadd.s32 s21, s2  }
0x9d: {  	[timem:s6], [sflag:s22] =	dma.local [hbm:s4], s20  }
0x9e: {  	_ =	swait.ge [sflag:s22], s20  }
0x9f: {  	s3 =	ssub.s32 $0x0, s20;
	[sflag:s22] =	ssyncset.done $0x0  }
0xa0: {  	[sflag:s22] =	ssyncadd.s32 s3;
	_ =	sdelay $0x1  }
0xa1: {  	s23 =	simm.s32 $0x1B8B  }
0xa2: {  	_ =	swait.ge [sflag:s23], $0x1  }
0xa3: {  	[sflag:s23] =	ssyncset.done $0x0  }
0xa4: {  	s25 =	simm.s32 $0x1B8E;
	s24 =	sld [smem:$0x3FFE];
	[sflag:s23] =	ssyncadd.s32 $0xFFFFFFFF  }
0xa5: {  	s26 =	simm.s32 $execute0_lowered;
	[smem:$0x3FD2] =	sst s25  }
0xa6: {  	s4 =	sshll.u32 s26, $0x1;
	_ =	strace $0x8000004C;
	[dreg:$0x1] =	wrdreg $0xFFFFFFFF  }
0xa7: {  	s28 =	simm.s32 $_size_execute0_lowered;
	s2 =	sadd.s32 s2, s4;
	[dreg:$0x0] =	wrdreg $0x0  }
0xa8: {  	s4 =	sshll.u32 s28, $0x1;
	[dreg:$0x2] =	wrdreg s2  }
0xa9: {  	[dreg:$0x3] =	wrdreg s4  }
0xaa: {  	[dreg:$0x4] =	wrdreg $0xC0  }
0xab: {  	_ =	task [dreg:s6], $0x5FFFF  }
0xac: {  	[dreg:$0x1] =	wrdreg $0xFFFFFFFF  }
0xad: {  	[dreg:$0x0] =	wrdreg $0x60  }
0xae: {  	[dreg:$0x2] =	wrdreg s24  }
0xaf: {  	[dreg:$0x3] =	wrdreg $0x190000  }
0xb0: {  	[dreg:$0x4] =	wrdreg $0x9  }
0xb1: {  	_ =	task.clear_ibuf [dreg:s6], $0x5FFFF;
	_ =	strace $0x9000004C  }
0xb2: {  	s29 =	simm.s32 $0x9;
	_ =	strace $0x8000004E  }
0xb3: {  	_ =	swait.ge [sflag:s29], $0x1  }
0xb4: {  	[sflag:s29] =	ssyncadd.s32 $0xFFFFFFFF  }
0xb5: {  	_ =	strace $0x9000004E  }
0xb6: {  	_ =	sfence  }
0xb7: {  	s30 =	sld [smem:$0x0];
	_ =	sdelay $0x2  }
0xb8: {  	s31 =	sshll.u32 s1, $0xD;
	s1 =	sshrl.u32 s1, $0x2  }
0xb9: {  	s3 =	sand.u32 $0x4000, s31;
	s1 =	sadd.s32 s1, s30  }
0xba: {  	s0 =	sor.u32 s3, s0;
	s1 =	sshll.u32 s1, $0x11  }
0xbb: {  	s0 =	sor.u32 s1, s0  }
0xbc: {  	s0 =	sadd.s32 $0x8F2B, s0  }
0xbd: {  	[sflag:s0] =	ssyncadd.remote.s32 $0x1  }
0xbe: {  	_ =	sfence.sel $0xFFFF  }
0xbf: {  	[dreg:$0x0] =	wrdreg $0xFFFFFFFF;
	(pc) =	sbr.abs _section_cstart, $3  }
0xc0: {  	[dreg:$0x1] =	wrdreg $0xFFFFFFFF  }
0xc1: {  	_ =	task.clear_ibuf [dreg:s6], $0x2FFFF;
	_ =	strace $0x9FFFFFFF  }
0xc2: {  	(tm) =	ssettm $0x7FFFFFFF  }
0xc3: {  	_ =	shalt  }
tec
execute0_lowered:
.L_overlay_start_1:
0x0: {  	(tag) =	ssettag $0x1  }
0x1: {  	s0 =	rddreg [dreg:$0x0]  }
0x2: {  	s2 =	rddreg [dreg:$0x1];
	s3 =	simm.s32 $0x0;
	s1 =	srdreg.scid  }
0x3: {  	s11 =	stileid.u32;
	s14 =	simm.s32 $0x4;
	s15 =	simm.s32 $0x1400  }
0x4: {  	s16 =	simm.s32 $0x1;
	s17 =	simm.s32 $0xA00;
	s18 =	simm.s32 $0x2800  }
0x5: {  	s19 =	simm.s32 $0xC800;
	s20 =	simm.s32 $0x2;
	s21 =	simm.s32 $0x17C00  }
0x6: {  	s22 =	simm.s32 $0x16800;
	s23 =	simm.s32 $0x7800;
	s24 =	simm.s32 $0x11800  }
0x7: {  	[smem:$0x7FF] =	sst s3;
	s1 =	sand.u32 $0x1, s1;
	s4 =	sadd.s32 $0x187C00, s0  }
0x8: {  	s7 =	smul.u32 $0x186A, s11;
	s5 =	sadd.s32 $0x1200, s0;
	s10 =	sadd.s32 $0x1A0400, s0  }
0x9: {  	s30 =	sshll.u32 s11, $0x6;
	_ =	strace $0x8000004D;
	s8 =	smul.u32 $0x186A0, s1  }
0xa: {  	s6 =	sshll.u32 s1, $0x4;
	s1 =	ssub.s32 $0x2, s1;
	[dreg:$0x3] =	wrdreg s10  }
0xb: {  	s6 =	sor.u32 s11, s6;
	s25 =	sshrl.u32 s1, $0x1;
	s8 =	sadd.s32 s8, s7  }
0xc: {  	s9 =	smul.u32 $0xA00, s6;
	s1 =	ssub.s32 s1, s25;
	s7 =	sand.u32 $0x1FFF8, s7  }
0xd: {  	s8 =	sshrl.u32 s8, $0x3;
	s7 =	sadd.s32 s7, s2;
	s31 =	smax.u32 s1, $0x1  }
0xe: {  	s26 =	sshrl.u32 s9, $0x3;
	s9 =	sor.u32 $0x1C04, s30;
	[dreg:$0x8] =	wrdreg s31  }
.Ltmp0:
0xf: {  	s1 =	sshrl.u32 s7, $0x3;
	[dreg:$0x5] =	wrdreg s9;
	(pc) =	sbr.rel .LBB2_1-.Ltmp0, $4  }
0x10: {  	s0 =	sadd.s32 s8, s0;
	s8 =	sadd.s32 s5, s26;
	[dreg:$0x9] =	wrdreg s1  }
0x11: {  	s28 =	simm.s32 $0x17200;
	s0 =	sadd.s32 $0x1A0800, s0;
	[dreg:$0x4] =	wrdreg s8  }
0x12: {  	v0 =	vlaneseq.u32;
	s29 =	simm.s32 $0x0;
	s8 =	sadd.s32 $0xC3500, s8;
	[dreg:$0x7] =	wrdreg s0  }
0x13: {  	v0 =	vmul.u32 $0x8, v0;
	s25 =	simm.s32 $0x3;
	s26 =	simm.s32 $0x18600;
	[dreg:$0x6] =	wrdreg s8  }
.LBB2_13:
0x14: {  	_ =	swait.ge [sflag:s25], $0xA00  }
0x15: {  	[sflag:s25] =	ssyncset.done $0x0  }
0x16: {  	[sflag:s25] =	ssyncadd.s32 $0xFFFFF600  }
0x17: {  	[bflag:$0x0] =	sbarrier.arrive $0xFFFF  }
0x18: {  	s9 =	rddreg [dreg:$0x5]  }
0x19: {  	s0 =	rddreg [dreg:$0x7]  }
0x1a: {  	s1 =	rddreg [dreg:$0x9]  }
0x1b: {  	[hbm:s0], [sflag:s9] =	dma.local [spmem:s1], $0x30E  }
0x1c: {  	_ =	swait.ge [sflag:s14], $0x30E  }
0x1d: {  	s29 =	sadd.s32 $0x1, s29;
	s31 =	rddreg [dreg:$0x8]  }
0x1e: {  	p0 =	sne.s32 s29, s31  }
.Ltmp1:
0x1f: {  	_ = 	snop;
	(pc) =	sbr.rel @!p0 .LBB2_14-.Ltmp1, $3  }
0x20: {  	_ =	sdelay $0x1  }
0x21: {  	[sflag:s14] =	ssyncset.done $0x0  }
0x22: {  	[sflag:s14] =	ssyncadd.s32 $0xFFFFFCF2  }
.LBB2_1:
0x23: {  	s0 =	rddreg [dreg:$0x3]  }
0x24: {  	[spmem:s1], [sflag:s9] =	dma.local [hbm:s0], $0x30E  }
0x25: {  	_ =	swait.ge [sflag:s14], $0x30E  }
0x26: {  	[sflag:s14] =	ssyncset.done $0x0  }
0x27: {  	[sflag:s14] =	ssyncadd.s32 $0xFFFFFCF2  }
0x28: {  	[bflag:$0x0] =	sbarrier.arrive $0xFFFF  }
0x29: {  	s13 =	rddreg [dreg:$0x4]  }
0x2a: {  	[tilespmem:s3], [sflag:$0x1] =	stream.linear.gather [hbm4b:s13+s3], $0xA00, $0x38;
	[tilespmem:$0x1A870] =	vst v63  }
0x2b: {  	s31 =	rddreg [dreg:$0x6]  }
0x2c: {  	[tilespmem:s15], [sflag:$0x1] =	stream.linear.gather [hbm4b:s31+s3], $0xA00, $0x38;
	[tilespmem:$0x1A870] =	vst v63  }
0x2d: {  	_ =	swait.ge [sflag:s16], $0xA00  }
0x2e: {  	[sflag:s16] =	ssyncset.done $0x0  }
0x2f: {  	[sflag:s16] =	ssyncadd.s32 $0xFFFFF600  }
0x30: {  	_ =	swait.ge [sflag:s16], $0xA00  }
.Ltmp2:
0x31: {  	[sflag:s16] =	ssyncset.done $0x0;
	(pc) =	sbr.rel .LBB2_2-.Ltmp2, $4  }
0x32: {  	[sflag:s16] =	ssyncadd.s32 $0xFFFFF600  }
0x33: {  	[tilespmem:s18], [sflag:$0x2] =	stream.indirect.gather [hbm4b:s4+s17], $0x8, s3, s17, $0xb8;
	[tilespmem:$0x1A870] =	vst v63  }
0x34: {  	s30 =	simm.s32 $0x0  }
0x35: {  	[tilespmem:s19], [sflag:$0x2] =	stream.indirect.gather [hbm4b:s4+s17], $0x8, s15, s17, $0xb8;
	[tilespmem:$0x1A870] =	vst v63  }
.LBB2_12:
0x36: {  	s30 =	sadd.s32 $0x1, s30  }
0x37: {  	p0 =	sne.s32 s30, $0x28  }
.Ltmp3:
0x38: {  	_ = 	snop;
	(pc) =	sbr.rel @!p0 .LBB2_13-.Ltmp3, $1  }
0x39: {  	_ =	sdelay $0x3  }
.LBB2_2:
0x3a: {  	s0 =	sshll.u32 s30, $0x6  }
0x3b: {  	s0 =	sor.u32 s6, s0  }
0x3c: {  	s31 =	sor.u32 $0x20, s0  }
0x3d: {  	p0 =	sgt.u32 s31, $0x9C3  }
0x3e: {  	s1 =	smul.u32 @!p0 $0xA00, s31;
	_ =	sdelay $0x1  }
0x3f: {  	s1 =	sshrl.u32 @!p0 s1, $0x3  }
0x40: {  	s8 =	simm.s32 @!p0 $0x0;
	s7 =	sadd.s32 @!p0 s5, s1;
	s1 =	simm.s32 @!p0 $0xA00  }
0x41: {  	[tilespmem:s1], [sflag:$0x1] =	stream.linear.gather @!p0 [hbm4b:s7+s8], $0xA00, $0x38;
	[tilespmem:$0x1A870] =	vst v63  }
0x42: {  	s9 =	sadd.s32 @!p0 $0xC3500, s7;
	s7 =	simm.s32 @!p0 $0x1E00  }
0x43: {  	[tilespmem:s7], [sflag:$0x1] =	stream.linear.gather @!p0 [hbm4b:s9+s8], $0xA00, $0x38;
	[tilespmem:$0x1A870] =	vst v63  }
0x44: {  	s8 =	simm.s32 @!p0 $0x1  }
0x45: {  	p1 =	sgt.u32 s0, $0x9C3;
	_ =	swait.ge @!p0 [sflag:s8], $0xA00  }
.Ltmp4:
0x46: {  	[sflag:s8] =	ssyncset.done @!p0 $0x0;
	(pc) =	sbr.rel @p1 .LBB2_12-.Ltmp4, $4  }
0x47: {  	[sflag:s8] =	ssyncadd.s32 @!p0 $0xFFFFF600  }
0x48: {  	_ =	swait.ge @!p0 [sflag:s8], $0xA00  }
0x49: {  	[sflag:s8] =	ssyncset.done @!p0 $0x0  }
0x4a: {  	[sflag:s8] =	ssyncadd.s32 @!p0 $0xFFFFF600  }
0x4b: {  	_ =	swait.ge [sflag:s20], $0x5000;
	s0 =	simm.s32 $0x0  }
0x4c: {  	[sflag:s20] =	ssyncset.done $0x0;
	v1 =	vmov s0  }
0x4d: {  	[sflag:s20] =	ssyncadd.s32 $0xFFFFB000;
	v1 =	vshll.u32 v1, $0x3  }
0x4e: {  	_ =	swait.ge [sflag:s20], $0x5000;
	v1 =	vor.u32 v0, v1  }
0x4f: {  	[sflag:s20] =	ssyncset.done $0x0;
	v3 =	vor.u32 $0x5, v1  }
0x50: {  	s8 =	simm.s32 @!p0 $0x7800;
	v2 =	vor.u32 $0x4, v1;
	[sflag:s20] =	ssyncadd.s32 $0xFFFFB000  }
0x51: {  	v4 =	vor.u32 $0x3, v1;
	[tilespmem:s8], [sflag:$0x2] =	stream.indirect.gather @!p0 [hbm4b:s4+s1], $0x8, s1, s1, $0xb8;
	[tilespmem:$0x1A870] =	vst v63  }
0x52: {  	s8 =	simm.s32 @!p0 $0x11800  }
0x53: {  	[tilespmem:s8], [sflag:$0x2] =	stream.indirect.gather @!p0 [hbm4b:s4+s1], $0x8, s7, s1, $0xb8;
	[tilespmem:$0x1A870] =	vst v63  }
0x54: {  	v5 =	vld.idx.msk [tilespmem:v3+s19+$0x0], $0xffff  }
0x55: {  	v6 =	vld.idx.msk [tilespmem:v2+s19+$0x0], $0xffff  }
0x56: {  	v7 =	vld.idx.msk [tilespmem:v4+s19+$0x0], $0xffff  }
0x57: {  	v4 =	vld.idx.msk [tilespmem:v4+s18+$0x0], $0xffff  }
0x58: {  	v8 =	vld.idx.msk [tilespmem:v2+s18+$0x0], $0xffff  }
0x59: {  	v2 =	vor.u32 $0x1, v1;
	v9 =	vld.idx.msk [tilespmem:v3+s18+$0x0], $0xffff;
	_ =	sdelay $0x2  }
0x5a: {  	s13 =	simm.s32 $0x10;
	v4 =	vsub.f32 v7, v4  }
0x5b: {  	s10 =	simm.s32 $0x17C00;
	s12 =	simm.s32 $0x16800;
	s11 =	simm.s32 $0x0;
	v7 =	vmov s13;
	v6 =	vsub.f32 v6, v8  }
0x5c: {  	s1 =	simm.s32 $0x16800;
	s8 =	simm.s32 $0x20;
	s7 =	simm.s32 $0x17C10;
	v3 =	vld.idx.msk [tilespmem:v2+s18+$0x0], $0xffff;
	v5 =	vsub.f32 v5, v9;
	v7 =	vshll.u32 v7, $0x3;
	v8 =	vmul.f32 v4, v4  }
.LBB2_4:
0x5d: {  	s1 =	sadd.s32 $0x10, s1  }
0x5e: {  	v7 =	vor.u32 v0, v7;
	v9 =	vmul.f32 v6, v6;
	s0 =	sadd.s32 $0x10, s0;
	s9 =	smov.u32 s8;
	s13 =	sadd.s32 $0x10, s8  }
0x5f: {  	p1 =	sne.s32 s8, $0x9F0;
	v10 =	vor.u32 $0x3, v7;
	v11 =	vor.u32 $0x4, v7;
	v12 =	vmul.f32 v5, v5  }
0x60: {  	v13 =	vor.u32 $0x1, v7;
	v8 =	vadd.f32 v9, v8;
	_ =	sdelay $0x1  }
0x61: {  	v8 =	vadd.f32 v12, v8  }
0x62: {  	v9 =	vor.u32 $0x5, v7  }
0x63: {  	v12 =	vshra.s32 v8, $0x1;
	v14 =	vmul.f32 $5.000000000e-01, v8  }
0x64: {  	v12 =	vsub.s32 $0x5F3759DF, v12  }
0x65: {  	v15 =	vmul.f32 v12, v14;
	_ =	sdelay $0x1  }
0x66: {  	v15 =	vmul.f32 v12, v15;
	_ =	sdelay $0x1  }
0x67: {  	v15 =	vsub.f32 $1.500000000e+00, v15;
	_ =	sdelay $0x1  }
0x68: {  	v12 =	vmul.f32 v12, v15;
	_ =	sdelay $0x1  }
0x69: {  	v14 =	vmul.f32 v12, v14;
	_ =	sdelay $0x1  }
0x6a: {  	v14 =	vmul.f32 v14, v12;
	_ =	sdelay $0x1  }
0x6b: {  	v15 =	vor.u32 $0x2, v1;
	v14 =	vsub.f32 $1.500000000e+00, v14;
	_ =	sdelay $0x1  }
0x6c: {  	v16 =	vld.idx.msk [tilespmem:v1+s18+$0x0], $0xffff;
	v12 =	vmul.f32 v14, v12  }
0x6d: {  	v14 =	vld.idx.msk [tilespmem:v2+s19+$0x0], $0xffff;
	v2 =	vmov v13  }
0x6e: {  	v13 =	vld.idx.msk [tilespmem:v1+s19+$0x0], $0xffff;
	v8 =	vmul.f32 v12, v8;
	v1 =	vmov v7  }
0x6f: {  	v7 =	vld.idx.msk [tilespmem:v15+s19+$0x0], $0xffff  }
0x70: {  	v12 =	vld.idx.msk [tilespmem:v15+s18+$0x0], $0xffff;
	v8 =	vmax.f32 v8, $9.999999930e-09  }
0x71: {  	v8 =	vadd.f32 $9.999999930e-09, v8;
	_ =	sdelay $0x1  }
0x72: {  	(erf) = vrcp.f32 v8  }
0x73: {  	v3 =	vsub.f32 v14, v3;
	v8 =	vsub.f32 v13, v16;
	_ =	sdelay $0x1  }
0x74: {  	v3 =	vmul.f32 v6, v3;
	v4 =	vmul.f32 v4, v8;
	v6 =	vsub.f32 v7, v12;
	_ =	sdelay $0x1  }
0x75: {  	v3 =	vadd.f32 v3, v4;
	v4 =	vmul.f32 v5, v6;
	_ =	sdelay $0x1  }
0x76: {  	v3 =	vadd.f32 v4, v3;
	_ =	sdelay $0x1  }
0x77: {  	v4 =	vpop (erf)  }
0x78: {  	v3 =	vmul.f32 v4, v3;
	_ =	sdelay $0x1  }
0x79: {  	[tilespmem:s12+$0x0] =	vst v3;
	s12 =	smov.u32 s1  }
0x7a: {  	v3 =	vld [tilespmem:s11+$0x0];
	s11 =	smov.u32 s0;
	_ =	sdelay $0x4  }
0x7b: {  	[tilespmem:s10+$0x0] =	vst v3;
	s10 =	smov.u32 s7  }
0x7c: {  	v5 =	vld.idx.msk [tilespmem:v9+s19+$0x0], $0xffff  }
0x7d: {  	v3 =	vld.idx.msk [tilespmem:v2+s18+$0x0], $0xffff  }
0x7e: {  	v6 =	vld.idx.msk [tilespmem:v11+s19+$0x0], $0xffff  }
0x7f: {  	v4 =	vld.idx.msk [tilespmem:v10+s19+$0x0], $0xffff  }
0x80: {  	v7 =	vld.idx.msk [tilespmem:v10+s18+$0x0], $0xffff  }
0x81: {  	v8 =	vld.idx.msk [tilespmem:v11+s18+$0x0], $0xffff  }
0x82: {  	v9 =	vld.idx.msk [tilespmem:v9+s18+$0x0], $0xffff;
	_ =	sdelay $0x1  }
.Ltmp5:
0x83: {  	(pc) =	sbr.rel @p1 .LBB2_4-.Ltmp5, $4  }
0x84: {  	_ = 	snop  }
0x85: {  	v4 =	vsub.f32 v4, v7  }
0x86: {  	v7 =	vmov s9;
	v6 =	vsub.f32 v6, v8  }
0x87: {  	s8 =	smov.u32 s13;
	s7 =	sadd.s32 $0x10, s7;
	v7 =	vshll.u32 v7, $0x3;
	v5 =	vsub.f32 v5, v9;
	v8 =	vmul.f32 v4, v4  }
0x88: {  	v9 =	vmul.f32 v6, v6;
	_ =	sdelay $0x1  }
0x89: {  	v10 =	vmul.f32 v5, v5;
	v8 =	vadd.f32 v9, v8;
	_ =	sdelay $0x1  }
0x8a: {  	v8 =	vadd.f32 v10, v8;
	_ =	sdelay $0x1  }
0x8b: {  	v44 =	vshra.s32 v8, $0x1;
	v10 =	vmul.f32 $5.000000000e-01, v8  }
0x8c: {  	v9 =	vsub.s32 $0x5F3759DF, v44  }
0x8d: {  	v11 =	vmul.f32 v9, v10;
	_ =	sdelay $0x1  }
0x8e: {  	v11 =	vmul.f32 v9, v11;
	_ =	sdelay $0x1  }
0x8f: {  	v11 =	vsub.f32 $1.500000000e+00, v11;
	_ =	sdelay $0x1  }
0x90: {  	v9 =	vmul.f32 v9, v11;
	_ =	sdelay $0x1  }
0x91: {  	v10 =	vmul.f32 v9, v10;
	_ =	sdelay $0x1  }
0x92: {  	v10 =	vmul.f32 v10, v9;
	_ =	sdelay $0x1  }
0x93: {  	v10 =	vsub.f32 $1.500000000e+00, v10  }
0x94: {  	v45 =	vor.u32 $0x2, v1  }
0x95: {  	v9 =	vmul.f32 v10, v9  }
0x96: {  	v46 =	vld.idx.msk [tilespmem:v1+s18+$0x0], $0xffff  }
0x97: {  	v2 =	vld.idx.msk [tilespmem:v2+s19+$0x0], $0xffff;
	v8 =	vmul.f32 v9, v8  }
0x98: {  	v1 =	vld.idx.msk [tilespmem:v1+s19+$0x0], $0xffff  }
0x99: {  	v47 =	vld.idx.msk [tilespmem:v45+s19+$0x0], $0xffff;
	v8 =	vmax.f32 v8, $9.999999930e-09  }
0x9a: {  	v11 =	vld.idx.msk [tilespmem:v45+s18+$0x0], $0xffff;
	v8 =	vadd.f32 $9.999999930e-09, v8;
	_ =	sdelay $0x1  }
0x9b: {  	(erf) = vrcp.f32 v8  }
0x9c: {  	v1 =	vsub.f32 v1, v46;
	v2 =	vsub.f32 v2, v3;
	_ =	sdelay $0x1  }
0x9d: {  	v1 =	vmul.f32 v4, v1;
	v2 =	vmul.f32 v6, v2;
	v3 =	vsub.f32 v47, v11;
	_ =	sdelay $0x1  }
0x9e: {  	v1 =	vadd.f32 v2, v1;
	v2 =	vmul.f32 v5, v3;
	_ =	sdelay $0x2  }
0x9f: {  	v1 =	vadd.f32 v2, v1  }
0xa0: {  	v2 =	vpop (erf)  }
0xa1: {  	v1 =	vmul.f32 v2, v1;
	_ =	sdelay $0x1  }
0xa2: {  	[tilespmem:s12+$0x0] =	vst v1  }
0xa3: {  	v1 =	vor.u32 v0, v7;
	v2 =	vld [tilespmem:s11+$0x0]  }
0xa4: {  	v3 =	vor.u32 $0x4, v1  }
0xa5: {  	v48 =	vor.u32 $0x3, v1;
	_ =	sdelay $0x2  }
0xa6: {  	v49 =	vor.u32 $0x5, v1;
	[tilespmem:s10+$0x0] =	vst v2  }
0xa7: {  	v2 =	vld.idx.msk [tilespmem:v3+s19+$0x0], $0xffff  }
0xa8: {  	v50 =	vld.idx.msk [tilespmem:v48+s19+$0x0], $0xffff  }
0xa9: {  	v4 =	vld.idx.msk [tilespmem:v48+s18+$0x0], $0xffff  }
0xaa: {  	v3 =	vld.idx.msk [tilespmem:v3+s18+$0x0], $0xffff  }
0xab: {  	v51 =	vld.idx.msk [tilespmem:v49+s19+$0x0], $0xffff  }
0xac: {  	v5 =	vld.idx.msk [tilespmem:v49+s18+$0x0], $0xffff;
	_ =	sdelay $0x2  }
0xad: {  	v4 =	vsub.f32 v50, v4;
	v2 =	vsub.f32 v2, v3;
	_ =	sdelay $0x1  }
0xae: {  	v3 =	vsub.f32 v51, v5;
	v52 =	vmul.f32 v4, v4;
	v53 =	vmul.f32 v2, v2;
	_ =	sdelay $0x1  }
0xaf: {  	v7 =	vmul.f32 v3, v3;
	v5 =	vadd.f32 v53, v52;
	_ =	sdelay $0x1  }
0xb0: {  	v5 =	vadd.f32 v7, v5;
	_ =	sdelay $0x1  }
0xb1: {  	v54 =	vshra.s32 v5, $0x1;
	v7 =	vmul.f32 $5.000000000e-01, v5  }
0xb2: {  	v6 =	vsub.s32 $0x5F3759DF, v54  }
0xb3: {  	v55 =	vmul.f32 v6, v7;
	_ =	sdelay $0x1  }
0xb4: {  	v8 =	vmul.f32 v6, v55;
	_ =	sdelay $0x1  }
0xb5: {  	v8 =	vsub.f32 $1.500000000e+00, v8;
	_ =	sdelay $0x1  }
0xb6: {  	v6 =	vmul.f32 v6, v8;
	_ =	sdelay $0x1  }
0xb7: {  	v7 =	vmul.f32 v6, v7  }
0xb8: {  	v56 =	vor.u32 $0x1, v1  }
0xb9: {  	v7 =	vmul.f32 v7, v6;
	_ =	sdelay $0x1  }
0xba: {  	v7 =	vsub.f32 $1.500000000e+00, v7  }
0xbb: {  	v57 =	vor.u32 $0x2, v1  }
0xbc: {  	v58 =	vld.idx.msk [tilespmem:v56+s18+$0x0], $0xffff;
	v6 =	vmul.f32 v7, v6  }
0xbd: {  	v59 =	vld.idx.msk [tilespmem:v1+s18+$0x0], $0xffff  }
0xbe: {  	v60 =	vld.idx.msk [tilespmem:v56+s19+$0x0], $0xffff;
	v5 =	vmul.f32 v6, v5  }
0xbf: {  	v1 =	vld.idx.msk [tilespmem:v1+s19+$0x0], $0xffff  }
0xc0: {  	v61 =	vld.idx.msk [tilespmem:v57+s19+$0x0], $0xffff;
	v5 =	vmax.f32 v5, $9.999999930e-09  }
0xc1: {  	v9 =	vld.idx.msk [tilespmem:v57+s18+$0x0], $0xffff;
	v5 =	vadd.f32 $9.999999930e-09, v5;
	_ =	sdelay $0x1  }
0xc2: {  	(erf) = vrcp.f32 v5  }
0xc3: {  	v1 =	vsub.f32 v1, v59;
	v62 =	vsub.f32 v60, v58;
	_ =	sdelay $0x1  }
0xc4: {  	v63 =	vsub.f32 v61, v9;
	v1 =	vmul.f32 v4, v1;
	v2 =	vmul.f32 v2, v62;
	_ =	sdelay $0x1  }
0xc5: {  	v1 =	vadd.f32 v2, v1;
	v2 =	vmul.f32 v3, v63;
	_ =	sdelay $0x2  }
0xc6: {  	v1 =	vadd.f32 v2, v1  }
0xc7: {  	v2 =	vpop (erf)  }
0xc8: {  	v1 =	vmul.f32 v2, v1  }
0xc9: {  	s1 =	sadd.s32 $0x10, s1  }
0xca: {  	s0 =	sadd.s32 $0x10, s0;
	[tilespmem:s1+$0x0] =	vst v1  }
0xcb: {  	v1 =	vld [tilespmem:s0+$0x0];
	_ =	sdelay $0x3  }
0xcc: {  	p1 =	seq.s32 s30, $0x0  }
0xcd: {  	s0 =	simm.s32 @!p1 $0x3;
	[tilespmem:s7+$0x0] =	vst v1  }
0xce: {  	_ =	swait.ge @!p1 [sflag:s0], $0xA00  }
0xcf: {  	[sflag:s0] =	ssyncset.done @!p1 $0x0  }
0xd0: {  	[sflag:s0] =	ssyncadd.s32 @!p1 $0xFFFFF600;
	p1 =	sgt.u32 s31, $0x9A3  }
.Ltmp6:
0xd1: {  	_ = 	snop;
	(pc) =	sbr.rel @p1 .LBB2_7-.Ltmp6, $2  }
0xd2: {  	_ =	sdelay $0x2  }
0xd3: {  	[spmem:s2] =	stream.indirect.scatter.add.f32 [tilespmem:s22], [sflag:$0x3], $0x1, s21, s17, $0xb8;
	[tilespmem:$0x1A870] =	vst v63  }
0xd4: {  	s0 =	smul.u32 $0xA00, s31;
	_ =	sdelay $0x1  }
0xd5: {  	s0 =	sshrl.u32 s0, $0x3  }
0xd6: {  	s0 =	sadd.s32 s5, s0  }
0xd7: {  	s1 =	sadd.s32 $0x2800, s0  }
0xd8: {  	[tilespmem:s3], [sflag:$0x1] =	stream.linear.gather [hbm4b:s1+s3], $0xA00, $0x38;
	[tilespmem:$0x1A870] =	vst v63  }
0xd9: {  	s0 =	sadd.s32 $0xC5D00, s0  }
0xda: {  	[tilespmem:s15], [sflag:$0x1] =	stream.linear.gather [hbm4b:s0+s3], $0xA00, $0x38;
	[tilespmem:$0x1A870] =	vst v63  }
0xdb: {  	_ =	swait.ge [sflag:s16], $0xA00  }
0xdc: {  	[sflag:s16] =	ssyncset.done $0x0  }
0xdd: {  	[sflag:s16] =	ssyncadd.s32 $0xFFFFF600  }
0xde: {  	_ =	swait.ge [sflag:s16], $0xA00  }
0xdf: {  	[sflag:s16] =	ssyncset.done $0x0  }
0xe0: {  	[sflag:s16] =	ssyncadd.s32 $0xFFFFF600  }
0xe1: {  	_ =	swait.ge [sflag:s20], $0x5000  }
0xe2: {  	[sflag:s20] =	ssyncset.done $0x0  }
0xe3: {  	[sflag:s20] =	ssyncadd.s32 $0xFFFFB000  }
0xe4: {  	_ =	swait.ge [sflag:s20], $0x5000  }
.Ltmp7:
0xe5: {  	[sflag:s20] =	ssyncset.done $0x0;
	(pc) =	sbr.rel .LBB2_9-.Ltmp7, $4  }
0xe6: {  	[sflag:s20] =	ssyncadd.s32 $0xFFFFB000  }
0xe7: {  	[tilespmem:s18], [sflag:$0x2] =	stream.indirect.gather [hbm4b:s4+s17], $0x8, s3, s17, $0xb8;
	[tilespmem:$0x1A870] =	vst v63  }
0xe8: {  	_ = 	snop  }
0xe9: {  	[tilespmem:s19], [sflag:$0x2] =	stream.indirect.gather [hbm4b:s4+s17], $0x8, s15, s17, $0xb8;
	[tilespmem:$0x1A870] =	vst v63  }
.LBB2_7:
.Ltmp8:
0xea: {  	(pc) =	sbr.rel @p0 .LBB2_12-.Ltmp8, $1  }
0xeb: {  	_ =	sdelay $0x3  }
0xec: {  	_ =	swait.ge [sflag:s20], $0x5000  }
0xed: {  	[sflag:s20] =	ssyncset.done $0x0  }
0xee: {  	[sflag:s20] =	ssyncadd.s32 $0xFFFFB000  }
0xef: {  	_ =	swait.ge [sflag:s20], $0x5000  }
0xf0: {  	[sflag:s20] =	ssyncset.done $0x0  }
0xf1: {  	[sflag:s20] =	ssyncadd.s32 $0xFFFFB000  }
.LBB2_9:
0xf2: {  	s0 =	simm.s32 $0x0  }
0xf3: {  	v1 =	vmov s0  }
0xf4: {  	v1 =	vshll.u32 v1, $0x3  }
0xf5: {  	v1 =	vor.u32 v0, v1  }
0xf6: {  	v3 =	vor.u32 $0x5, v1  }
0xf7: {  	v2 =	vor.u32 $0x4, v1  }
0xf8: {  	v4 =	vor.u32 $0x3, v1;
	_ =	sdelay $0x2  }
0xf9: {  	v5 =	vld.idx.msk [tilespmem:v3+s24+$0x0], $0xffff  }
0xfa: {  	v6 =	vld.idx.msk [tilespmem:v2+s24+$0x0], $0xffff  }
0xfb: {  	v7 =	vld.idx.msk [tilespmem:v4+s24+$0x0], $0xffff  }
0xfc: {  	v4 =	vld.idx.msk [tilespmem:v4+s23+$0x0], $0xffff  }
0xfd: {  	v8 =	vld.idx.msk [tilespmem:v2+s23+$0x0], $0xffff  }
0xfe: {  	v2 =	vor.u32 $0x1, v1;
	v9 =	vld.idx.msk [tilespmem:v3+s23+$0x0], $0xffff;
	_ =	sdelay $0x2  }
0xff: {  	s1 =	simm.s32 $0x10;
	s31 =	simm.s32 $0xA00;
	v4 =	vsub.f32 v7, v4  }
0x100: {  	s7 =	simm.s32 $0x18600;
	s12 =	simm.s32 $0x20;
	s11 =	simm.s32 $0x17200;
	v7 =	vmov s1;
	v6 =	vsub.f32 v6, v8  }
0x101: {  	s10 =	simm.s32 $0xA00;
	s0 =	simm.s32 $0x17200;
	v3 =	vld.idx.msk [tilespmem:v2+s23+$0x0], $0xffff;
	v5 =	vsub.f32 v5, v9;
	s1 =	simm.s32 $0x18610;
	v7 =	vshll.u32 v7, $0x3;
	v8 =	vmul.f32 v4, v4  }
.LBB2_10:
0x102: {  	s0 =	sadd.s32 $0x10, s0  }
0x103: {  	v7 =	vor.u32 v0, v7;
	v9 =	vmul.f32 v6, v6;
	s31 =	sadd.s32 $0x10, s31;
	s9 =	smov.u32 s12;
	s8 =	sadd.s32 $0x10, s12  }
0x104: {  	p0 =	sne.s32 s12, $0x9F0;
	v10 =	vor.u32 $0x3, v7;
	v11 =	vor.u32 $0x4, v7;
	v12 =	vmul.f32 v5, v5  }
0x105: {  	v13 =	vor.u32 $0x1, v7;
	v8 =	vadd.f32 v9, v8;
	_ =	sdelay $0x1  }
0x106: {  	v8 =	vadd.f32 v12, v8  }
0x107: {  	v9 =	vor.u32 $0x5, v7  }
0x108: {  	v12 =	vshra.s32 v8, $0x1;
	v14 =	vmul.f32 $5.000000000e-01, v8  }
0x109: {  	v12 =	vsub.s32 $0x5F3759DF, v12  }
0x10a: {  	v15 =	vmul.f32 v12, v14;
	_ =	sdelay $0x1  }
0x10b: {  	v15 =	vmul.f32 v12, v15;
	_ =	sdelay $0x1  }
0x10c: {  	v15 =	vsub.f32 $1.500000000e+00, v15;
	_ =	sdelay $0x1  }
0x10d: {  	v12 =	vmul.f32 v12, v15;
	_ =	sdelay $0x1  }
0x10e: {  	v14 =	vmul.f32 v12, v14;
	_ =	sdelay $0x1  }
0x10f: {  	v14 =	vmul.f32 v14, v12;
	_ =	sdelay $0x1  }
0x110: {  	v15 =	vor.u32 $0x2, v1;
	v14 =	vsub.f32 $1.500000000e+00, v14;
	_ =	sdelay $0x1  }
0x111: {  	v16 =	vld.idx.msk [tilespmem:v1+s23+$0x0], $0xffff;
	v12 =	vmul.f32 v14, v12  }
0x112: {  	v14 =	vld.idx.msk [tilespmem:v2+s24+$0x0], $0xffff;
	v2 =	vmov v13  }
0x113: {  	v13 =	vld.idx.msk [tilespmem:v1+s24+$0x0], $0xffff;
	v8 =	vmul.f32 v12, v8;
	v1 =	vmov v7  }
0x114: {  	v7 =	vld.idx.msk [tilespmem:v15+s24+$0x0], $0xffff  }
0x115: {  	v12 =	vld.idx.msk [tilespmem:v15+s23+$0x0], $0xffff;
	v8 =	vmax.f32 v8, $9.999999930e-09  }
0x116: {  	v8 =	vadd.f32 $9.999999930e-09, v8;
	_ =	sdelay $0x1  }
0x117: {  	(erf) = vrcp.f32 v8  }
0x118: {  	v3 =	vsub.f32 v14, v3;
	v8 =	vsub.f32 v13, v16;
	_ =	sdelay $0x1  }
0x119: {  	v3 =	vmul.f32 v6, v3;
	v4 =	vmul.f32 v4, v8;
	v6 =	vsub.f32 v7, v12;
	_ =	sdelay $0x1  }
0x11a: {  	v3 =	vadd.f32 v3, v4;
	v4 =	vmul.f32 v5, v6;
	_ =	sdelay $0x1  }
0x11b: {  	v3 =	vadd.f32 v4, v3;
	_ =	sdelay $0x1  }
0x11c: {  	v4 =	vpop (erf)  }
0x11d: {  	v3 =	vmul.f32 v4, v3;
	_ =	sdelay $0x1  }
0x11e: {  	[tilespmem:s11+$0x0] =	vst v3;
	s11 =	smov.u32 s0  }
0x11f: {  	v3 =	vld [tilespmem:s10+$0x0];
	s10 =	smov.u32 s31;
	_ =	sdelay $0x4  }
0x120: {  	[tilespmem:s7+$0x0] =	vst v3;
	s7 =	smov.u32 s1  }
0x121: {  	v5 =	vld.idx.msk [tilespmem:v9+s24+$0x0], $0xffff  }
0x122: {  	v3 =	vld.idx.msk [tilespmem:v2+s23+$0x0], $0xffff  }
0x123: {  	v6 =	vld.idx.msk [tilespmem:v11+s24+$0x0], $0xffff  }
0x124: {  	v4 =	vld.idx.msk [tilespmem:v10+s24+$0x0], $0xffff  }
0x125: {  	v7 =	vld.idx.msk [tilespmem:v10+s23+$0x0], $0xffff  }
0x126: {  	v8 =	vld.idx.msk [tilespmem:v11+s23+$0x0], $0xffff  }
0x127: {  	v9 =	vld.idx.msk [tilespmem:v9+s23+$0x0], $0xffff;
	_ =	sdelay $0x1  }
.Ltmp9:
0x128: {  	(pc) =	sbr.rel @p0 .LBB2_10-.Ltmp9, $4  }
0x129: {  	_ = 	snop  }
0x12a: {  	v4 =	vsub.f32 v4, v7  }
0x12b: {  	v7 =	vmov s9;
	v6 =	vsub.f32 v6, v8  }
0x12c: {  	s12 =	smov.u32 s8;
	s1 =	sadd.s32 $0x10, s1;
	v7 =	vshll.u32 v7, $0x3;
	v5 =	vsub.f32 v5, v9;
	v8 =	vmul.f32 v4, v4  }
0x12d: {  	v9 =	vmul.f32 v6, v6;
	_ =	sdelay $0x1  }
0x12e: {  	v10 =	vmul.f32 v5, v5;
	v8 =	vadd.f32 v9, v8;
	_ =	sdelay $0x1  }
0x12f: {  	v8 =	vadd.f32 v10, v8;
	_ =	sdelay $0x1  }
0x130: {  	v44 =	vshra.s32 v8, $0x1;
	v10 =	vmul.f32 $5.000000000e-01, v8  }
0x131: {  	v9 =	vsub.s32 $0x5F3759DF, v44  }
0x132: {  	v11 =	vmul.f32 v9, v10;
	_ =	sdelay $0x1  }
0x133: {  	v11 =	vmul.f32 v9, v11;
	_ =	sdelay $0x1  }
0x134: {  	v11 =	vsub.f32 $1.500000000e+00, v11;
	_ =	sdelay $0x1  }
0x135: {  	v9 =	vmul.f32 v9, v11;
	_ =	sdelay $0x1  }
0x136: {  	v10 =	vmul.f32 v9, v10;
	_ =	sdelay $0x1  }
0x137: {  	v10 =	vmul.f32 v10, v9;
	_ =	sdelay $0x1  }
0x138: {  	v10 =	vsub.f32 $1.500000000e+00, v10  }
0x139: {  	v45 =	vor.u32 $0x2, v1  }
0x13a: {  	v9 =	vmul.f32 v10, v9  }
0x13b: {  	v46 =	vld.idx.msk [tilespmem:v1+s23+$0x0], $0xffff  }
0x13c: {  	v2 =	vld.idx.msk [tilespmem:v2+s24+$0x0], $0xffff;
	v8 =	vmul.f32 v9, v8  }
0x13d: {  	v1 =	vld.idx.msk [tilespmem:v1+s24+$0x0], $0xffff  }
0x13e: {  	v47 =	vld.idx.msk [tilespmem:v45+s24+$0x0], $0xffff;
	v8 =	vmax.f32 v8, $9.999999930e-09  }
0x13f: {  	v11 =	vld.idx.msk [tilespmem:v45+s23+$0x0], $0xffff;
	v8 =	vadd.f32 $9.999999930e-09, v8;
	_ =	sdelay $0x1  }
0x140: {  	(erf) = vrcp.f32 v8  }
0x141: {  	v1 =	vsub.f32 v1, v46;
	v2 =	vsub.f32 v2, v3;
	_ =	sdelay $0x1  }
0x142: {  	v1 =	vmul.f32 v4, v1;
	v2 =	vmul.f32 v6, v2;
	v3 =	vsub.f32 v47, v11;
	_ =	sdelay $0x1  }
0x143: {  	v1 =	vadd.f32 v2, v1;
	v2 =	vmul.f32 v5, v3;
	_ =	sdelay $0x2  }
0x144: {  	v1 =	vadd.f32 v2, v1  }
0x145: {  	v2 =	vpop (erf)  }
0x146: {  	v1 =	vmul.f32 v2, v1;
	_ =	sdelay $0x1  }
0x147: {  	[tilespmem:s11+$0x0] =	vst v1  }
0x148: {  	v1 =	vor.u32 v0, v7;
	v2 =	vld [tilespmem:s10+$0x0]  }
0x149: {  	v3 =	vor.u32 $0x4, v1  }
0x14a: {  	v48 =	vor.u32 $0x3, v1;
	_ =	sdelay $0x2  }
0x14b: {  	v49 =	vor.u32 $0x5, v1;
	[tilespmem:s7+$0x0] =	vst v2  }
0x14c: {  	v2 =	vld.idx.msk [tilespmem:v3+s24+$0x0], $0xffff  }
0x14d: {  	v50 =	vld.idx.msk [tilespmem:v48+s24+$0x0], $0xffff  }
0x14e: {  	v4 =	vld.idx.msk [tilespmem:v48+s23+$0x0], $0xffff  }
0x14f: {  	v3 =	vld.idx.msk [tilespmem:v3+s23+$0x0], $0xffff  }
0x150: {  	v51 =	vld.idx.msk [tilespmem:v49+s24+$0x0], $0xffff  }
0x151: {  	v5 =	vld.idx.msk [tilespmem:v49+s23+$0x0], $0xffff;
	_ =	sdelay $0x2  }
0x152: {  	v4 =	vsub.f32 v50, v4;
	v2 =	vsub.f32 v2, v3;
	_ =	sdelay $0x1  }
0x153: {  	v3 =	vsub.f32 v51, v5;
	v52 =	vmul.f32 v4, v4;
	v53 =	vmul.f32 v2, v2;
	_ =	sdelay $0x1  }
0x154: {  	v7 =	vmul.f32 v3, v3;
	v5 =	vadd.f32 v53, v52;
	_ =	sdelay $0x1  }
0x155: {  	v5 =	vadd.f32 v7, v5;
	_ =	sdelay $0x1  }
0x156: {  	v54 =	vshra.s32 v5, $0x1;
	v7 =	vmul.f32 $5.000000000e-01, v5  }
0x157: {  	v6 =	vsub.s32 $0x5F3759DF, v54  }
0x158: {  	v55 =	vmul.f32 v6, v7;
	_ =	sdelay $0x1  }
0x159: {  	v8 =	vmul.f32 v6, v55;
	_ =	sdelay $0x1  }
0x15a: {  	v8 =	vsub.f32 $1.500000000e+00, v8;
	_ =	sdelay $0x1  }
0x15b: {  	v6 =	vmul.f32 v6, v8;
	_ =	sdelay $0x1  }
0x15c: {  	v7 =	vmul.f32 v6, v7  }
0x15d: {  	v56 =	vor.u32 $0x1, v1  }
0x15e: {  	v7 =	vmul.f32 v7, v6;
	_ =	sdelay $0x1  }
0x15f: {  	v7 =	vsub.f32 $1.500000000e+00, v7  }
0x160: {  	v57 =	vor.u32 $0x2, v1  }
0x161: {  	v58 =	vld.idx.msk [tilespmem:v56+s23+$0x0], $0xffff;
	v6 =	vmul.f32 v7, v6  }
0x162: {  	v59 =	vld.idx.msk [tilespmem:v1+s23+$0x0], $0xffff  }
0x163: {  	v60 =	vld.idx.msk [tilespmem:v56+s24+$0x0], $0xffff;
	v5 =	vmul.f32 v6, v5  }
0x164: {  	v1 =	vld.idx.msk [tilespmem:v1+s24+$0x0], $0xffff  }
0x165: {  	v61 =	vld.idx.msk [tilespmem:v57+s24+$0x0], $0xffff;
	v5 =	vmax.f32 v5, $9.999999930e-09  }
0x166: {  	v9 =	vld.idx.msk [tilespmem:v57+s23+$0x0], $0xffff;
	v5 =	vadd.f32 $9.999999930e-09, v5;
	_ =	sdelay $0x1  }
0x167: {  	(erf) = vrcp.f32 v5  }
0x168: {  	v1 =	vsub.f32 v1, v59;
	v62 =	vsub.f32 v60, v58;
	_ =	sdelay $0x1  }
0x169: {  	v63 =	vsub.f32 v61, v9;
	v1 =	vmul.f32 v4, v1;
	v2 =	vmul.f32 v2, v62;
	_ =	sdelay $0x1  }
0x16a: {  	v1 =	vadd.f32 v2, v1;
	v2 =	vmul.f32 v3, v63;
	_ =	sdelay $0x2  }
0x16b: {  	v1 =	vadd.f32 v2, v1  }
0x16c: {  	v2 =	vpop (erf)  }
0x16d: {  	v1 =	vmul.f32 v2, v1  }
0x16e: {  	s0 =	sadd.s32 $0x10, s0  }
0x16f: {  	s31 =	sadd.s32 $0x10, s31;
	[tilespmem:s0+$0x0] =	vst v1  }
0x170: {  	v1 =	vld [tilespmem:s31+$0x0];
	_ =	sdelay $0x4  }
.Ltmp10:
0x171: {  	[tilespmem:s1+$0x0] =	vst v1;
	(pc) =	sbr.rel .LBB2_12-.Ltmp10, $4  }
0x172: {  	_ =	swait.ge [sflag:s25], $0xA00  }
0x173: {  	[sflag:s25] =	ssyncset.done $0x0  }
0x174: {  	[sflag:s25] =	ssyncadd.s32 $0xFFFFF600  }
0x175: {  	[spmem:s2] =	stream.indirect.scatter.add.f32 [tilespmem:s28], [sflag:$0x3], $0x1, s26, s17, $0xb8;
	[tilespmem:$0x1A870] =	vst v63  }
.LBB2_14:
0x176: {  	_ =	sfence.sel $0x180000  }
0x177: {  	[bflag:$0x0] =	sbarrier.arrive $0xFFFF  }
0x178: {  	_ =	strace $0x9000004D  }
0x179: {  	s0 =	stileid.u32;
	[bflag:$0x2] =	sbarrier.arrive $0xFFFF  }
0x17a: {  	p0 =	sne.s32 s0, $0x0;
	s0 =	rddreg [dreg:$0x2]  }
0x17b: {  	s0 =	sadd.s32 @!p0 $0x100000, s0  }
0x17c: {  	[sflag:s0] =	ssyncadd.tile.s32 @!p0 $0x1;
	_ =	shalt  }
.Lfunc_end2:
_tile_overlayer_lowered:
.L_overlay_start_2:
0x17d: {  	(tag) =	ssettag $0x2  }
0x17e: {  	s0 =	rddreg [dreg:$0x0];
	s2 =	stileid.u32  }
0x17f: {  	s1 =	rddreg [dreg:$0x1];
	p0 =	sne.s32 s2, $0x0  }
0x180: {  	s3 =	rddreg [dreg:$0x2];
	[bflag:$0x3] =	sbarrier.arrive $0xFFFF;
	s2 =	simm.s32 @!p0 $0x1C04  }
0x181: {  	[timem:s3], [sflag:s2] =	dma.local @!p0 [hbm:s0], s1  }
0x182: {  	s0 =	simm.s32 @!p0 $0x4  }
0x183: {  	_ =	swait.ge @!p0 [sflag:s0], s1  }
0x184: {  	s1 =	ssub.s32 @!p0 $0x0, s1;
	[sflag:s0] =	ssyncset.done @!p0 $0x0  }
0x185: {  	[sflag:s0] =	ssyncadd.s32 @!p0 s1  }
0x186: {  	[bflag:$0x3] =	sbarrier.arrive $0xFFFF  }
0x187: {  	_ =	shalt  }

// kernel: sparse-core-data-format-call.cloned.1.call-start
scs
called_computation_lowered:
.L_overlay_start_0:
0x0: {  	s2 =	sld [smem:$0x3FD9]  }
0x1: {  	s3 =	sld [smem:$0x3FFE];
	_ =	sdelay $0x1  }
0x2: {  	s1 =	srdreg.scid  }
0x3: {  	s0 =	sand.u32 $0x1, s1  }
0x4: {  	s18 =	sshll.u32 s0, $0xA;
	s2 =	sadd.s32 s3, s2  }
0x5: {  	s2 =	sadd.s32 s2, s18  }
0x6: {  	[smem:$0x3FC3] =	sst s2  }
0x7: {  	_ = 	snop  }
0x8: {  	s2 =	sld [smem:$0x3FC6];
	(tm) =	ssettm $0x1  }
0x9: {  	s19 =	sld [smem:$0x3FFB];
	_ =	sdelay $0x3  }
0xa: {  	_ =	strace s19  }
0xb: {  	s3 =	sld [smem:$0x3FFC];
	_ =	sdelay $0x3  }
0xc: {  	_ =	strace s3  }
0xd: {  	s3 =	sld [smem:$0x3FFD];
	_ =	sdelay $0x3  }
0xe: {  	_ =	strace s3  }
0xf: {  	_ =	strace $0x8FFFFFFF  }
0x10: {  	s20 =	sld [smem:$0x3FDB];
	_ =	sdelay $0x1  }
0x11: {  	s4 =	simm.s32 $_scs_section_size  }
0x12: {  	s5 =	simm.s32 $_size__tile_overlayer_lowered;
	s6 =	simm.s32 $_tile_overlayer_lowered  }
0x13: {  	s23 =	simm.s32 $0x1BFF;
	s22 =	sshll.u32 s6, $0x1;
	s3 =	sadd.s32 s4, s20  }
0x14: {  	s7 =	simm.s32 $0x0;
	s21 =	sshll.u32 s5, $0x1;
	s5 =	sadd.s32 s22, s3  }
0x15: {  	[timem:s7], [sflag:s23] =	dma.local [hbm:s5], s21  }
0x16: {  	_ =	swait.ge [sflag:s23], s21  }
0x17: {  	s4 =	ssub.s32 $0x0, s21;
	[sflag:s23] =	ssyncset.done $0x0  }
0x18: {  	[sflag:s23] =	ssyncadd.s32 s4;
	_ =	sdelay $0x1  }
0x19: {  	s24 =	simm.s32 $0x1B8B  }
0x1a: {  	_ =	swait.ge [sflag:s24], $0x1  }
0x1b: {  	[sflag:s24] =	ssyncset.done $0x0  }
0x1c: {  	s26 =	simm.s32 $0x1B8E;
	s25 =	sld [smem:$0x3FFE];
	[sflag:s24] =	ssyncadd.s32 $0xFFFFFFFF  }
0x1d: {  	s27 =	simm.s32 $execute0_lowered;
	[smem:$0x3FD2] =	sst s26  }
0x1e: {  	s5 =	sshll.u32 s27, $0x1;
	_ =	strace $0x80000046;
	[dreg:$0x1] =	wrdreg $0xFFFFFFFF  }
0x1f: {  	s28 =	simm.s32 $_size_execute0_lowered;
	s3 =	sadd.s32 s3, s5;
	[dreg:$0x0] =	wrdreg $0x0  }
0x20: {  	s5 =	sshll.u32 s28, $0x1;
	[dreg:$0x2] =	wrdreg s3  }
0x21: {  	[dreg:$0x3] =	wrdreg s5  }
0x22: {  	[dreg:$0x4] =	wrdreg $0xC0  }
0x23: {  	_ =	task [dreg:s7], $0x5FFFF  }
0x24: {  	[dreg:$0x1] =	wrdreg $0xFFFFFFFF  }
0x25: {  	[dreg:$0x0] =	wrdreg $0x60  }
0x26: {  	[dreg:$0x2] =	wrdreg s2  }
0x27: {  	[dreg:$0x3] =	wrdreg s25  }
0x28: {  	[dreg:$0x4] =	wrdreg $0x9  }
0x29: {  	_ =	task.clear_ibuf [dreg:s7], $0x5FFFF;
	_ =	strace $0x90000046  }
0x2a: {  	s29 =	simm.s32 $0x9;
	_ =	strace $0x80000048  }
0x2b: {  	_ =	swait.ge [sflag:s29], $0x1  }
0x2c: {  	[sflag:s29] =	ssyncadd.s32 $0xFFFFFFFF  }
0x2d: {  	_ =	strace $0x90000048  }
0x2e: {  	_ =	sfence  }
0x2f: {  	s30 =	sld [smem:$0x0];
	_ =	sdelay $0x2  }
0x30: {  	s31 =	sshll.u32 s1, $0xD;
	s1 =	sshrl.u32 s1, $0x2  }
0x31: {  	s3 =	sand.u32 $0x4000, s31;
	s1 =	sadd.s32 s1, s30  }
0x32: {  	s0 =	sor.u32 s3, s0;
	s1 =	sshll.u32 s1, $0x11  }
0x33: {  	s0 =	sor.u32 s1, s0  }
0x34: {  	s0 =	sadd.s32 $0x8F2B, s0  }
0x35: {  	[sflag:s0] =	ssyncadd.remote.s32 $0x1  }
0x36: {  	_ =	sfence.sel $0xFFFF  }
0x37: {  	[dreg:$0x0] =	wrdreg $0xFFFFFFFF;
	(pc) =	sbr.abs _section_cstart, $3  }
0x38: {  	[dreg:$0x1] =	wrdreg $0xFFFFFFFF  }
0x39: {  	_ =	task.clear_ibuf [dreg:s7], $0x2FFFF;
	_ =	strace $0x9FFFFFFF  }
0x3a: {  	(tm) =	ssettm $0x7FFFFFFF  }
0x3b: {  	_ =	shalt  }
tec
execute0_lowered:
.L_overlay_start_1:
0x0: {  	(tag) =	ssettag $0x1  }
0x1: {  	s0 =	stileid.u32;
	s7 =	rddreg [dreg:$0x0]  }
0x2: {  	s1 =	srdreg.scid;
	s4 =	rddreg [dreg:$0x1]  }
0x3: {  	s30 =	simm.s32 $0x2;
	s10 =	simm.s32 $0x0;
	s14 =	simm.s32 $0x0  }
0x4: {  	s15 =	simm.s32 $0x0;
	s11 =	simm.s32 $0x0;
	s13 =	simm.s32 $0x0  }
0x5: {  	s2 =	sand.u32 $0x1, s1;
	s3 =	sshll.u32 s0, $0x7;
	s1 =	rddreg [dreg:$0x2]  }
0x6: {  	_ =	strace $0x80000047;
	s5 =	ssub.s32 $0xC300, s3;
	s6 =	ssub.s32 $0x2, s2  }
.Ltmp0:
0x7: {  	s5 =	sshrl.u32 s5, $0xB;
	s8 =	sshrl.u32 s6, $0x1;
	(pc) =	sbr.rel .LBB1_1-.Ltmp0, $4  }
0x8: {  	s4 =	sadd.s32 $0x1200, s4;
	s9 =	sadd.s32 $0x1, s5;
	s6 =	ssub.s32 s6, s8  }
0x9: {  	s31 =	sshll.u32 s2, $0x4;
	s5 =	simm.s32 $0x1;
	s6 =	smul.u32 s9, s6  }
0xa: {  	s12 =	smov.u32 s3;
	s7 =	sadd.s32 s7, s31;
	[sflag:s5] =	ssyncpa.u1 $0x0  }
0xb: {  	s9 =	simm.s32 $0x0;
	[sflag:s30] =	ssyncpa.u1 $0x0;
	s8 =	sadd.s32 $0x1, s6  }
.LBB1_4:
0xc: {  	s21 =	simm.s32 $0x0  }
.LBB1_8:
0xd: {  	_ =	sdelay $0x3  }
0xe: {  	v6 =	vld [tilespmem:s18+$0xFFFFFFC0];
	[tilespmem:v0+s20+$0x30 ss:$0x1] =	vst.idx.msk @p0 $0xffff, v2  }
0xf: {  	v58 =	vld [tilespmem:s18+$0xFFFFFFD0];
	[tilespmem:v0+s20+$0x40 ss:$0x1] =	vst.idx.msk @p0 $0xffff, v3;
	s21 =	sadd.s32 @p0 $0x80, s21  }
0x10: {  	v59 =	vld [tilespmem:s18+$0xFFFFFFE0];
	[tilespmem:v0+s20+$0x50 ss:$0x1] =	vst.idx.msk @p0 $0xffff, v5;
	s19 =	smov.u32 @p0 s21  }
0x11: {  	v60 =	vld [tilespmem:s18+$0xFFFFFFF0];
	[tilespmem:v0+s20+$0x60 ss:$0x1] =	vst.idx.msk @p0 $0xffff, v4;
	s19 =	sand.u32 $0x3F80, s19  }
0x12: {  	v61 =	vld [tilespmem:s18+$0x0];
	[tilespmem:v0+s19+$0x70 ss:$0x1] =	vst.idx.msk $0xffff, v1  }
0x13: {  	v62 =	vld [tilespmem:s18+$0x10];
	[tilespmem:v0+s19+$0x0 ss:$0x1] =	vst.idx.msk $0xffff, v6  }
0x14: {  	v63 =	vld [tilespmem:s18+$0x20];
	[tilespmem:v0+s19+$0x10 ss:$0x1] =	vst.idx.msk $0xffff, v58  }
0x15: {  	[tilespmem:v0+s19+$0x20 ss:$0x1] =	vst.idx.msk $0xffff, v59  }
0x16: {  	[tilespmem:v0+s19+$0x30 ss:$0x1] =	vst.idx.msk $0xffff, v60  }
0x17: {  	[tilespmem:v0+s19+$0x40 ss:$0x1] =	vst.idx.msk $0xffff, v61  }
0x18: {  	[tilespmem:v0+s19+$0x50 ss:$0x1] =	vst.idx.msk $0xffff, v62  }
0x19: {  	[tilespmem:v0+s19+$0x60 ss:$0x1] =	vst.idx.msk $0xffff, v63  }
.LBB1_9:
0x1a: {  	s18 =	sand.u32 $0x1FFFFFF, s11  }
0x1b: {  	s19 =	smulhi.u32 $0x14F8B59, s18;
	_ =	sdelay $0x1  }
0x1c: {  	s19 =	sshrl.u32 s19, $0x8  }
0x1d: {  	s19 =	smul.u32 $0xC350, s19  }
0x1e: {  	s15 =	smul.u32 $0xC3500, s15  }
0x1f: {  	s18 =	ssub.s32 s18, s19  }
0x20: {  	s15 =	sadd.s32 s4, s15;
	s18 =	sshll.u32 s18, $0x4  }
0x21: {  	s15 =	sadd.s32 s18, s15  }
0x22: {  	[hbm4b:s15+s9] =	stream.linear.scatter [tilespmem:s17], [sflag:$0x2], s16, $0x38;
	[tilespmem:$0x10000] =	vst v63  }
.LBB1_10:
0x23: {  	p0 =	slt.u32 s13, $0x2  }
0x24: {  	p1 =	sgt.s32 @!p0 s14, $0xC2D0  }
0x25: {  	s15 =	smov.u32 s14;
	s16 =	sshra.s32 @!p0 s14, $0x1F;
	p1 =	por !p1, p0  }
0x26: {  	s14 =	sand.u32 @!p0 s16, s14;
	s15 =	simm.s32 @p1 $0xC2D0  }
0x27: {  	s14 =	ssub.s32 @!p0 s15, s14  }
0x28: {  	s14 =	sadd.s32 @!p0 $0xFFFF3D30, s14  }
0x29: {  	s15 =	sshll.u32 @!p0 s14, $0x7  }
0x2a: {  	p1 =	sgt.s32 @!p0 s14, $0x7F;
	s14 =	ssub.s32 @!p0 $0x4000, s15  }
0x2b: {  	s16 =	sadd.s32 $0x800, s12;
	p1 =	por !p1, p0;
	s14 =	sand.u32 @!p0 $0x3FFFFF80, s14  }
0x2c: {  	s14 =	simm.s32 @!p1 $0x0;
	p1 =	sgt.s32 s16, $0xC34F  }
0x2d: {  	s16 =	smov.u32 @p1 s3;
	p1 =	sne.s32 s13, s8  }
.Ltmp1:
0x2e: {  	_ = 	snop;
	(pc) =	sbr.rel @!p1 .LBB1_11-.Ltmp1, $4  }
0x2f: {  	s10 =	sadd.s32 $0x4000, s10;
	s15 =	simm.s32 @!p0 $0x2  }
0x30: {  	_ =	swait.ge @!p0 [sflag:s15], s14;
	s17 =	ssub.s32 @!p0 $0x0, s14;
	s14 =	smov.u32 s11  }
0x31: {  	s13 =	sadd.s32 $0x1, s13;
	s11 =	smov.u32 s12;
	[sflag:s15] =	ssyncset.done @!p0 $0x0  }
0x32: {  	s12 =	smov.u32 s16;
	[sflag:s15] =	ssyncadd.s32 @!p0 s17;
	s15 =	smov.u32 s2  }
.LBB1_1:
0x33: {  	p0 =	sge.u32 s13, s6  }
0x34: {  	p1 =	sgt.s32 @!p0 s12, $0xC2D0  }
0x35: {  	s16 =	smov.u32 s12;
	s17 =	sshra.s32 @!p0 s12, $0x1F;
	p1 =	por !p1, p0  }
0x36: {  	s17 =	sand.u32 @!p0 s17, s12;
	s16 =	simm.s32 @p1 $0xC2D0  }
0x37: {  	s16 =	ssub.s32 @!p0 s16, s17  }
0x38: {  	s31 =	sadd.s32 $0xFFFFFFFF, s13;
	s18 =	sxor.u32 @!p0 $0xFFFFFFFF, s13;
	s16 =	sadd.s32 @!p0 $0xFFFF3D30, s16  }
0x39: {  	s19 =	simm.s32 @!p0 $0x80;
	s20 =	simm.s32 @!p0 $0x100;
	s17 =	sshll.u32 @!p0 s16, $0x7  }
0x3a: {  	p1 =	sgt.s32 @!p0 s16, $0x7F;
	s16 =	ssub.s32 @!p0 $0x4000, s17;
	s17 =	sshll.u32 @!p0 s18, $0xE  }
0x3b: {  	p1 =	por !p1, p0;
	s18 =	sshll.u32 @!p0 s12, $0x5;
	s16 =	sand.u32 @!p0 $0x3FFFFF80, s16  }
0x3c: {  	s17 =	sand.u32 @!p0 $0x4000, s17;
	s18 =	sadd.s32 @!p0 s18, s7;
	s16 =	simm.s32 @!p1 $0x0  }
0x3d: {  	[tilespmem:s17], [sflag:$0x1] =	stream.strided.gather @!p0 [hbm4b:s18+s19], s16, s20, s19, $0x38;
	[tilespmem:$0x10000] =	vst v63  }
0x3e: {  	p0 =	sge.u32 s31, s6  }
.Ltmp2:
0x3f: {  	_ = 	snop;
	(pc) =	sbr.rel @p0 .LBB1_10-.Ltmp2, $1  }
0x40: {  	_ =	sdelay $0x3  }
0x41: {  	p0 =	sgt.s32 s11, $0xC2D0;
	s16 =	smov.u32 s11;
	s17 =	sshra.s32 s11, $0x1F  }
0x42: {  	s16 =	simm.s32 @!p0 $0xC2D0;
	s17 =	sand.u32 s17, s11  }
0x43: {  	s16 =	ssub.s32 s16, s17  }
0x44: {  	s16 =	sadd.s32 $0xFFFF3D30, s16  }
0x45: {  	s30 =	sshll.u32 s16, $0x7  }
0x46: {  	s17 =	ssub.s32 $0x4000, s30  }
0x47: {  	p0 =	sgt.s32 s16, $0x7F;
	s16 =	sand.u32 $0x3FFFFF80, s17;
	s17 =	sadd.s32 $0x80, s11  }
0x48: {  	s16 =	simm.s32 @p0 $0x0;
	p0 =	slt.s32 s17, $0xC350  }
0x49: {  	s17 =	simm.s32 @!p0 $0xC350  }
0x4a: {  	s20 =	ssub.s32 s17, s11  }
0x4b: {  	p0 =	slt.s32 s20, $0x1  }
.Ltmp3:
0x4c: {  	_ = 	snop;
	(pc) =	sbr.rel @p0 .LBB1_9-.Ltmp3, $4  }
0x4d: {  	_ = 	snop  }
0x4e: {  	s19 =	sshll.u32 s13, $0xE;
	_ =	swait.ge [sflag:s5], s16  }
0x4f: {  	s31 =	sand.u32 $0x4000, s19;
	s18 =	ssub.s32 $0x0, s16;
	[sflag:s5] =	ssyncset.done $0x0  }
0x50: {  	s17 =	sor.u32 $0x8000, s31;
	[sflag:s5] =	ssyncadd.s32 s18  }
0x51: {  	p1 =	sne.s32 s20, $0x1  }
.Ltmp4:
0x52: {  	v0 =	vmov s17;
	(pc) =	sbr.rel @!p1 .LBB1_4-.Ltmp4, $4  }
0x53: {  	_ = 	snop  }
0x54: {  	s18 =	sand.u32 $0x4000, s10  }
0x55: {  	s18 =	sor.u32 $0x40, s18  }
0x56: {  	s19 =	simm.s32 $0x0;
	s21 =	sadd.s32 $0xFFFFFFFF, s20;
	p0 =	por $0x0, $0x0;
	v1 =	vld [tilespmem:s18+$0x30]  }
0x57: {  	v4 =	vld [tilespmem:s18+$0xFFFFFFC0]  }
0x58: {  	v6 =	vld [tilespmem:s18+$0xFFFFFFD0]  }
0x59: {  	v7 =	vld [tilespmem:s18+$0xFFFFFFE0];
	p1 =	sne.s32 s21, $0x1  }
.Ltmp5:
0x5a: {  	v2 =	vld [tilespmem:s18+$0xFFFFFFF0];
	s20 =	sand.u32 $0x3F80, s19;
	(pc) =	sbr.rel @!p1 .LBB1_6-.Ltmp5, $4  }
0x5b: {  	v3 =	vld [tilespmem:s18+$0x0];
	[tilespmem:v0+s20+$0x70 ss:$0x1] =	vst.idx.msk $0xffff, v1  }
0x5c: {  	v5 =	vld [tilespmem:s18+$0x10];
	[tilespmem:v0+s20+$0x0 ss:$0x1] =	vst.idx.msk $0xffff, v4  }
0x5d: {  	v4 =	vld [tilespmem:s18+$0x20];
	[tilespmem:v0+s20+$0x10 ss:$0x1] =	vst.idx.msk $0xffff, v6;
	s18 =	sadd.s32 $0x80, s18  }
0x5e: {  	s22 =	sadd.s32 $0xFFFFFFFF, s21;
	p0 =	por $0x1, $0x1;
	s21 =	simm.s32 $0x0;
	[tilespmem:v0+s20+$0x20 ss:$0x1] =	vst.idx.msk $0xffff, v7;
	v1 =	vld [tilespmem:s18+$0x30]  }
.LBB1_7:
0x5f: {  	p1 =	sne.s32 s22, $0x1;
	v6 =	vld [tilespmem:s18+$0xFFFFFFC0];
	[tilespmem:v0+s20+$0x30 ss:$0x1] =	vst.idx.msk $0xffff, v2  }
0x60: {  	v7 =	vld [tilespmem:s18+$0xFFFFFFD0];
	[tilespmem:v0+s20+$0x40 ss:$0x1] =	vst.idx.msk $0xffff, v3  }
0x61: {  	s21 =	sadd.s32 $0x80, s21;
	v8 =	vld [tilespmem:s18+$0xFFFFFFE0];
	[tilespmem:v0+s20+$0x50 ss:$0x1] =	vst.idx.msk $0xffff, v5  }
.Ltmp6:
0x62: {  	v2 =	vld [tilespmem:s18+$0xFFFFFFF0];
	[tilespmem:v0+s20+$0x60 ss:$0x1] =	vst.idx.msk $0xffff, v4;
	s20 =	sand.u32 $0x3F80, s21;
	(pc) =	sbr.rel @p1 .LBB1_7-.Ltmp6, $4  }
0x63: {  	v3 =	vld [tilespmem:s18+$0x0];
	[tilespmem:v0+s20+$0x70 ss:$0x1] =	vst.idx.msk $0xffff, v1  }
0x64: {  	[tilespmem:v0+s20+$0x0 ss:$0x1] =	vst.idx.msk $0xffff, v6;
	v5 =	vld [tilespmem:s18+$0x10]  }
0x65: {  	[tilespmem:v0+s20+$0x10 ss:$0x1] =	vst.idx.msk $0xffff, v7;
	v4 =	vld [tilespmem:s18+$0x20];
	s18 =	sadd.s32 $0x80, s18  }
0x66: {  	s22 =	sadd.s32 $0xFFFFFFFF, s22;
	v1 =	vld [tilespmem:s18+$0x30];
	[tilespmem:v0+s20+$0x20 ss:$0x1] =	vst.idx.msk $0xffff, v8  }
.Ltmp7:
0x67: {  	_ = 	snop;
	(pc) =	sbr.rel .LBB1_8-.Ltmp7, $1  }
0x68: {  	_ =	sdelay $0x3  }
.LBB1_6:
.Ltmp8:
0x69: {  	(pc) =	sbr.rel .LBB1_8-.Ltmp8, $2  }
0x6a: {  	_ =	sdelay $0x2  }
0x6b: {  	s21 =	simm.s32 $0x0  }
.LBB1_11:
0x6c: {  	_ =	sfence.sel $0x180000  }
0x6d: {  	s2 =	simm.s32 $0x1;
	[bflag:$0x0] =	sbarrier.arrive $0xFFFF  }
0x6e: {  	s31 =	simm.s32 $0x2;
	[sflag:s2] =	ssyncpa.u1 $0x1  }
0x6f: {  	[sflag:s31] =	ssyncpa.u1 $0x1  }
0x70: {  	p0 =	sne.s32 s0, $0x0;
	_ =	strace $0x90000047  }
0x71: {  	s0 =	sadd.s32 @!p0 $0x100000, s1;
	[bflag:$0x2] =	sbarrier.arrive $0xFFFF  }
0x72: {  	[sflag:s0] =	ssyncadd.tile.s32 @!p0 $0x1;
	_ =	shalt  }
.Lfunc_end1:
_tile_overlayer_lowered:
.L_overlay_start_2:
0x73: {  	(tag) =	ssettag $0x2  }
0x74: {  	s0 =	rddreg [dreg:$0x0];
	s2 =	stileid.u32  }
0x75: {  	s1 =	rddreg [dreg:$0x1];
	p0 =	sne.s32 s2, $0x0  }
0x76: {  	s3 =	rddreg [dreg:$0x2];
	[bflag:$0x3] =	sbarrier.arrive $0xFFFF;
	s2 =	simm.s32 @!p0 $0x1C01  }
0x77: {  	[timem:s3], [sflag:s2] =	dma.local @!p0 [hbm:s0], s1  }
0x78: {  	s0 =	simm.s32 @!p0 $0x1  }
0x79: {  	_ =	swait.ge @!p0 [sflag:s0], s1  }
0x7a: {  	s1 =	ssub.s32 @!p0 $0x0, s1;
	[sflag:s0] =	ssyncset.done @!p0 $0x0  }
0x7b: {  	[sflag:s0] =	ssyncadd.s32 @!p0 s1  }
0x7c: {  	[bflag:$0x3] =	sbarrier.arrive $0xFFFF  }
0x7d: {  	_ =	shalt  }

</sc_bundles>
